<compile_context>
chip_gen: v7x
topology: tpu7x:2x2x1
jax: 0.10.2.dev20260603
libtpu: 0.0.44.dev20260713+nightly
codegen_flags: <defaults>
</compile_context>

<pallas_src>
import functools

import jax
import jax.numpy as jnp
from jax import lax
from jax.experimental import pallas as pl
from jax.experimental.pallas import tpu as pltpu
from jax.experimental.pallas import tpu_sc as plsc

_NC = 2
_NS = 16
_NW = _NC * _NS
_CHUNK = 80
_LANES = 16


def _sc_pass(stream, table, src, dst, zeros, write_h):
    n_edges, feat = stream.shape
    n_nodes = table.shape[0]
    per_tile = n_edges // _NW
    chunks_per_tile = per_tile // _CHUNK
    rows_main = (n_nodes // _NS) // 8 * 8
    rows_tail = n_nodes - _NS * rows_main
    n_slices = feat // _LANES

    out_type = [jax.ShapeDtypeStruct((_NC * n_nodes, feat), jnp.float32)]
    if write_h:
        out_type.append(jax.ShapeDtypeStruct((n_edges, feat), jnp.float32))

    def body(stream_hbm, table_hbm, src_hbm, dst_hbm, zeros_hbm, *rest):
        if write_h:
            a_hbm, h_hbm, sbuf, gbuf, sidx, didx, acc = rest
        else:
            a_hbm, sbuf, gbuf, sidx, didx, acc = rest
            h_hbm = None
        cid = lax.axis_index("c")
        sid = lax.axis_index("s")
        wid = cid * _NS + sid

        pltpu.sync_copy(zeros_hbm.at[pl.ds(sid * rows_main, rows_main)],
                        acc.at[pl.ds(sid * rows_main, rows_main)])
        if rows_tail:
            @pl.when(sid == _NS - 1)
            def _tail_zero():
                pltpu.sync_copy(
                    zeros_hbm.at[pl.ds(_NS * rows_main, rows_tail)],
                    acc.at[pl.ds(_NS * rows_main, rows_tail)])
        plsc.subcore_barrier()

        base0 = wid * per_tile

        @pl.loop(0, chunks_per_tile)
        def _chunk(c):
            base = base0 + c * _CHUNK
            pltpu.sync_copy(src_hbm.at[pl.ds(base, _CHUNK)], sidx)
            pltpu.sync_copy(dst_hbm.at[pl.ds(base, _CHUNK)], didx)
            pltpu.sync_copy(stream_hbm.at[pl.ds(base, _CHUNK)], sbuf)
            pltpu.sync_copy(table_hbm.at[sidx], gbuf)

            @pl.loop(0, _CHUNK)
            def _row(r):
                for j in range(n_slices):
                    slc = (pl.ds(r, 1), pl.ds(j * _LANES, _LANES))
                    sbuf.at[*slc][...] = jnp.maximum(
                        sbuf.at[*slc][...] + gbuf.at[*slc][...], 0.0)

            if write_h:
                pltpu.sync_copy(sbuf, h_hbm.at[pl.ds(base, _CHUNK)])
            pltpu.sync_copy(sbuf, acc.at[didx], add=True)

        plsc.subcore_barrier()
        pltpu.sync_copy(
            acc.at[pl.ds(sid * rows_main, rows_main)],
            a_hbm.at[pl.ds(cid * n_nodes + sid * rows_main, rows_main)])
        if rows_tail:
            @pl.when(sid == _NS - 1)
            def _tail_out():
                pltpu.sync_copy(
                    acc.at[pl.ds(_NS * rows_main, rows_tail)],
                    a_hbm.at[pl.ds(cid * n_nodes + _NS * rows_main, rows_tail)])

    kern = pl.kernel(
        body,
        out_type=out_type,
        mesh=plsc.VectorSubcoreMesh(core_axis_name="c", subcore_axis_name="s"),
        scratch_types=[
            pltpu.VMEM((_CHUNK, feat), jnp.float32),
            pltpu.VMEM((_CHUNK, feat), jnp.float32),
            pltpu.VMEM((_CHUNK,), jnp.int32),
            pltpu.VMEM((_CHUNK,), jnp.int32),
            pltpu.VMEM_SHARED((n_nodes, feat), jnp.float32),
        ],
    )
    res = kern(stream, table, src, dst, zeros)
    if write_h:
        return res[0], res[1]
    return res[0], None


def _tc_matmul(x, w, block_rows):
    n, k = x.shape
    _, m = w.shape

    def body(x_ref, w_ref, o_ref):
        o_ref[...] = jnp.dot(x_ref[...], w_ref[...],
                             preferred_element_type=jnp.float32)

    return pl.pallas_call(
        body,
        grid=(n // block_rows,),
        in_specs=[pl.BlockSpec((block_rows, k), lambda i: (i, 0)),
                  pl.BlockSpec((k, m), lambda i: (0, 0))],
        out_specs=pl.BlockSpec((block_rows, m), lambda i: (i, 0)),
        out_shape=jax.ShapeDtypeStruct((n, m), jnp.float32),
    )(x, w)


def _tc_message(a_parts, w_h, n_nodes, block_rows):
    h = w_h.shape[0]
    nb = n_nodes // block_rows

    def body(p0_ref, p1_ref, w_ref, o_ref):
        o_ref[...] = jnp.dot(p0_ref[...] + p1_ref[...], w_ref[...],
                             preferred_element_type=jnp.float32)

    return pl.pallas_call(
        body,
        grid=(nb,),
        in_specs=[pl.BlockSpec((block_rows, h), lambda i: (i, 0)),
                  pl.BlockSpec((block_rows, h), lambda i: (i + nb, 0)),
                  pl.BlockSpec((h, h), lambda i: (0, 0))],
        out_specs=pl.BlockSpec((block_rows, h), lambda i: (i, 0)),
        out_shape=jax.ShapeDtypeStruct((n_nodes, h), jnp.float32),
    )(a_parts, a_parts, w_h)


def _tc_final(f_atoms, a_parts, w_o, ffn_w, ffn_b, block_rows):
    n, d_atom = f_atoms.shape
    h = w_o.shape[1]
    nb = n // block_rows

    def body(fa_ref, p0_ref, p1_ref, wo_ref, fw_ref, fb_ref, v_ref, r_ref):
        agg = p0_ref[...] + p1_ref[...]
        x = jnp.dot(fa_ref[...], wo_ref[0:d_atom, :],
                    preferred_element_type=jnp.float32)
        x = x + jnp.dot(agg, wo_ref[d_atom:, :],
                        preferred_element_type=jnp.float32)
        v = jnp.maximum(x, 0.0)
        v_ref[...] = v
        r_ref[...] = (jnp.dot(v, fw_ref[...], preferred_element_type=jnp.float32)
                      + fb_ref[0, 0])

    return pl.pallas_call(
        body,
        grid=(nb,),
        in_specs=[pl.BlockSpec((block_rows, d_atom), lambda i: (i, 0)),
                  pl.BlockSpec((block_rows, h), lambda i: (i, 0)),
                  pl.BlockSpec((block_rows, h), lambda i: (i + nb, 0)),
                  pl.BlockSpec((d_atom + h, h), lambda i: (0, 0)),
                  pl.BlockSpec((h, 1), lambda i: (0, 0)),
                  pl.BlockSpec((1, 1), lambda i: (0, 0))],
        out_specs=[pl.BlockSpec((block_rows, h), lambda i: (i, 0)),
                   pl.BlockSpec((block_rows, 1), lambda i: (i, 0))],
        out_shape=[jax.ShapeDtypeStruct((n, h), jnp.float32),
                   jax.ShapeDtypeStruct((n, 1), jnp.float32)],
    )(f_atoms, a_parts, a_parts, w_o, ffn_w, ffn_b)


def _tc_matvec_bias(x, w, b, block_rows):
    n, k = x.shape

    def body(x_ref, w_ref, b_ref, o_ref):
        o_ref[...] = (jnp.dot(x_ref[...], w_ref[...],
                              preferred_element_type=jnp.float32) + b_ref[0, 0])

    return pl.pallas_call(
        body,
        grid=(n // block_rows,),
        in_specs=[pl.BlockSpec((block_rows, k), lambda i: (i, 0)),
                  pl.BlockSpec((k, 1), lambda i: (0, 0)),
                  pl.BlockSpec((1, 1), lambda i: (0, 0))],
        out_specs=pl.BlockSpec((block_rows, 1), lambda i: (i, 0)),
        out_shape=jax.ShapeDtypeStruct((n, 1), jnp.float32),
    )(x, w, b)


def kernel(f_atoms, f_bonds, edge_index, t_atoms, t_bonds, W_i, W_h, W_o,
           ffn_W, ffn_b):
    n_nodes, d_atom = f_atoms.shape
    n_edges, d_bond = f_bonds.shape
    hdim = W_h.shape[0]

    src = edge_index[0]
    dst = edge_index[1]
    zeros = jnp.zeros((n_nodes, hdim), jnp.float32)
    ffn_b2 = ffn_b.reshape(1, 1)

    pa = _tc_matmul(f_atoms, W_i[:d_atom], block_rows=2000)
    pb = _tc_matmul(f_bonds, W_i[d_atom:], block_rows=4000)

    a_parts, h0 = _sc_pass(pb, pa, src, dst, zeros, write_h=True)
    m = _tc_message(a_parts, W_h, n_nodes, block_rows=2000)
    a_parts, _ = _sc_pass(h0, m, src, dst, zeros, write_h=False)
    m = _tc_message(a_parts, W_h, n_nodes, block_rows=2000)
    a_parts, _ = _sc_pass(h0, m, src, dst, zeros, write_h=False)
    m = _tc_message(a_parts, W_h, n_nodes, block_rows=2000)
    a_parts, h3 = _sc_pass(h0, m, src, dst, zeros, write_h=True)

    atoms_v, r_atoms = _tc_final(f_atoms, a_parts, W_o, ffn_W, ffn_b2,
                                 block_rows=2000)
    r_bonds = _tc_matvec_bias(h3, ffn_W, ffn_b2, block_rows=8000)

    r_all = jnp.concatenate([r_bonds, r_atoms], axis=0)
    t_all = jnp.concatenate([t_bonds, t_atoms[1:]], axis=0)
    v_all = jnp.concatenate([h3, atoms_v], axis=0)
    return (r_all, t_all, v_all)

# --- scband reference (transcript-rebuilt; emitter-appended) ---
"""Pipeline reference for scband-molecule-model-90366111908258 (READ-ONLY COPY).

The authoritative reference and input builder live on the scoring server;
editing this copy changes nothing except your own understanding.
"""

import jax, jax.numpy as jnp
import numpy as np

N = 10000
E = 320000
D_ATOM = 128
D_BOND = 16
H = 128
DEPTH = 3

def setup_inputs(seed: int = 0) -> dict:
    key = jax.random.key(seed)
    ks = jax.random.split(key, 10)
    f_atoms = jax.random.normal(ks[0], (N, D_ATOM), dtype=jnp.float32)
    f_bonds = jax.random.normal(ks[1], (E, D_BOND), dtype=jnp.float32)
    edge_index = jax.random.randint(ks[2], (2, E), 0, N, dtype=jnp.int32)
    t_atoms = jax.random.normal(ks[3], (N + 1,), dtype=jnp.float32)
    t_bonds = jax.random.normal(ks[4], (E,), dtype=jnp.float32)
    W_i = jax.random.normal(ks[5], (D_ATOM + D_BOND, H), dtype=jnp.float32) / np.sqrt(D_ATOM + D_BOND)
    W_h = jax.random.normal(ks[6], (H, H), dtype=jnp.float32) / np.sqrt(H)
    W_o = jax.random.normal(ks[7], (D_ATOM + H, H), dtype=jnp.float32) / np.sqrt(D_ATOM + H)
    ffn_W = jax.random.normal(ks[8], (H, 1), dtype=jnp.float32) / np.sqrt(H)
    ffn_b = jnp.zeros((1,), dtype=jnp.float32)
    return {
        'f_atoms': f_atoms, 'f_bonds': f_bonds, 'edge_index': edge_index,
        't_atoms': t_atoms, 't_bonds': t_bonds,
        'W_i': W_i, 'W_h': W_h, 'W_o': W_o, 'ffn_W': ffn_W, 'ffn_b': ffn_b,
    }

def reference(f_atoms, f_bonds, edge_index, t_atoms, t_bonds, W_i, W_h, W_o, ffn_W, ffn_b):
    # MPN encoder (chemprop-style bond message passing)
    src = edge_index[0]
    dst = edge_index[1]
    h0 = jax.nn.relu(jnp.concatenate([jnp.take(f_atoms, src, axis=0), f_bonds], axis=1) @ W_i)
    h = h0
    for _ in range(DEPTH):
        a = jax.ops.segment_sum(h, dst, num_segments=N)
        h = jax.nn.relu(h0 + jnp.take(a, src, axis=0) @ W_h)
    agg = jax.ops.segment_sum(h, dst, num_segments=N)
    atoms_v = jax.nn.relu(jnp.concatenate([f_atoms, agg], axis=1) @ W_o)
    bonds_v = h
    # ffn_bonds applied to both bonds and atoms (as in original forward)
    r_bonds = bonds_v @ ffn_W + ffn_b
    r_atoms = atoms_v @ ffn_W + ffn_b
    t_a = t_atoms[1:]
    t_all = jnp.concatenate([t_bonds, t_a], axis=0)
    r_all = jnp.concatenate([r_bonds, r_atoms], axis=0)
    v_all = jnp.concatenate([bonds_v, atoms_v], axis=0)
    return (r_all, t_all, v_all)

if __name__ == "__main__":
    import jax
    _d = setup_inputs()
    print(jax.jit(kernel)(*tuple(_d.values())))

</pallas_src>

<mosaic_0001>
#map = affine_map<(d0, d1) -> (0, 0)>
#map1 = affine_map<(d0, d1) -> (0)>
module attributes {stable_mosaic.version = 14 : i64} {
  func.func @body(%arg0: i32, %arg1: i32, %arg2: memref<320000x128xf32, #tpu.memory_space<hbm>>, %arg3: memref<10000x128xf32, #tpu.memory_space<hbm>>, %arg4: memref<320000xi32, #tpu.memory_space<hbm>>, %arg5: memref<320000xi32, #tpu.memory_space<hbm>>, %arg6: memref<10000x128xf32, #tpu.memory_space<hbm>>, %arg7: memref<20000x128xf32, #tpu.memory_space<hbm>>, %arg8: memref<80x128xf32, #tpu.memory_space<vmem>>, %arg9: memref<80x128xf32, #tpu.memory_space<vmem>>, %arg10: memref<80xi32, #tpu.memory_space<vmem>>, %arg11: memref<80xi32, #tpu.memory_space<vmem>>, %arg12: memref<10000x128xf32, #tpu.memory_space<vmem_shared>>) attributes {dimension_semantics = [#tpu.dimension_semantics<core_parallel>, #tpu.dimension_semantics<subcore_parallel>], iteration_bounds = array<i64: 2, 16>, scalar_prefetch = 0 : i64, scratch_operands = 5 : i64, tpu.core_type = #tpu.core_type<sc_vector_subcore>, window_params = [{transform_indices = #map}, {transform_indices = #map}, {transform_indices = #map1}, {transform_indices = #map1}, {transform_indices = #map}, {transform_indices = #map}]} {
    %mul3A = arith.constant 16 : i32
    %mul3A_0 = arith.muli %arg0, %mul3A : i32
    %add3A = arith.addi %mul3A_0, %arg1 : i32
    %mul3A_1 = arith.constant 624 : i32
    %mul3A_2 = arith.muli %arg1, %mul3A_1 : i32
    %mul3A_3 = arith.constant 624 : i32
    %mul3A_4 = arith.muli %arg1, %mul3A_3 : i32
    "tpu.region"() ({
      %run_scoped3A = tpu.sem_alloc : memref<!tpu.dma_semaphore, #tpu.memory_space<semaphore_mem>>
      %dma_start3A = arith.constant 0 : i32
      %dma_start3A_26 = tpu.memref_slice %arg12[%mul3A_4, %dma_start3A] : memref<10000x128xf32, #tpu.memory_space<vmem_shared>> -> memref<624x128xf32, #tpu.memory_space<vmem_shared>>
      %dma_start3A_27 = arith.constant 0 : i32
      %dma_start3A_28 = tpu.memref_slice %arg6[%mul3A_2, %dma_start3A_27] : memref<10000x128xf32, #tpu.memory_space<hbm>> -> memref<624x128xf32, #tpu.memory_space<hbm>>
      tpu.enqueue_dma source(%dma_start3A_28 : memref<624x128xf32, #tpu.memory_space<hbm>>) target(%dma_start3A_26 : memref<624x128xf32, #tpu.memory_space<vmem_shared>>) target_semaphore(%run_scoped3A : memref<!tpu.dma_semaphore, #tpu.memory_space<semaphore_mem>>)
      %dma_wait3A = arith.constant 0 : i32
      %dma_wait3A_29 = tpu.memref_slice %arg12[%mul3A_4, %dma_wait3A] : memref<10000x128xf32, #tpu.memory_space<vmem_shared>> -> memref<624x128xf32, #tpu.memory_space<vmem_shared>>
      %dma_wait3A_30 = arith.constant 0 : i32
      %dma_wait3A_31 = tpu.memref_slice %arg6[%mul3A_2, %dma_wait3A_30] : memref<10000x128xf32, #tpu.memory_space<hbm>> -> memref<624x128xf32, #tpu.memory_space<hbm>>
      tpu.wait_dma2 semaphore(%run_scoped3A : memref<!tpu.dma_semaphore, #tpu.memory_space<semaphore_mem>>) src(%dma_wait3A_31 : memref<624x128xf32, #tpu.memory_space<hbm>>) dst(%dma_wait3A_29 : memref<624x128xf32, #tpu.memory_space<vmem_shared>>)
      tpu.yield
    }) : () -> ()
    %eq3A = arith.constant 15 : i32
    %eq3A_5 = arith.cmpi eq, %arg1, %eq3A : i32
    %convert_element_type3A = arith.extui %eq3A_5 : i1 to i32
    %cond3A = arith.constant 0 : i32
    %cond3A_6 = arith.cmpi ne, %convert_element_type3A, %cond3A : i32
    scf.if %cond3A_6 {
      "tpu.region"() ({
        %run_scoped3A = tpu.sem_alloc : memref<!tpu.dma_semaphore, #tpu.memory_space<semaphore_mem>>
        %dma_start3A = arith.constant 9984 : i32
        %dma_start3A_26 = arith.constant 0 : i32
        %dma_start3A_27 = tpu.memref_slice %arg12[%dma_start3A, %dma_start3A_26] : memref<10000x128xf32, #tpu.memory_space<vmem_shared>> -> memref<16x128xf32, #tpu.memory_space<vmem_shared>>
        %dma_start3A_28 = arith.constant 9984 : i32
        %dma_start3A_29 = arith.constant 0 : i32
        %dma_start3A_30 = tpu.memref_slice %arg6[%dma_start3A_28, %dma_start3A_29] : memref<10000x128xf32, #tpu.memory_space<hbm>> -> memref<16x128xf32, #tpu.memory_space<hbm>>
        tpu.enqueue_dma source(%dma_start3A_30 : memref<16x128xf32, #tpu.memory_space<hbm>>) target(%dma_start3A_27 : memref<16x128xf32, #tpu.memory_space<vmem_shared>>) target_semaphore(%run_scoped3A : memref<!tpu.dma_semaphore, #tpu.memory_space<semaphore_mem>>)
        %dma_wait3A = arith.constant 9984 : i32
        %dma_wait3A_31 = arith.constant 0 : i32
        %dma_wait3A_32 = tpu.memref_slice %arg12[%dma_wait3A, %dma_wait3A_31] : memref<10000x128xf32, #tpu.memory_space<vmem_shared>> -> memref<16x128xf32, #tpu.memory_space<vmem_shared>>
        %dma_wait3A_33 = arith.constant 9984 : i32
        %dma_wait3A_34 = arith.constant 0 : i32
        %dma_wait3A_35 = tpu.memref_slice %arg6[%dma_wait3A_33, %dma_wait3A_34] : memref<10000x128xf32, #tpu.memory_space<hbm>> -> memref<16x128xf32, #tpu.memory_space<hbm>>
        tpu.wait_dma2 semaphore(%run_scoped3A : memref<!tpu.dma_semaphore, #tpu.memory_space<semaphore_mem>>) src(%dma_wait3A_35 : memref<16x128xf32, #tpu.memory_space<hbm>>) dst(%dma_wait3A_32 : memref<16x128xf32, #tpu.memory_space<vmem_shared>>)
        tpu.yield
      }) : () -> ()
    } else {
    }
    %barrier3A = arith.constant 0 : index
    tpu.barrier barrier_id(%barrier3A)
    %mul3A_7 = arith.constant 10000 : i32
    %mul3A_8 = arith.muli %add3A, %mul3A_7 : i32
    %scan3A = arith.constant 0 : i32
    %scan3A_9 = arith.constant 125 : i32
    %scan3A_10 = arith.addi %scan3A, %scan3A_9 : i32
    %scan3A_11 = arith.constant 1 : i32
    scf.for %scan3A_26 = %scan3A to %scan3A_10 step %scan3A_11  : i32 {
      %mul3A_27 = arith.constant 1 : i32
      %mul3A_28 = arith.muli %scan3A_26, %mul3A_27 : i32
      %add3A_29 = arith.constant 0 : i32
      %add3A_30 = arith.addi %add3A_29, %mul3A_28 : i32
      %mul3A_31 = arith.constant 80 : i32
      %mul3A_32 = arith.muli %add3A_30, %mul3A_31 : i32
      %add3A_33 = arith.addi %mul3A_8, %mul3A_32 : i32
      "tpu.region"() ({
        %run_scoped3A = tpu.sem_alloc : memref<!tpu.dma_semaphore, #tpu.memory_space<semaphore_mem>>
        %dma_start3A = tpu.memref_slice %arg4[%add3A_33] : memref<320000xi32, #tpu.memory_space<hbm>> -> memref<80xi32, #tpu.memory_space<hbm>>
        %dma_start3A_39 = tpu.memref_slice %arg4[%add3A_33] : memref<320000xi32, #tpu.memory_space<hbm>> -> memref<80xi32, #tpu.memory_space<hbm>>
        tpu.enqueue_dma source(%dma_start3A_39 : memref<80xi32, #tpu.memory_space<hbm>>) target(%arg10 : memref<80xi32, #tpu.memory_space<vmem>>) target_semaphore(%run_scoped3A : memref<!tpu.dma_semaphore, #tpu.memory_space<semaphore_mem>>)
        %dma_wait3A = tpu.memref_slice %arg4[%add3A_33] : memref<320000xi32, #tpu.memory_space<hbm>> -> memref<80xi32, #tpu.memory_space<hbm>>
        %dma_wait3A_40 = tpu.memref_slice %arg4[%add3A_33] : memref<320000xi32, #tpu.memory_space<hbm>> -> memref<80xi32, #tpu.memory_space<hbm>>
        tpu.wait_dma2 semaphore(%run_scoped3A : memref<!tpu.dma_semaphore, #tpu.memory_space<semaphore_mem>>) src(%dma_wait3A_40 : memref<80xi32, #tpu.memory_space<hbm>>) dst(%arg10 : memref<80xi32, #tpu.memory_space<vmem>>)
        tpu.yield
      }) : () -> ()
      "tpu.region"() ({
        %run_scoped3A = tpu.sem_alloc : memref<!tpu.dma_semaphore, #tpu.memory_space<semaphore_mem>>
        %dma_start3A = tpu.memref_slice %arg5[%add3A_33] : memref<320000xi32, #tpu.memory_space<hbm>> -> memref<80xi32, #tpu.memory_space<hbm>>
        %dma_start3A_39 = tpu.memref_slice %arg5[%add3A_33] : memref<320000xi32, #tpu.memory_space<hbm>> -> memref<80xi32, #tpu.memory_space<hbm>>
        tpu.enqueue_dma source(%dma_start3A_39 : memref<80xi32, #tpu.memory_space<hbm>>) target(%arg11 : memref<80xi32, #tpu.memory_space<vmem>>) target_semaphore(%run_scoped3A : memref<!tpu.dma_semaphore, #tpu.memory_space<semaphore_mem>>)
        %dma_wait3A = tpu.memref_slice %arg5[%add3A_33] : memref<320000xi32, #tpu.memory_space<hbm>> -> memref<80xi32, #tpu.memory_space<hbm>>
        %dma_wait3A_40 = tpu.memref_slice %arg5[%add3A_33] : memref<320000xi32, #tpu.memory_space<hbm>> -> memref<80xi32, #tpu.memory_space<hbm>>
        tpu.wait_dma2 semaphore(%run_scoped3A : memref<!tpu.dma_semaphore, #tpu.memory_space<semaphore_mem>>) src(%dma_wait3A_40 : memref<80xi32, #tpu.memory_space<hbm>>) dst(%arg11 : memref<80xi32, #tpu.memory_space<vmem>>)
        tpu.yield
      }) : () -> ()
      "tpu.region"() ({
        %run_scoped3A = tpu.sem_alloc : memref<!tpu.dma_semaphore, #tpu.memory_space<semaphore_mem>>
        %dma_start3A = arith.constant 0 : i32
        %dma_start3A_39 = tpu.memref_slice %arg2[%add3A_33, %dma_start3A] : memref<320000x128xf32, #tpu.memory_space<hbm>> -> memref<80x128xf32, #tpu.memory_space<hbm>>
        %dma_start3A_40 = arith.constant 0 : i32
        %dma_start3A_41 = tpu.memref_slice %arg2[%add3A_33, %dma_start3A_40] : memref<320000x128xf32, #tpu.memory_space<hbm>> -> memref<80x128xf32, #tpu.memory_space<hbm>>
        tpu.enqueue_dma source(%dma_start3A_41 : memref<80x128xf32, #tpu.memory_space<hbm>>) target(%arg8 : memref<80x128xf32, #tpu.memory_space<vmem>>) target_semaphore(%run_scoped3A : memref<!tpu.dma_semaphore, #tpu.memory_space<semaphore_mem>>)
        %dma_wait3A = arith.constant 0 : i32
        %dma_wait3A_42 = tpu.memref_slice %arg2[%add3A_33, %dma_wait3A] : memref<320000x128xf32, #tpu.memory_space<hbm>> -> memref<80x128xf32, #tpu.memory_space<hbm>>
        %dma_wait3A_43 = arith.constant 0 : i32
        %dma_wait3A_44 = tpu.memref_slice %arg2[%add3A_33, %dma_wait3A_43] : memref<320000x128xf32, #tpu.memory_space<hbm>> -> memref<80x128xf32, #tpu.memory_space<hbm>>
        tpu.wait_dma2 semaphore(%run_scoped3A : memref<!tpu.dma_semaphore, #tpu.memory_space<semaphore_mem>>) src(%dma_wait3A_44 : memref<80x128xf32, #tpu.memory_space<hbm>>) dst(%arg8 : memref<80x128xf32, #tpu.memory_space<vmem>>)
        tpu.yield
      }) : () -> ()
      "tpu.region"() ({
        %run_scoped3A = tpu.sem_alloc : memref<!tpu.dma_semaphore, #tpu.memory_space<semaphore_mem>>
        %dma_start3A = arith.constant 0 : i32
        %dma_start3A_39 = arith.constant 0 : i32
        %dma_start3A_40 = tpu.memref_slice %arg3[%dma_start3A, %dma_start3A_39] : memref<10000x128xf32, #tpu.memory_space<hbm>> -> memref<10000x128xf32, #tpu.memory_space<hbm>>
        tpu.enqueue_indirect_dma source(%dma_start3A_40 : memref<10000x128xf32, #tpu.memory_space<hbm>>) target(%arg9 : memref<80x128xf32, #tpu.memory_space<vmem>>) offsets(%arg10 : memref<80xi32, #tpu.memory_space<vmem>>) semaphore(%run_scoped3A : memref<!tpu.dma_semaphore, #tpu.memory_space<semaphore_mem>>)
        %dma_wait3A = arith.constant 0 : i32
        %dma_wait3A_41 = arith.constant 0 : i32
        %dma_wait3A_42 = tpu.memref_slice %arg3[%dma_wait3A, %dma_wait3A_41] : memref<10000x128xf32, #tpu.memory_space<hbm>> -> memref<10000x128xf32, #tpu.memory_space<hbm>>
        tpu.wait_indirect_dma semaphore(%run_scoped3A : memref<!tpu.dma_semaphore, #tpu.memory_space<semaphore_mem>>) src(%dma_wait3A_42 : memref<10000x128xf32, #tpu.memory_space<hbm>>) dst(%arg9 : memref<80x128xf32, #tpu.memory_space<vmem>>)
        tpu.yield
      }) : () -> ()
      %scan3A_34 = arith.constant 0 : i32
      %scan3A_35 = arith.constant 80 : i32
      %scan3A_36 = arith.addi %scan3A_34, %scan3A_35 : i32
      %scan3A_37 = arith.constant 1 : i32
      scf.for %scan3A_39 = %scan3A_34 to %scan3A_36 step %scan3A_37  : i32 {
        %mul3A_40 = arith.constant 1 : i32
        %mul3A_41 = arith.muli %scan3A_39, %mul3A_40 : i32
        %add3A_42 = arith.constant 0 : i32
        %add3A_43 = arith.addi %add3A_42, %mul3A_41 : i32
        %get3A = arith.index_cast %add3A_43 : i32 to index
        %get3A_44 = arith.constant 0 : index
        %get3A_45 = tpu.vector_load %arg8[%get3A, %get3A_44] {strides = array<i32>} : memref<80x128xf32, #tpu.memory_space<vmem>>, vector<1x16xf32>,
        %get3A_46 = vector.shape_cast %get3A_45 : vector<1x16xf32> to vector<1x16xf32>
        %get3A_47 = arith.index_cast %add3A_43 : i32 to index
        %get3A_48 = arith.constant 0 : index
        %get3A_49 = tpu.vector_load %arg9[%get3A_47, %get3A_48] {strides = array<i32>} : memref<80x128xf32, #tpu.memory_space<vmem>>, vector<1x16xf32>,
        %get3A_50 = vector.shape_cast %get3A_49 : vector<1x16xf32> to vector<1x16xf32>
        %add3A_51 = arith.addf %get3A_46, %get3A_50 : vector<1x16xf32>
        %max3A = arith.constant 0.000000e+00 : f32
        %max3A_52 = vector.broadcast %max3A : f32 to vector<1x16xf32>
        %max3A_53 = arith.maximumf %add3A_51, %max3A_52 : vector<1x16xf32>
        %swap3A = arith.index_cast %add3A_43 : i32 to index
        %swap3A_54 = arith.constant 0 : index
        %swap3A_55 = tpu.vector_load %arg8[%swap3A, %swap3A_54] {strides = array<i32>} : memref<80x128xf32, #tpu.memory_space<vmem>>, vector<1x16xf32>,
        %swap3A_56 = vector.shape_cast %swap3A_55 : vector<1x16xf32> to vector<1x16xf32>
        %swap3A_57 = vector.shape_cast %max3A_53 : vector<1x16xf32> to vector<1x16xf32>
        tpu.vector_store %arg8[%swap3A, %swap3A_54], %swap3A_57 {strides = array<i32>} : memref<80x128xf32, #tpu.memory_space<vmem>>, vector<1x16xf32>,
        %get3A_58 = arith.index_cast %add3A_43 : i32 to index
        %get3A_59 = arith.constant 16 : index
        %get3A_60 = tpu.vector_load %arg8[%get3A_58, %get3A_59] {strides = array<i32>} : memref<80x128xf32, #tpu.memory_space<vmem>>, vector<1x16xf32>,
        %get3A_61 = vector.shape_cast %get3A_60 : vector<1x16xf32> to vector<1x16xf32>
        %get3A_62 = arith.index_cast %add3A_43 : i32 to index
        %get3A_63 = arith.constant 16 : index
        %get3A_64 = tpu.vector_load %arg9[%get3A_62, %get3A_63] {strides = array<i32>} : memref<80x128xf32, #tpu.memory_space<vmem>>, vector<1x16xf32>,
        %get3A_65 = vector.shape_cast %get3A_64 : vector<1x16xf32> to vector<1x16xf32>
        %add3A_66 = arith.addf %get3A_61, %get3A_65 : vector<1x16xf32>
        %max3A_67 = arith.constant 0.000000e+00 : f32
        %max3A_68 = vector.broadcast %max3A_67 : f32 to vector<1x16xf32>
        %max3A_69 = arith.maximumf %add3A_66, %max3A_68 : vector<1x16xf32>
        %swap3A_70 = arith.index_cast %add3A_43 : i32 to index
        %swap3A_71 = arith.constant 16 : index
        %swap3A_72 = tpu.vector_load %arg8[%swap3A_70, %swap3A_71] {strides = array<i32>} : memref<80x128xf32, #tpu.memory_space<vmem>>, vector<1x16xf32>,
        %swap3A_73 = vector.shape_cast %swap3A_72 : vector<1x16xf32> to vector<1x16xf32>
        %swap3A_74 = vector.shape_cast %max3A_69 : vector<1x16xf32> to vector<1x16xf32>
        tpu.vector_store %arg8[%swap3A_70, %swap3A_71], %swap3A_74 {strides = array<i32>} : memref<80x128xf32, #tpu.memory_space<vmem>>, vector<1x16xf32>,
        %get3A_75 = arith.index_cast %add3A_43 : i32 to index
        %get3A_76 = arith.constant 32 : index
        %get3A_77 = tpu.vector_load %arg8[%get3A_75, %get3A_76] {strides = array<i32>} : memref<80x128xf32, #tpu.memory_space<vmem>>, vector<1x16xf32>,
        %get3A_78 = vector.shape_cast %get3A_77 : vector<1x16xf32> to vector<1x16xf32>
        %get3A_79 = arith.index_cast %add3A_43 : i32 to index
        %get3A_80 = arith.constant 32 : index
        %get3A_81 = tpu.vector_load %arg9[%get3A_79, %get3A_80] {strides = array<i32>} : memref<80x128xf32, #tpu.memory_space<vmem>>, vector<1x16xf32>,
        %get3A_82 = vector.shape_cast %get3A_81 : vector<1x16xf32> to vector<1x16xf32>
        %add3A_83 = arith.addf %get3A_78, %get3A_82 : vector<1x16xf32>
        %max3A_84 = arith.constant 0.000000e+00 : f32
        %max3A_85 = vector.broadcast %max3A_84 : f32 to vector<1x16xf32>
        %max3A_86 = arith.maximumf %add3A_83, %max3A_85 : vector<1x16xf32>
        %swap3A_87 = arith.index_cast %add3A_43 : i32 to index
        %swap3A_88 = arith.constant 32 : index
        %swap3A_89 = tpu.vector_load %arg8[%swap3A_87, %swap3A_88] {strides = array<i32>} : memref<80x128xf32, #tpu.memory_space<vmem>>, vector<1x16xf32>,
        %swap3A_90 = vector.shape_cast %swap3A_89 : vector<1x16xf32> to vector<1x16xf32>
        %swap3A_91 = vector.shape_cast %max3A_86 : vector<1x16xf32> to vector<1x16xf32>
        tpu.vector_store %arg8[%swap3A_87, %swap3A_88], %swap3A_91 {strides = array<i32>} : memref<80x128xf32, #tpu.memory_space<vmem>>, vector<1x16xf32>,
        %get3A_92 = arith.index_cast %add3A_43 : i32 to index
        %get3A_93 = arith.constant 48 : index
        %get3A_94 = tpu.vector_load %arg8[%get3A_92, %get3A_93] {strides = array<i32>} : memref<80x128xf32, #tpu.memory_space<vmem>>, vector<1x16xf32>,
        %get3A_95 = vector.shape_cast %get3A_94 : vector<1x16xf32> to vector<1x16xf32>
        %get3A_96 = arith.index_cast %add3A_43 : i32 to index
        %get3A_97 = arith.constant 48 : index
        %get3A_98 = tpu.vector_load %arg9[%get3A_96, %get3A_97] {strides = array<i32>} : memref<80x128xf32, #tpu.memory_space<vmem>>, vector<1x16xf32>,
        %get3A_99 = vector.shape_cast %get3A_98 : vector<1x16xf32> to vector<1x16xf32>
        %add3A_100 = arith.addf %get3A_95, %get3A_99 : vector<1x16xf32>
        %max3A_101 = arith.constant 0.000000e+00 : f32
        %max3A_102 = vector.broadcast %max3A_101 : f32 to vector<1x16xf32>
        %max3A_103 = arith.maximumf %add3A_100, %max3A_102 : vector<1x16xf32>
        %swap3A_104 = arith.index_cast %add3A_43 : i32 to index
        %swap3A_105 = arith.constant 48 : index
        %swap3A_106 = tpu.vector_load %arg8[%swap3A_104, %swap3A_105] {strides = array<i32>} : memref<80x128xf32, #tpu.memory_space<vmem>>, vector<1x16xf32>,
        %swap3A_107 = vector.shape_cast %swap3A_106 : vector<1x16xf32> to vector<1x16xf32>
        %swap3A_108 = vector.shape_cast %max3A_103 : vector<1x16xf32> to vector<1x16xf32>
        tpu.vector_store %arg8[%swap3A_104, %swap3A_105], %swap3A_108 {strides = array<i32>} : memref<80x128xf32, #tpu.memory_space<vmem>>, vector<1x16xf32>,
        %get3A_109 = arith.index_cast %add3A_43 : i32 to index
        %get3A_110 = arith.constant 64 : index
        %get3A_111 = tpu.vector_load %arg8[%get3A_109, %get3A_110] {strides = array<i32>} : memref<80x128xf32, #tpu.memory_space<vmem>>, vector<1x16xf32>,
        %get3A_112 = vector.shape_cast %get3A_111 : vector<1x16xf32> to vector<1x16xf32>
        %get3A_113 = arith.index_cast %add3A_43 : i32 to index
        %get3A_114 = arith.constant 64 : index
        %get3A_115 = tpu.vector_load %arg9[%get3A_113, %get3A_114] {strides = array<i32>} : memref<80x128xf32, #tpu.memory_space<vmem>>, vector<1x16xf32>,
        %get3A_116 = vector.shape_cast %get3A_115 : vector<1x16xf32> to vector<1x16xf32>
        %add3A_117 = arith.addf %get3A_112, %get3A_116 : vector<1x16xf32>
        %max3A_118 = arith.constant 0.000000e+00 : f32
        %max3A_119 = vector.broadcast %max3A_118 : f32 to vector<1x16xf32>
        %max3A_120 = arith.maximumf %add3A_117, %max3A_119 : vector<1x16xf32>
        %swap3A_121 = arith.index_cast %add3A_43 : i32 to index
        %swap3A_122 = arith.constant 64 : index
        %swap3A_123 = tpu.vector_load %arg8[%swap3A_121, %swap3A_122] {strides = array<i32>} : memref<80x128xf32, #tpu.memory_space<vmem>>, vector<1x16xf32>,
        %swap3A_124 = vector.shape_cast %swap3A_123 : vector<1x16xf32> to vector<1x16xf32>
        %swap3A_125 = vector.shape_cast %max3A_120 : vector<1x16xf32> to vector<1x16xf32>
        tpu.vector_store %arg8[%swap3A_121, %swap3A_122], %swap3A_125 {strides = array<i32>} : memref<80x128xf32, #tpu.memory_space<vmem>>, vector<1x16xf32>,
        %get3A_126 = arith.index_cast %add3A_43 : i32 to index
        %get3A_127 = arith.constant 80 : index
        %get3A_128 = tpu.vector_load %arg8[%get3A_126, %get3A_127] {strides = array<i32>} : memref<80x128xf32, #tpu.memory_space<vmem>>, vector<1x16xf32>,
        %get3A_129 = vector.shape_cast %get3A_128 : vector<1x16xf32> to vector<1x16xf32>
        %get3A_130 = arith.index_cast %add3A_43 : i32 to index
        %get3A_131 = arith.constant 80 : index
        %get3A_132 = tpu.vector_load %arg9[%get3A_130, %get3A_131] {strides = array<i32>} : memref<80x128xf32, #tpu.memory_space<vmem>>, vector<1x16xf32>,
        %get3A_133 = vector.shape_cast %get3A_132 : vector<1x16xf32> to vector<1x16xf32>
        %add3A_134 = arith.addf %get3A_129, %get3A_133 : vector<1x16xf32>
        %max3A_135 = arith.constant 0.000000e+00 : f32
        %max3A_136 = vector.broadcast %max3A_135 : f32 to vector<1x16xf32>
        %max3A_137 = arith.maximumf %add3A_134, %max3A_136 : vector<1x16xf32>
        %swap3A_138 = arith.index_cast %add3A_43 : i32 to index
        %swap3A_139 = arith.constant 80 : index
        %swap3A_140 = tpu.vector_load %arg8[%swap3A_138, %swap3A_139] {strides = array<i32>} : memref<80x128xf32, #tpu.memory_space<vmem>>, vector<1x16xf32>,
        %swap3A_141 = vector.shape_cast %swap3A_140 : vector<1x16xf32> to vector<1x16xf32>
        %swap3A_142 = vector.shape_cast %max3A_137 : vector<1x16xf32> to vector<1x16xf32>
        tpu.vector_store %arg8[%swap3A_138, %swap3A_139], %swap3A_142 {strides = array<i32>} : memref<80x128xf32, #tpu.memory_space<vmem>>, vector<1x16xf32>,
        %get3A_143 = arith.index_cast %add3A_43 : i32 to index
        %get3A_144 = arith.constant 96 : index
        %get3A_145 = tpu.vector_load %arg8[%get3A_143, %get3A_144] {strides = array<i32>} : memref<80x128xf32, #tpu.memory_space<vmem>>, vector<1x16xf32>,
        %get3A_146 = vector.shape_cast %get3A_145 : vector<1x16xf32> to vector<1x16xf32>
        %get3A_147 = arith.index_cast %add3A_43 : i32 to index
        %get3A_148 = arith.constant 96 : index
        %get3A_149 = tpu.vector_load %arg9[%get3A_147, %get3A_148] {strides = array<i32>} : memref<80x128xf32, #tpu.memory_space<vmem>>, vector<1x16xf32>,
        %get3A_150 = vector.shape_cast %get3A_149 : vector<1x16xf32> to vector<1x16xf32>
        %add3A_151 = arith.addf %get3A_146, %get3A_150 : vector<1x16xf32>
        %max3A_152 = arith.constant 0.000000e+00 : f32
        %max3A_153 = vector.broadcast %max3A_152 : f32 to vector<1x16xf32>
        %max3A_154 = arith.maximumf %add3A_151, %max3A_153 : vector<1x16xf32>
        %swap3A_155 = arith.index_cast %add3A_43 : i32 to index
        %swap3A_156 = arith.constant 96 : index
        %swap3A_157 = tpu.vector_load %arg8[%swap3A_155, %swap3A_156] {strides = array<i32>} : memref<80x128xf32, #tpu.memory_space<vmem>>, vector<1x16xf32>,
        %swap3A_158 = vector.shape_cast %swap3A_157 : vector<1x16xf32> to vector<1x16xf32>
        %swap3A_159 = vector.shape_cast %max3A_154 : vector<1x16xf32> to vector<1x16xf32>
        tpu.vector_store %arg8[%swap3A_155, %swap3A_156], %swap3A_159 {strides = array<i32>} : memref<80x128xf32, #tpu.memory_space<vmem>>, vector<1x16xf32>,
        %get3A_160 = arith.index_cast %add3A_43 : i32 to index
        %get3A_161 = arith.constant 112 : index
        %get3A_162 = tpu.vector_load %arg8[%get3A_160, %get3A_161] {strides = array<i32>} : memref<80x128xf32, #tpu.memory_space<vmem>>, vector<1x16xf32>,
        %get3A_163 = vector.shape_cast %get3A_162 : vector<1x16xf32> to vector<1x16xf32>
        %get3A_164 = arith.index_cast %add3A_43 : i32 to index
        %get3A_165 = arith.constant 112 : index
        %get3A_166 = tpu.vector_load %arg9[%get3A_164, %get3A_165] {strides = array<i32>} : memref<80x128xf32, #tpu.memory_space<vmem>>, vector<1x16xf32>,
        %get3A_167 = vector.shape_cast %get3A_166 : vector<1x16xf32> to vector<1x16xf32>
        %add3A_168 = arith.addf %get3A_163, %get3A_167 : vector<1x16xf32>
        %max3A_169 = arith.constant 0.000000e+00 : f32
        %max3A_170 = vector.broadcast %max3A_169 : f32 to vector<1x16xf32>
        %max3A_171 = arith.maximumf %add3A_168, %max3A_170 : vector<1x16xf32>
        %swap3A_172 = arith.index_cast %add3A_43 : i32 to index
        %swap3A_173 = arith.constant 112 : index
        %swap3A_174 = tpu.vector_load %arg8[%swap3A_172, %swap3A_173] {strides = array<i32>} : memref<80x128xf32, #tpu.memory_space<vmem>>, vector<1x16xf32>,
        %swap3A_175 = vector.shape_cast %swap3A_174 : vector<1x16xf32> to vector<1x16xf32>
        %swap3A_176 = vector.shape_cast %max3A_171 : vector<1x16xf32> to vector<1x16xf32>
        tpu.vector_store %arg8[%swap3A_172, %swap3A_173], %swap3A_176 {strides = array<i32>} : memref<80x128xf32, #tpu.memory_space<vmem>>, vector<1x16xf32>,
      }
      %scan3A_38 = arith.constant 80 : i32
      "tpu.region"() ({
        %run_scoped3A = tpu.sem_alloc : memref<!tpu.dma_semaphore, #tpu.memory_space<semaphore_mem>>
        %dma_start3A = arith.constant 0 : i32
        %dma_start3A_39 = arith.constant 0 : i32
        %dma_start3A_40 = tpu.memref_slice %arg12[%dma_start3A, %dma_start3A_39] : memref<10000x128xf32, #tpu.memory_space<vmem_shared>> -> memref<10000x128xf32, #tpu.memory_space<vmem_shared>>
        tpu.enqueue_indirect_dma source(%arg8 : memref<80x128xf32, #tpu.memory_space<vmem>>) target(%dma_start3A_40 : memref<10000x128xf32, #tpu.memory_space<vmem_shared>>) offsets(%arg11 : memref<80xi32, #tpu.memory_space<vmem>>) semaphore(%run_scoped3A : memref<!tpu.dma_semaphore, #tpu.memory_space<semaphore_mem>>) {add = true}
        %dma_wait3A = arith.constant 0 : i32
        %dma_wait3A_41 = arith.constant 0 : i32
        %dma_wait3A_42 = tpu.memref_slice %arg12[%dma_wait3A, %dma_wait3A_41] : memref<10000x128xf32, #tpu.memory_space<vmem_shared>> -> memref<10000x128xf32, #tpu.memory_space<vmem_shared>>
        tpu.wait_indirect_dma semaphore(%run_scoped3A : memref<!tpu.dma_semaphore, #tpu.memory_space<semaphore_mem>>) src(%arg8 : memref<80x128xf32, #tpu.memory_space<vmem>>) dst(%dma_wait3A_42 : memref<10000x128xf32, #tpu.memory_space<vmem_shared>>)
        tpu.yield
      }) : () -> ()
    }
    %scan3A_12 = arith.constant 125 : i32
    %barrier3A_13 = arith.constant 0 : index
    tpu.barrier barrier_id(%barrier3A_13)
    %mul3A_14 = arith.constant 624 : i32
    %mul3A_15 = arith.muli %arg1, %mul3A_14 : i32
    %mul3A_16 = arith.constant 10000 : i32
    %mul3A_17 = arith.muli %arg0, %mul3A_16 : i32
    %mul3A_18 = arith.constant 624 : i32
    %mul3A_19 = arith.muli %arg1, %mul3A_18 : i32
    %add3A_20 = arith.addi %mul3A_17, %mul3A_19 : i32
    "tpu.region"() ({
      %run_scoped3A = tpu.sem_alloc : memref<!tpu.dma_semaphore, #tpu.memory_space<semaphore_mem>>
      %dma_start3A = arith.constant 0 : i32
      %dma_start3A_26 = tpu.memref_slice %arg7[%add3A_20, %dma_start3A] : memref<20000x128xf32, #tpu.memory_space<hbm>> -> memref<624x128xf32, #tpu.memory_space<hbm>>
      %dma_start3A_27 = arith.constant 0 : i32
      %dma_start3A_28 = tpu.memref_slice %arg12[%mul3A_15, %dma_start3A_27] : memref<10000x128xf32, #tpu.memory_space<vmem_shared>> -> memref<624x128xf32, #tpu.memory_space<vmem_shared>>
      tpu.enqueue_dma source(%dma_start3A_28 : memref<624x128xf32, #tpu.memory_space<vmem_shared>>) target(%dma_start3A_26 : memref<624x128xf32, #tpu.memory_space<hbm>>) target_semaphore(%run_scoped3A : memref<!tpu.dma_semaphore, #tpu.memory_space<semaphore_mem>>)
      %dma_wait3A = arith.constant 0 : i32
      %dma_wait3A_29 = tpu.memref_slice %arg7[%add3A_20, %dma_wait3A] : memref<20000x128xf32, #tpu.memory_space<hbm>> -> memref<624x128xf32, #tpu.memory_space<hbm>>
      %dma_wait3A_30 = arith.constant 0 : i32
      %dma_wait3A_31 = tpu.memref_slice %arg12[%mul3A_15, %dma_wait3A_30] : memref<10000x128xf32, #tpu.memory_space<vmem_shared>> -> memref<624x128xf32, #tpu.memory_space<vmem_shared>>
      tpu.wait_dma2 semaphore(%run_scoped3A : memref<!tpu.dma_semaphore, #tpu.memory_space<semaphore_mem>>) src(%dma_wait3A_31 : memref<624x128xf32, #tpu.memory_space<vmem_shared>>) dst(%dma_wait3A_29 : memref<624x128xf32, #tpu.memory_space<hbm>>)
      tpu.yield
    }) : () -> ()
    %eq3A_21 = arith.constant 15 : i32
    %eq3A_22 = arith.cmpi eq, %arg1, %eq3A_21 : i32
    %convert_element_type3A_23 = arith.extui %eq3A_22 : i1 to i32
    %cond3A_24 = arith.constant 0 : i32
    %cond3A_25 = arith.cmpi ne, %convert_element_type3A_23, %cond3A_24 : i32
    scf.if %cond3A_25 {
      %mul3A_26 = arith.constant 10000 : i32
      %mul3A_27 = arith.muli %arg0, %mul3A_26 : i32
      %add3A_28 = arith.constant 9984 : i32
      %add3A_29 = arith.addi %mul3A_27, %add3A_28 : i32
      "tpu.region"() ({
        %run_scoped3A = tpu.sem_alloc : memref<!tpu.dma_semaphore, #tpu.memory_space<semaphore_mem>>
        %dma_start3A = arith.constant 0 : i32
        %dma_start3A_30 = tpu.memref_slice %arg7[%add3A_29, %dma_start3A] : memref<20000x128xf32, #tpu.memory_space<hbm>> -> memref<16x128xf32, #tpu.memory_space<hbm>>
        %dma_start3A_31 = arith.constant 9984 : i32
        %dma_start3A_32 = arith.constant 0 : i32
        %dma_start3A_33 = tpu.memref_slice %arg12[%dma_start3A_31, %dma_start3A_32] : memref<10000x128xf32, #tpu.memory_space<vmem_shared>> -> memref<16x128xf32, #tpu.memory_space<vmem_shared>>
        tpu.enqueue_dma source(%dma_start3A_33 : memref<16x128xf32, #tpu.memory_space<vmem_shared>>) target(%dma_start3A_30 : memref<16x128xf32, #tpu.memory_space<hbm>>) target_semaphore(%run_scoped3A : memref<!tpu.dma_semaphore, #tpu.memory_space<semaphore_mem>>)
        %dma_wait3A = arith.constant 0 : i32
        %dma_wait3A_34 = tpu.memref_slice %arg7[%add3A_29, %dma_wait3A] : memref<20000x128xf32, #tpu.memory_space<hbm>> -> memref<16x128xf32, #tpu.memory_space<hbm>>
        %dma_wait3A_35 = arith.constant 9984 : i32
        %dma_wait3A_36 = arith.constant 0 : i32
        %dma_wait3A_37 = tpu.memref_slice %arg12[%dma_wait3A_35, %dma_wait3A_36] : memref<10000x128xf32, #tpu.memory_space<vmem_shared>> -> memref<16x128xf32, #tpu.memory_space<vmem_shared>>
        tpu.wait_dma2 semaphore(%run_scoped3A : memref<!tpu.dma_semaphore, #tpu.memory_space<semaphore_mem>>) src(%dma_wait3A_37 : memref<16x128xf32, #tpu.memory_space<vmem_shared>>) dst(%dma_wait3A_34 : memref<16x128xf32, #tpu.memory_space<hbm>>)
        tpu.yield
      }) : () -> ()
    } else {
    }
    return
  }
}

#map = affine_map<(d0, d1) -> (0, 0)>
#map1 = affine_map<(d0, d1) -> (0)>
module attributes {stable_mosaic.version = 14 : i64} {
  func.func @body(%arg0: i32, %arg1: i32, %arg2: memref<320000x128xf32, #tpu.memory_space<hbm>>, %arg3: memref<10000x128xf32, #tpu.memory_space<hbm>>, %arg4: memref<320000xi32, #tpu.memory_space<hbm>>, %arg5: memref<320000xi32, #tpu.memory_space<hbm>>, %arg6: memref<10000x128xf32, #tpu.memory_space<hbm>>, %arg7: memref<20000x128xf32, #tpu.memory_space<hbm>>, %arg8: memref<320000x128xf32, #tpu.memory_space<hbm>>, %arg9: memref<80x128xf32, #tpu.memory_space<vmem>>, %arg10: memref<80x128xf32, #tpu.memory_space<vmem>>, %arg11: memref<80xi32, #tpu.memory_space<vmem>>, %arg12: memref<80xi32, #tpu.memory_space<vmem>>, %arg13: memref<10000x128xf32, #tpu.memory_space<vmem_shared>>) attributes {dimension_semantics = [#tpu.dimension_semantics<core_parallel>, #tpu.dimension_semantics<subcore_parallel>], iteration_bounds = array<i64: 2, 16>, scalar_prefetch = 0 : i64, scratch_operands = 5 : i64, tpu.core_type = #tpu.core_type<sc_vector_subcore>, window_params = [{transform_indices = #map}, {transform_indices = #map}, {transform_indices = #map1}, {transform_indices = #map1}, {transform_indices = #map}, {transform_indices = #map}, {transform_indices = #map}]} {
    %mul3A = arith.constant 16 : i32
    %mul3A_0 = arith.muli %arg0, %mul3A : i32
    %add3A = arith.addi %mul3A_0, %arg1 : i32
    %mul3A_1 = arith.constant 624 : i32
    %mul3A_2 = arith.muli %arg1, %mul3A_1 : i32
    %mul3A_3 = arith.constant 624 : i32
    %mul3A_4 = arith.muli %arg1, %mul3A_3 : i32
    "tpu.region"() ({
      %run_scoped3A = tpu.sem_alloc : memref<!tpu.dma_semaphore, #tpu.memory_space<semaphore_mem>>
      %dma_start3A = arith.constant 0 : i32
      %dma_start3A_26 = tpu.memref_slice %arg13[%mul3A_4, %dma_start3A] : memref<10000x128xf32, #tpu.memory_space<vmem_shared>> -> memref<624x128xf32, #tpu.memory_space<vmem_shared>>
      %dma_start3A_27 = arith.constant 0 : i32
      %dma_start3A_28 = tpu.memref_slice %arg6[%mul3A_2, %dma_start3A_27] : memref<10000x128xf32, #tpu.memory_space<hbm>> -> memref<624x128xf32, #tpu.memory_space<hbm>>
      tpu.enqueue_dma source(%dma_start3A_28 : memref<624x128xf32, #tpu.memory_space<hbm>>) target(%dma_start3A_26 : memref<624x128xf32, #tpu.memory_space<vmem_shared>>) target_semaphore(%run_scoped3A : memref<!tpu.dma_semaphore, #tpu.memory_space<semaphore_mem>>)
      %dma_wait3A = arith.constant 0 : i32
      %dma_wait3A_29 = tpu.memref_slice %arg13[%mul3A_4, %dma_wait3A] : memref<10000x128xf32, #tpu.memory_space<vmem_shared>> -> memref<624x128xf32, #tpu.memory_space<vmem_shared>>
      %dma_wait3A_30 = arith.constant 0 : i32
      %dma_wait3A_31 = tpu.memref_slice %arg6[%mul3A_2, %dma_wait3A_30] : memref<10000x128xf32, #tpu.memory_space<hbm>> -> memref<624x128xf32, #tpu.memory_space<hbm>>
      tpu.wait_dma2 semaphore(%run_scoped3A : memref<!tpu.dma_semaphore, #tpu.memory_space<semaphore_mem>>) src(%dma_wait3A_31 : memref<624x128xf32, #tpu.memory_space<hbm>>) dst(%dma_wait3A_29 : memref<624x128xf32, #tpu.memory_space<vmem_shared>>)
      tpu.yield
    }) : () -> ()
    %eq3A = arith.constant 15 : i32
    %eq3A_5 = arith.cmpi eq, %arg1, %eq3A : i32
    %convert_element_type3A = arith.extui %eq3A_5 : i1 to i32
    %cond3A = arith.constant 0 : i32
    %cond3A_6 = arith.cmpi ne, %convert_element_type3A, %cond3A : i32
    scf.if %cond3A_6 {
      "tpu.region"() ({
        %run_scoped3A = tpu.sem_alloc : memref<!tpu.dma_semaphore, #tpu.memory_space<semaphore_mem>>
        %dma_start3A = arith.constant 9984 : i32
        %dma_start3A_26 = arith.constant 0 : i32
        %dma_start3A_27 = tpu.memref_slice %arg13[%dma_start3A, %dma_start3A_26] : memref<10000x128xf32, #tpu.memory_space<vmem_shared>> -> memref<16x128xf32, #tpu.memory_space<vmem_shared>>
        %dma_start3A_28 = arith.constant 9984 : i32
        %dma_start3A_29 = arith.constant 0 : i32
        %dma_start3A_30 = tpu.memref_slice %arg6[%dma_start3A_28, %dma_start3A_29] : memref<10000x128xf32, #tpu.memory_space<hbm>> -> memref<16x128xf32, #tpu.memory_space<hbm>>
        tpu.enqueue_dma source(%dma_start3A_30 : memref<16x128xf32, #tpu.memory_space<hbm>>) target(%dma_start3A_27 : memref<16x128xf32, #tpu.memory_space<vmem_shared>>) target_semaphore(%run_scoped3A : memref<!tpu.dma_semaphore, #tpu.memory_space<semaphore_mem>>)
        %dma_wait3A = arith.constant 9984 : i32
        %dma_wait3A_31 = arith.constant 0 : i32
        %dma_wait3A_32 = tpu.memref_slice %arg13[%dma_wait3A, %dma_wait3A_31] : memref<10000x128xf32, #tpu.memory_space<vmem_shared>> -> memref<16x128xf32, #tpu.memory_space<vmem_shared>>
        %dma_wait3A_33 = arith.constant 9984 : i32
        %dma_wait3A_34 = arith.constant 0 : i32
        %dma_wait3A_35 = tpu.memref_slice %arg6[%dma_wait3A_33, %dma_wait3A_34] : memref<10000x128xf32, #tpu.memory_space<hbm>> -> memref<16x128xf32, #tpu.memory_space<hbm>>
        tpu.wait_dma2 semaphore(%run_scoped3A : memref<!tpu.dma_semaphore, #tpu.memory_space<semaphore_mem>>) src(%dma_wait3A_35 : memref<16x128xf32, #tpu.memory_space<hbm>>) dst(%dma_wait3A_32 : memref<16x128xf32, #tpu.memory_space<vmem_shared>>)
        tpu.yield
      }) : () -> ()
    } else {
    }
    %barrier3A = arith.constant 0 : index
    tpu.barrier barrier_id(%barrier3A)
    %mul3A_7 = arith.constant 10000 : i32
    %mul3A_8 = arith.muli %add3A, %mul3A_7 : i32
    %scan3A = arith.constant 0 : i32
    %scan3A_9 = arith.constant 125 : i32
    %scan3A_10 = arith.addi %scan3A, %scan3A_9 : i32
    %scan3A_11 = arith.constant 1 : i32
    scf.for %scan3A_26 = %scan3A to %scan3A_10 step %scan3A_11  : i32 {
      %mul3A_27 = arith.constant 1 : i32
      %mul3A_28 = arith.muli %scan3A_26, %mul3A_27 : i32
      %add3A_29 = arith.constant 0 : i32
      %add3A_30 = arith.addi %add3A_29, %mul3A_28 : i32
      %mul3A_31 = arith.constant 80 : i32
      %mul3A_32 = arith.muli %add3A_30, %mul3A_31 : i32
      %add3A_33 = arith.addi %mul3A_8, %mul3A_32 : i32
      "tpu.region"() ({
        %run_scoped3A = tpu.sem_alloc : memref<!tpu.dma_semaphore, #tpu.memory_space<semaphore_mem>>
        %dma_start3A = tpu.memref_slice %arg4[%add3A_33] : memref<320000xi32, #tpu.memory_space<hbm>> -> memref<80xi32, #tpu.memory_space<hbm>>
        %dma_start3A_39 = tpu.memref_slice %arg4[%add3A_33] : memref<320000xi32, #tpu.memory_space<hbm>> -> memref<80xi32, #tpu.memory_space<hbm>>
        tpu.enqueue_dma source(%dma_start3A_39 : memref<80xi32, #tpu.memory_space<hbm>>) target(%arg11 : memref<80xi32, #tpu.memory_space<vmem>>) target_semaphore(%run_scoped3A : memref<!tpu.dma_semaphore, #tpu.memory_space<semaphore_mem>>)
        %dma_wait3A = tpu.memref_slice %arg4[%add3A_33] : memref<320000xi32, #tpu.memory_space<hbm>> -> memref<80xi32, #tpu.memory_space<hbm>>
        %dma_wait3A_40 = tpu.memref_slice %arg4[%add3A_33] : memref<320000xi32, #tpu.memory_space<hbm>> -> memref<80xi32, #tpu.memory_space<hbm>>
        tpu.wait_dma2 semaphore(%run_scoped3A : memref<!tpu.dma_semaphore, #tpu.memory_space<semaphore_mem>>) src(%dma_wait3A_40 : memref<80xi32, #tpu.memory_space<hbm>>) dst(%arg11 : memref<80xi32, #tpu.memory_space<vmem>>)
        tpu.yield
      }) : () -> ()
      "tpu.region"() ({
        %run_scoped3A = tpu.sem_alloc : memref<!tpu.dma_semaphore, #tpu.memory_space<semaphore_mem>>
        %dma_start3A = tpu.memref_slice %arg5[%add3A_33] : memref<320000xi32, #tpu.memory_space<hbm>> -> memref<80xi32, #tpu.memory_space<hbm>>
        %dma_start3A_39 = tpu.memref_slice %arg5[%add3A_33] : memref<320000xi32, #tpu.memory_space<hbm>> -> memref<80xi32, #tpu.memory_space<hbm>>
        tpu.enqueue_dma source(%dma_start3A_39 : memref<80xi32, #tpu.memory_space<hbm>>) target(%arg12 : memref<80xi32, #tpu.memory_space<vmem>>) target_semaphore(%run_scoped3A : memref<!tpu.dma_semaphore, #tpu.memory_space<semaphore_mem>>)
        %dma_wait3A = tpu.memref_slice %arg5[%add3A_33] : memref<320000xi32, #tpu.memory_space<hbm>> -> memref<80xi32, #tpu.memory_space<hbm>>
        %dma_wait3A_40 = tpu.memref_slice %arg5[%add3A_33] : memref<320000xi32, #tpu.memory_space<hbm>> -> memref<80xi32, #tpu.memory_space<hbm>>
        tpu.wait_dma2 semaphore(%run_scoped3A : memref<!tpu.dma_semaphore, #tpu.memory_space<semaphore_mem>>) src(%dma_wait3A_40 : memref<80xi32, #tpu.memory_space<hbm>>) dst(%arg12 : memref<80xi32, #tpu.memory_space<vmem>>)
        tpu.yield
      }) : () -> ()
      "tpu.region"() ({
        %run_scoped3A = tpu.sem_alloc : memref<!tpu.dma_semaphore, #tpu.memory_space<semaphore_mem>>
        %dma_start3A = arith.constant 0 : i32
        %dma_start3A_39 = tpu.memref_slice %arg2[%add3A_33, %dma_start3A] : memref<320000x128xf32, #tpu.memory_space<hbm>> -> memref<80x128xf32, #tpu.memory_space<hbm>>
        %dma_start3A_40 = arith.constant 0 : i32
        %dma_start3A_41 = tpu.memref_slice %arg2[%add3A_33, %dma_start3A_40] : memref<320000x128xf32, #tpu.memory_space<hbm>> -> memref<80x128xf32, #tpu.memory_space<hbm>>
        tpu.enqueue_dma source(%dma_start3A_41 : memref<80x128xf32, #tpu.memory_space<hbm>>) target(%arg9 : memref<80x128xf32, #tpu.memory_space<vmem>>) target_semaphore(%run_scoped3A : memref<!tpu.dma_semaphore, #tpu.memory_space<semaphore_mem>>)
        %dma_wait3A = arith.constant 0 : i32
        %dma_wait3A_42 = tpu.memref_slice %arg2[%add3A_33, %dma_wait3A] : memref<320000x128xf32, #tpu.memory_space<hbm>> -> memref<80x128xf32, #tpu.memory_space<hbm>>
        %dma_wait3A_43 = arith.constant 0 : i32
        %dma_wait3A_44 = tpu.memref_slice %arg2[%add3A_33, %dma_wait3A_43] : memref<320000x128xf32, #tpu.memory_space<hbm>> -> memref<80x128xf32, #tpu.memory_space<hbm>>
        tpu.wait_dma2 semaphore(%run_scoped3A : memref<!tpu.dma_semaphore, #tpu.memory_space<semaphore_mem>>) src(%dma_wait3A_44 : memref<80x128xf32, #tpu.memory_space<hbm>>) dst(%arg9 : memref<80x128xf32, #tpu.memory_space<vmem>>)
        tpu.yield
      }) : () -> ()
      "tpu.region"() ({
        %run_scoped3A = tpu.sem_alloc : memref<!tpu.dma_semaphore, #tpu.memory_space<semaphore_mem>>
        %dma_start3A = arith.constant 0 : i32
        %dma_start3A_39 = arith.constant 0 : i32
        %dma_start3A_40 = tpu.memref_slice %arg3[%dma_start3A, %dma_start3A_39] : memref<10000x128xf32, #tpu.memory_space<hbm>> -> memref<10000x128xf32, #tpu.memory_space<hbm>>
        tpu.enqueue_indirect_dma source(%dma_start3A_40 : memref<10000x128xf32, #tpu.memory_space<hbm>>) target(%arg10 : memref<80x128xf32, #tpu.memory_space<vmem>>) offsets(%arg11 : memref<80xi32, #tpu.memory_space<vmem>>) semaphore(%run_scoped3A : memref<!tpu.dma_semaphore, #tpu.memory_space<semaphore_mem>>)
        %dma_wait3A = arith.constant 0 : i32
        %dma_wait3A_41 = arith.constant 0 : i32
        %dma_wait3A_42 = tpu.memref_slice %arg3[%dma_wait3A, %dma_wait3A_41] : memref<10000x128xf32, #tpu.memory_space<hbm>> -> memref<10000x128xf32, #tpu.memory_space<hbm>>
        tpu.wait_indirect_dma semaphore(%run_scoped3A : memref<!tpu.dma_semaphore, #tpu.memory_space<semaphore_mem>>) src(%dma_wait3A_42 : memref<10000x128xf32, #tpu.memory_space<hbm>>) dst(%arg10 : memref<80x128xf32, #tpu.memory_space<vmem>>)
        tpu.yield
      }) : () -> ()
      %scan3A_34 = arith.constant 0 : i32
      %scan3A_35 = arith.constant 80 : i32
      %scan3A_36 = arith.addi %scan3A_34, %scan3A_35 : i32
      %scan3A_37 = arith.constant 1 : i32
      scf.for %scan3A_39 = %scan3A_34 to %scan3A_36 step %scan3A_37  : i32 {
        %mul3A_40 = arith.constant 1 : i32
        %mul3A_41 = arith.muli %scan3A_39, %mul3A_40 : i32
        %add3A_42 = arith.constant 0 : i32
        %add3A_43 = arith.addi %add3A_42, %mul3A_41 : i32
        %get3A = arith.index_cast %add3A_43 : i32 to index
        %get3A_44 = arith.constant 0 : index
        %get3A_45 = tpu.vector_load %arg9[%get3A, %get3A_44] {strides = array<i32>} : memref<80x128xf32, #tpu.memory_space<vmem>>, vector<1x16xf32>,
        %get3A_46 = vector.shape_cast %get3A_45 : vector<1x16xf32> to vector<1x16xf32>
        %get3A_47 = arith.index_cast %add3A_43 : i32 to index
        %get3A_48 = arith.constant 0 : index
        %get3A_49 = tpu.vector_load %arg10[%get3A_47, %get3A_48] {strides = array<i32>} : memref<80x128xf32, #tpu.memory_space<vmem>>, vector<1x16xf32>,
        %get3A_50 = vector.shape_cast %get3A_49 : vector<1x16xf32> to vector<1x16xf32>
        %add3A_51 = arith.addf %get3A_46, %get3A_50 : vector<1x16xf32>
        %max3A = arith.constant 0.000000e+00 : f32
        %max3A_52 = vector.broadcast %max3A : f32 to vector<1x16xf32>
        %max3A_53 = arith.maximumf %add3A_51, %max3A_52 : vector<1x16xf32>
        %swap3A = arith.index_cast %add3A_43 : i32 to index
        %swap3A_54 = arith.constant 0 : index
        %swap3A_55 = tpu.vector_load %arg9[%swap3A, %swap3A_54] {strides = array<i32>} : memref<80x128xf32, #tpu.memory_space<vmem>>, vector<1x16xf32>,
        %swap3A_56 = vector.shape_cast %swap3A_55 : vector<1x16xf32> to vector<1x16xf32>
        %swap3A_57 = vector.shape_cast %max3A_53 : vector<1x16xf32> to vector<1x16xf32>
        tpu.vector_store %arg9[%swap3A, %swap3A_54], %swap3A_57 {strides = array<i32>} : memref<80x128xf32, #tpu.memory_space<vmem>>, vector<1x16xf32>,
        %get3A_58 = arith.index_cast %add3A_43 : i32 to index
        %get3A_59 = arith.constant 16 : index
        %get3A_60 = tpu.vector_load %arg9[%get3A_58, %get3A_59] {strides = array<i32>} : memref<80x128xf32, #tpu.memory_space<vmem>>, vector<1x16xf32>,
        %get3A_61 = vector.shape_cast %get3A_60 : vector<1x16xf32> to vector<1x16xf32>
        %get3A_62 = arith.index_cast %add3A_43 : i32 to index
        %get3A_63 = arith.constant 16 : index
        %get3A_64 = tpu.vector_load %arg10[%get3A_62, %get3A_63] {strides = array<i32>} : memref<80x128xf32, #tpu.memory_space<vmem>>, vector<1x16xf32>,
        %get3A_65 = vector.shape_cast %get3A_64 : vector<1x16xf32> to vector<1x16xf32>
        %add3A_66 = arith.addf %get3A_61, %get3A_65 : vector<1x16xf32>
        %max3A_67 = arith.constant 0.000000e+00 : f32
        %max3A_68 = vector.broadcast %max3A_67 : f32 to vector<1x16xf32>
        %max3A_69 = arith.maximumf %add3A_66, %max3A_68 : vector<1x16xf32>
        %swap3A_70 = arith.index_cast %add3A_43 : i32 to index
        %swap3A_71 = arith.constant 16 : index
        %swap3A_72 = tpu.vector_load %arg9[%swap3A_70, %swap3A_71] {strides = array<i32>} : memref<80x128xf32, #tpu.memory_space<vmem>>, vector<1x16xf32>,
        %swap3A_73 = vector.shape_cast %swap3A_72 : vector<1x16xf32> to vector<1x16xf32>
        %swap3A_74 = vector.shape_cast %max3A_69 : vector<1x16xf32> to vector<1x16xf32>
        tpu.vector_store %arg9[%swap3A_70, %swap3A_71], %swap3A_74 {strides = array<i32>} : memref<80x128xf32, #tpu.memory_space<vmem>>, vector<1x16xf32>,
        %get3A_75 = arith.index_cast %add3A_43 : i32 to index
        %get3A_76 = arith.constant 32 : index
        %get3A_77 = tpu.vector_load %arg9[%get3A_75, %get3A_76] {strides = array<i32>} : memref<80x128xf32, #tpu.memory_space<vmem>>, vector<1x16xf32>,
        %get3A_78 = vector.shape_cast %get3A_77 : vector<1x16xf32> to vector<1x16xf32>
        %get3A_79 = arith.index_cast %add3A_43 : i32 to index
        %get3A_80 = arith.constant 32 : index
        %get3A_81 = tpu.vector_load %arg10[%get3A_79, %get3A_80] {strides = array<i32>} : memref<80x128xf32, #tpu.memory_space<vmem>>, vector<1x16xf32>,
        %get3A_82 = vector.shape_cast %get3A_81 : vector<1x16xf32> to vector<1x16xf32>
        %add3A_83 = arith.addf %get3A_78, %get3A_82 : vector<1x16xf32>
        %max3A_84 = arith.constant 0.000000e+00 : f32
        %max3A_85 = vector.broadcast %max3A_84 : f32 to vector<1x16xf32>
        %max3A_86 = arith.maximumf %add3A_83, %max3A_85 : vector<1x16xf32>
        %swap3A_87 = arith.index_cast %add3A_43 : i32 to index
        %swap3A_88 = arith.constant 32 : index
        %swap3A_89 = tpu.vector_load %arg9[%swap3A_87, %swap3A_88] {strides = array<i32>} : memref<80x128xf32, #tpu.memory_space<vmem>>, vector<1x16xf32>,
        %swap3A_90 = vector.shape_cast %swap3A_89 : vector<1x16xf32> to vector<1x16xf32>
        %swap3A_91 = vector.shape_cast %max3A_86 : vector<1x16xf32> to vector<1x16xf32>
        tpu.vector_store %arg9[%swap3A_87, %swap3A_88], %swap3A_91 {strides = array<i32>} : memref<80x128xf32, #tpu.memory_space<vmem>>, vector<1x16xf32>,
        %get3A_92 = arith.index_cast %add3A_43 : i32 to index
        %get3A_93 = arith.constant 48 : index
        %get3A_94 = tpu.vector_load %arg9[%get3A_92, %get3A_93] {strides = array<i32>} : memref<80x128xf32, #tpu.memory_space<vmem>>, vector<1x16xf32>,
        %get3A_95 = vector.shape_cast %get3A_94 : vector<1x16xf32> to vector<1x16xf32>
        %get3A_96 = arith.index_cast %add3A_43 : i32 to index
        %get3A_97 = arith.constant 48 : index
        %get3A_98 = tpu.vector_load %arg10[%get3A_96, %get3A_97] {strides = array<i32>} : memref<80x128xf32, #tpu.memory_space<vmem>>, vector<1x16xf32>,
        %get3A_99 = vector.shape_cast %get3A_98 : vector<1x16xf32> to vector<1x16xf32>
        %add3A_100 = arith.addf %get3A_95, %get3A_99 : vector<1x16xf32>
        %max3A_101 = arith.constant 0.000000e+00 : f32
        %max3A_102 = vector.broadcast %max3A_101 : f32 to vector<1x16xf32>
        %max3A_103 = arith.maximumf %add3A_100, %max3A_102 : vector<1x16xf32>
        %swap3A_104 = arith.index_cast %add3A_43 : i32 to index
        %swap3A_105 = arith.constant 48 : index
        %swap3A_106 = tpu.vector_load %arg9[%swap3A_104, %swap3A_105] {strides = array<i32>} : memref<80x128xf32, #tpu.memory_space<vmem>>, vector<1x16xf32>,
        %swap3A_107 = vector.shape_cast %swap3A_106 : vector<1x16xf32> to vector<1x16xf32>
        %swap3A_108 = vector.shape_cast %max3A_103 : vector<1x16xf32> to vector<1x16xf32>
        tpu.vector_store %arg9[%swap3A_104, %swap3A_105], %swap3A_108 {strides = array<i32>} : memref<80x128xf32, #tpu.memory_space<vmem>>, vector<1x16xf32>,
        %get3A_109 = arith.index_cast %add3A_43 : i32 to index
        %get3A_110 = arith.constant 64 : index
        %get3A_111 = tpu.vector_load %arg9[%get3A_109, %get3A_110] {strides = array<i32>} : memref<80x128xf32, #tpu.memory_space<vmem>>, vector<1x16xf32>,
        %get3A_112 = vector.shape_cast %get3A_111 : vector<1x16xf32> to vector<1x16xf32>
        %get3A_113 = arith.index_cast %add3A_43 : i32 to index
        %get3A_114 = arith.constant 64 : index
        %get3A_115 = tpu.vector_load %arg10[%get3A_113, %get3A_114] {strides = array<i32>} : memref<80x128xf32, #tpu.memory_space<vmem>>, vector<1x16xf32>,
        %get3A_116 = vector.shape_cast %get3A_115 : vector<1x16xf32> to vector<1x16xf32>
        %add3A_117 = arith.addf %get3A_112, %get3A_116 : vector<1x16xf32>
        %max3A_118 = arith.constant 0.000000e+00 : f32
        %max3A_119 = vector.broadcast %max3A_118 : f32 to vector<1x16xf32>
        %max3A_120 = arith.maximumf %add3A_117, %max3A_119 : vector<1x16xf32>
        %swap3A_121 = arith.index_cast %add3A_43 : i32 to index
        %swap3A_122 = arith.constant 64 : index
        %swap3A_123 = tpu.vector_load %arg9[%swap3A_121, %swap3A_122] {strides = array<i32>} : memref<80x128xf32, #tpu.memory_space<vmem>>, vector<1x16xf32>,
        %swap3A_124 = vector.shape_cast %swap3A_123 : vector<1x16xf32> to vector<1x16xf32>
        %swap3A_125 = vector.shape_cast %max3A_120 : vector<1x16xf32> to vector<1x16xf32>
        tpu.vector_store %arg9[%swap3A_121, %swap3A_122], %swap3A_125 {strides = array<i32>} : memref<80x128xf32, #tpu.memory_space<vmem>>, vector<1x16xf32>,
        %get3A_126 = arith.index_cast %add3A_43 : i32 to index
        %get3A_127 = arith.constant 80 : index
        %get3A_128 = tpu.vector_load %arg9[%get3A_126, %get3A_127] {strides = array<i32>} : memref<80x128xf32, #tpu.memory_space<vmem>>, vector<1x16xf32>,
        %get3A_129 = vector.shape_cast %get3A_128 : vector<1x16xf32> to vector<1x16xf32>
        %get3A_130 = arith.index_cast %add3A_43 : i32 to index
        %get3A_131 = arith.constant 80 : index
        %get3A_132 = tpu.vector_load %arg10[%get3A_130, %get3A_131] {strides = array<i32>} : memref<80x128xf32, #tpu.memory_space<vmem>>, vector<1x16xf32>,
        %get3A_133 = vector.shape_cast %get3A_132 : vector<1x16xf32> to vector<1x16xf32>
        %add3A_134 = arith.addf %get3A_129, %get3A_133 : vector<1x16xf32>
        %max3A_135 = arith.constant 0.000000e+00 : f32
        %max3A_136 = vector.broadcast %max3A_135 : f32 to vector<1x16xf32>
        %max3A_137 = arith.maximumf %add3A_134, %max3A_136 : vector<1x16xf32>
        %swap3A_138 = arith.index_cast %add3A_43 : i32 to index
        %swap3A_139 = arith.constant 80 : index
        %swap3A_140 = tpu.vector_load %arg9[%swap3A_138, %swap3A_139] {strides = array<i32>} : memref<80x128xf32, #tpu.memory_space<vmem>>, vector<1x16xf32>,
        %swap3A_141 = vector.shape_cast %swap3A_140 : vector<1x16xf32> to vector<1x16xf32>
        %swap3A_142 = vector.shape_cast %max3A_137 : vector<1x16xf32> to vector<1x16xf32>
        tpu.vector_store %arg9[%swap3A_138, %swap3A_139], %swap3A_142 {strides = array<i32>} : memref<80x128xf32, #tpu.memory_space<vmem>>, vector<1x16xf32>,
        %get3A_143 = arith.index_cast %add3A_43 : i32 to index
        %get3A_144 = arith.constant 96 : index
        %get3A_145 = tpu.vector_load %arg9[%get3A_143, %get3A_144] {strides = array<i32>} : memref<80x128xf32, #tpu.memory_space<vmem>>, vector<1x16xf32>,
        %get3A_146 = vector.shape_cast %get3A_145 : vector<1x16xf32> to vector<1x16xf32>
        %get3A_147 = arith.index_cast %add3A_43 : i32 to index
        %get3A_148 = arith.constant 96 : index
        %get3A_149 = tpu.vector_load %arg10[%get3A_147, %get3A_148] {strides = array<i32>} : memref<80x128xf32, #tpu.memory_space<vmem>>, vector<1x16xf32>,
        %get3A_150 = vector.shape_cast %get3A_149 : vector<1x16xf32> to vector<1x16xf32>
        %add3A_151 = arith.addf %get3A_146, %get3A_150 : vector<1x16xf32>
        %max3A_152 = arith.constant 0.000000e+00 : f32
        %max3A_153 = vector.broadcast %max3A_152 : f32 to vector<1x16xf32>
        %max3A_154 = arith.maximumf %add3A_151, %max3A_153 : vector<1x16xf32>
        %swap3A_155 = arith.index_cast %add3A_43 : i32 to index
        %swap3A_156 = arith.constant 96 : index
        %swap3A_157 = tpu.vector_load %arg9[%swap3A_155, %swap3A_156] {strides = array<i32>} : memref<80x128xf32, #tpu.memory_space<vmem>>, vector<1x16xf32>,
        %swap3A_158 = vector.shape_cast %swap3A_157 : vector<1x16xf32> to vector<1x16xf32>
        %swap3A_159 = vector.shape_cast %max3A_154 : vector<1x16xf32> to vector<1x16xf32>
        tpu.vector_store %arg9[%swap3A_155, %swap3A_156], %swap3A_159 {strides = array<i32>} : memref<80x128xf32, #tpu.memory_space<vmem>>, vector<1x16xf32>,
        %get3A_160 = arith.index_cast %add3A_43 : i32 to index
        %get3A_161 = arith.constant 112 : index
        %get3A_162 = tpu.vector_load %arg9[%get3A_160, %get3A_161] {strides = array<i32>} : memref<80x128xf32, #tpu.memory_space<vmem>>, vector<1x16xf32>,
        %get3A_163 = vector.shape_cast %get3A_162 : vector<1x16xf32> to vector<1x16xf32>
        %get3A_164 = arith.index_cast %add3A_43 : i32 to index
        %get3A_165 = arith.constant 112 : index
        %get3A_166 = tpu.vector_load %arg10[%get3A_164, %get3A_165] {strides = array<i32>} : memref<80x128xf32, #tpu.memory_space<vmem>>, vector<1x16xf32>,
        %get3A_167 = vector.shape_cast %get3A_166 : vector<1x16xf32> to vector<1x16xf32>
        %add3A_168 = arith.addf %get3A_163, %get3A_167 : vector<1x16xf32>
        %max3A_169 = arith.constant 0.000000e+00 : f32
        %max3A_170 = vector.broadcast %max3A_169 : f32 to vector<1x16xf32>
        %max3A_171 = arith.maximumf %add3A_168, %max3A_170 : vector<1x16xf32>
        %swap3A_172 = arith.index_cast %add3A_43 : i32 to index
        %swap3A_173 = arith.constant 112 : index
        %swap3A_174 = tpu.vector_load %arg9[%swap3A_172, %swap3A_173] {strides = array<i32>} : memref<80x128xf32, #tpu.memory_space<vmem>>, vector<1x16xf32>,
        %swap3A_175 = vector.shape_cast %swap3A_174 : vector<1x16xf32> to vector<1x16xf32>
        %swap3A_176 = vector.shape_cast %max3A_171 : vector<1x16xf32> to vector<1x16xf32>
        tpu.vector_store %arg9[%swap3A_172, %swap3A_173], %swap3A_176 {strides = array<i32>} : memref<80x128xf32, #tpu.memory_space<vmem>>, vector<1x16xf32>,
      }
      %scan3A_38 = arith.constant 80 : i32
      "tpu.region"() ({
        %run_scoped3A = tpu.sem_alloc : memref<!tpu.dma_semaphore, #tpu.memory_space<semaphore_mem>>
        %dma_start3A = arith.constant 0 : i32
        %dma_start3A_39 = tpu.memref_slice %arg8[%add3A_33, %dma_start3A] : memref<320000x128xf32, #tpu.memory_space<hbm>> -> memref<80x128xf32, #tpu.memory_space<hbm>>
        %dma_start3A_40 = arith.constant 0 : i32
        %dma_start3A_41 = tpu.memref_slice %arg8[%add3A_33, %dma_start3A_40] : memref<320000x128xf32, #tpu.memory_space<hbm>> -> memref<80x128xf32, #tpu.memory_space<hbm>>
        tpu.enqueue_dma source(%arg9 : memref<80x128xf32, #tpu.memory_space<vmem>>) target(%dma_start3A_41 : memref<80x128xf32, #tpu.memory_space<hbm>>) target_semaphore(%run_scoped3A : memref<!tpu.dma_semaphore, #tpu.memory_space<semaphore_mem>>)
        %dma_wait3A = arith.constant 0 : i32
        %dma_wait3A_42 = tpu.memref_slice %arg8[%add3A_33, %dma_wait3A] : memref<320000x128xf32, #tpu.memory_space<hbm>> -> memref<80x128xf32, #tpu.memory_space<hbm>>
        %dma_wait3A_43 = arith.constant 0 : i32
        %dma_wait3A_44 = tpu.memref_slice %arg8[%add3A_33, %dma_wait3A_43] : memref<320000x128xf32, #tpu.memory_space<hbm>> -> memref<80x128xf32, #tpu.memory_space<hbm>>
        tpu.wait_dma2 semaphore(%run_scoped3A : memref<!tpu.dma_semaphore, #tpu.memory_space<semaphore_mem>>) src(%arg9 : memref<80x128xf32, #tpu.memory_space<vmem>>) dst(%dma_wait3A_44 : memref<80x128xf32, #tpu.memory_space<hbm>>)
        tpu.yield
      }) : () -> ()
      "tpu.region"() ({
        %run_scoped3A = tpu.sem_alloc : memref<!tpu.dma_semaphore, #tpu.memory_space<semaphore_mem>>
        %dma_start3A = arith.constant 0 : i32
        %dma_start3A_39 = arith.constant 0 : i32
        %dma_start3A_40 = tpu.memref_slice %arg13[%dma_start3A, %dma_start3A_39] : memref<10000x128xf32, #tpu.memory_space<vmem_shared>> -> memref<10000x128xf32, #tpu.memory_space<vmem_shared>>
        tpu.enqueue_indirect_dma source(%arg9 : memref<80x128xf32, #tpu.memory_space<vmem>>) target(%dma_start3A_40 : memref<10000x128xf32, #tpu.memory_space<vmem_shared>>) offsets(%arg12 : memref<80xi32, #tpu.memory_space<vmem>>) semaphore(%run_scoped3A : memref<!tpu.dma_semaphore, #tpu.memory_space<semaphore_mem>>) {add = true}
        %dma_wait3A = arith.constant 0 : i32
        %dma_wait3A_41 = arith.constant 0 : i32
        %dma_wait3A_42 = tpu.memref_slice %arg13[%dma_wait3A, %dma_wait3A_41] : memref<10000x128xf32, #tpu.memory_space<vmem_shared>> -> memref<10000x128xf32, #tpu.memory_space<vmem_shared>>
        tpu.wait_indirect_dma semaphore(%run_scoped3A : memref<!tpu.dma_semaphore, #tpu.memory_space<semaphore_mem>>) src(%arg9 : memref<80x128xf32, #tpu.memory_space<vmem>>) dst(%dma_wait3A_42 : memref<10000x128xf32, #tpu.memory_space<vmem_shared>>)
        tpu.yield
      }) : () -> ()
    }
    %scan3A_12 = arith.constant 125 : i32
    %barrier3A_13 = arith.constant 0 : index
    tpu.barrier barrier_id(%barrier3A_13)
    %mul3A_14 = arith.constant 624 : i32
    %mul3A_15 = arith.muli %arg1, %mul3A_14 : i32
    %mul3A_16 = arith.constant 10000 : i32
    %mul3A_17 = arith.muli %arg0, %mul3A_16 : i32
    %mul3A_18 = arith.constant 624 : i32
    %mul3A_19 = arith.muli %arg1, %mul3A_18 : i32
    %add3A_20 = arith.addi %mul3A_17, %mul3A_19 : i32
    "tpu.region"() ({
      %run_scoped3A = tpu.sem_alloc : memref<!tpu.dma_semaphore, #tpu.memory_space<semaphore_mem>>
      %dma_start3A = arith.constant 0 : i32
      %dma_start3A_26 = tpu.memref_slice %arg7[%add3A_20, %dma_start3A] : memref<20000x128xf32, #tpu.memory_space<hbm>> -> memref<624x128xf32, #tpu.memory_space<hbm>>
      %dma_start3A_27 = arith.constant 0 : i32
      %dma_start3A_28 = tpu.memref_slice %arg13[%mul3A_15, %dma_start3A_27] : memref<10000x128xf32, #tpu.memory_space<vmem_shared>> -> memref<624x128xf32, #tpu.memory_space<vmem_shared>>
      tpu.enqueue_dma source(%dma_start3A_28 : memref<624x128xf32, #tpu.memory_space<vmem_shared>>) target(%dma_start3A_26 : memref<624x128xf32, #tpu.memory_space<hbm>>) target_semaphore(%run_scoped3A : memref<!tpu.dma_semaphore, #tpu.memory_space<semaphore_mem>>)
      %dma_wait3A = arith.constant 0 : i32
      %dma_wait3A_29 = tpu.memref_slice %arg7[%add3A_20, %dma_wait3A] : memref<20000x128xf32, #tpu.memory_space<hbm>> -> memref<624x128xf32, #tpu.memory_space<hbm>>
      %dma_wait3A_30 = arith.constant 0 : i32
      %dma_wait3A_31 = tpu.memref_slice %arg13[%mul3A_15, %dma_wait3A_30] : memref<10000x128xf32, #tpu.memory_space<vmem_shared>> -> memref<624x128xf32, #tpu.memory_space<vmem_shared>>
      tpu.wait_dma2 semaphore(%run_scoped3A : memref<!tpu.dma_semaphore, #tpu.memory_space<semaphore_mem>>) src(%dma_wait3A_31 : memref<624x128xf32, #tpu.memory_space<vmem_shared>>) dst(%dma_wait3A_29 : memref<624x128xf32, #tpu.memory_space<hbm>>)
      tpu.yield
    }) : () -> ()
    %eq3A_21 = arith.constant 15 : i32
    %eq3A_22 = arith.cmpi eq, %arg1, %eq3A_21 : i32
    %convert_element_type3A_23 = arith.extui %eq3A_22 : i1 to i32
    %cond3A_24 = arith.constant 0 : i32
    %cond3A_25 = arith.cmpi ne, %convert_element_type3A_23, %cond3A_24 : i32
    scf.if %cond3A_25 {
      %mul3A_26 = arith.constant 10000 : i32
      %mul3A_27 = arith.muli %arg0, %mul3A_26 : i32
      %add3A_28 = arith.constant 9984 : i32
      %add3A_29 = arith.addi %mul3A_27, %add3A_28 : i32
      "tpu.region"() ({
        %run_scoped3A = tpu.sem_alloc : memref<!tpu.dma_semaphore, #tpu.memory_space<semaphore_mem>>
        %dma_start3A = arith.constant 0 : i32
        %dma_start3A_30 = tpu.memref_slice %arg7[%add3A_29, %dma_start3A] : memref<20000x128xf32, #tpu.memory_space<hbm>> -> memref<16x128xf32, #tpu.memory_space<hbm>>
        %dma_start3A_31 = arith.constant 9984 : i32
        %dma_start3A_32 = arith.constant 0 : i32
        %dma_start3A_33 = tpu.memref_slice %arg13[%dma_start3A_31, %dma_start3A_32] : memref<10000x128xf32, #tpu.memory_space<vmem_shared>> -> memref<16x128xf32, #tpu.memory_space<vmem_shared>>
        tpu.enqueue_dma source(%dma_start3A_33 : memref<16x128xf32, #tpu.memory_space<vmem_shared>>) target(%dma_start3A_30 : memref<16x128xf32, #tpu.memory_space<hbm>>) target_semaphore(%run_scoped3A : memref<!tpu.dma_semaphore, #tpu.memory_space<semaphore_mem>>)
        %dma_wait3A = arith.constant 0 : i32
        %dma_wait3A_34 = tpu.memref_slice %arg7[%add3A_29, %dma_wait3A] : memref<20000x128xf32, #tpu.memory_space<hbm>> -> memref<16x128xf32, #tpu.memory_space<hbm>>
        %dma_wait3A_35 = arith.constant 9984 : i32
        %dma_wait3A_36 = arith.constant 0 : i32
        %dma_wait3A_37 = tpu.memref_slice %arg13[%dma_wait3A_35, %dma_wait3A_36] : memref<10000x128xf32, #tpu.memory_space<vmem_shared>> -> memref<16x128xf32, #tpu.memory_space<vmem_shared>>
        tpu.wait_dma2 semaphore(%run_scoped3A : memref<!tpu.dma_semaphore, #tpu.memory_space<semaphore_mem>>) src(%dma_wait3A_37 : memref<16x128xf32, #tpu.memory_space<vmem_shared>>) dst(%dma_wait3A_34 : memref<16x128xf32, #tpu.memory_space<hbm>>)
        tpu.yield
      }) : () -> ()
    } else {
    }
    return
  }
}

#map = affine_map<(d0, d1) -> (0, 0)>
#map1 = affine_map<(d0, d1) -> (0)>
module attributes {stable_mosaic.version = 14 : i64} {
  func.func @body(%arg0: i32, %arg1: i32, %arg2: memref<320000x128xf32, #tpu.memory_space<hbm>>, %arg3: memref<10000x128xf32, #tpu.memory_space<hbm>>, %arg4: memref<320000xi32, #tpu.memory_space<hbm>>, %arg5: memref<320000xi32, #tpu.memory_space<hbm>>, %arg6: memref<10000x128xf32, #tpu.memory_space<hbm>>, %arg7: memref<20000x128xf32, #tpu.memory_space<hbm>>, %arg8: memref<320000x128xf32, #tpu.memory_space<hbm>>, %arg9: memref<80x128xf32, #tpu.memory_space<vmem>>, %arg10: memref<80x128xf32, #tpu.memory_space<vmem>>, %arg11: memref<80xi32, #tpu.memory_space<vmem>>, %arg12: memref<80xi32, #tpu.memory_space<vmem>>, %arg13: memref<10000x128xf32, #tpu.memory_space<vmem_shared>>) attributes {dimension_semantics = [#tpu.dimension_semantics<core_parallel>, #tpu.dimension_semantics<subcore_parallel>], iteration_bounds = array<i64: 2, 16>, scalar_prefetch = 0 : i64, scratch_operands = 5 : i64, tpu.core_type = #tpu.core_type<sc_vector_subcore>, window_params = [{transform_indices = #map}, {transform_indices = #map}, {transform_indices = #map1}, {transform_indices = #map1}, {transform_indices = #map}, {transform_indices = #map}, {transform_indices = #map}]} {
    %mul3A = arith.constant 16 : i32
    %mul3A_0 = arith.muli %arg0, %mul3A : i32
    %add3A = arith.addi %mul3A_0, %arg1 : i32
    %mul3A_1 = arith.constant 624 : i32
    %mul3A_2 = arith.muli %arg1, %mul3A_1 : i32
    %mul3A_3 = arith.constant 624 : i32
    %mul3A_4 = arith.muli %arg1, %mul3A_3 : i32
    "tpu.region"() ({
      %run_scoped3A = tpu.sem_alloc : memref<!tpu.dma_semaphore, #tpu.memory_space<semaphore_mem>>
      %dma_start3A = arith.constant 0 : i32
      %dma_start3A_26 = tpu.memref_slice %arg13[%mul3A_4, %dma_start3A] : memref<10000x128xf32, #tpu.memory_space<vmem_shared>> -> memref<624x128xf32, #tpu.memory_space<vmem_shared>>
      %dma_start3A_27 = arith.constant 0 : i32
      %dma_start3A_28 = tpu.memref_slice %arg6[%mul3A_2, %dma_start3A_27] : memref<10000x128xf32, #tpu.memory_space<hbm>> -> memref<624x128xf32, #tpu.memory_space<hbm>>
      tpu.enqueue_dma source(%dma_start3A_28 : memref<624x128xf32, #tpu.memory_space<hbm>>) target(%dma_start3A_26 : memref<624x128xf32, #tpu.memory_space<vmem_shared>>) target_semaphore(%run_scoped3A : memref<!tpu.dma_semaphore, #tpu.memory_space<semaphore_mem>>)
      %dma_wait3A = arith.constant 0 : i32
      %dma_wait3A_29 = tpu.memref_slice %arg13[%mul3A_4, %dma_wait3A] : memref<10000x128xf32, #tpu.memory_space<vmem_shared>> -> memref<624x128xf32, #tpu.memory_space<vmem_shared>>
      %dma_wait3A_30 = arith.constant 0 : i32
      %dma_wait3A_31 = tpu.memref_slice %arg6[%mul3A_2, %dma_wait3A_30] : memref<10000x128xf32, #tpu.memory_space<hbm>> -> memref<624x128xf32, #tpu.memory_space<hbm>>
      tpu.wait_dma2 semaphore(%run_scoped3A : memref<!tpu.dma_semaphore, #tpu.memory_space<semaphore_mem>>) src(%dma_wait3A_31 : memref<624x128xf32, #tpu.memory_space<hbm>>) dst(%dma_wait3A_29 : memref<624x128xf32, #tpu.memory_space<vmem_shared>>)
      tpu.yield
    }) : () -> ()
    %eq3A = arith.constant 15 : i32
    %eq3A_5 = arith.cmpi eq, %arg1, %eq3A : i32
    %convert_element_type3A = arith.extui %eq3A_5 : i1 to i32
    %cond3A = arith.constant 0 : i32
    %cond3A_6 = arith.cmpi ne, %convert_element_type3A, %cond3A : i32
    scf.if %cond3A_6 {
      "tpu.region"() ({
        %run_scoped3A = tpu.sem_alloc : memref<!tpu.dma_semaphore, #tpu.memory_space<semaphore_mem>>
        %dma_start3A = arith.constant 9984 : i32
        %dma_start3A_26 = arith.constant 0 : i32
        %dma_start3A_27 = tpu.memref_slice %arg13[%dma_start3A, %dma_start3A_26] : memref<10000x128xf32, #tpu.memory_space<vmem_shared>> -> memref<16x128xf32, #tpu.memory_space<vmem_shared>>
        %dma_start3A_28 = arith.constant 9984 : i32
        %dma_start3A_29 = arith.constant 0 : i32
        %dma_start3A_30 = tpu.memref_slice %arg6[%dma_start3A_28, %dma_start3A_29] : memref<10000x128xf32, #tpu.memory_space<hbm>> -> memref<16x128xf32, #tpu.memory_space<hbm>>
        tpu.enqueue_dma source(%dma_start3A_30 : memref<16x128xf32, #tpu.memory_space<hbm>>) target(%dma_start3A_27 : memref<16x128xf32, #tpu.memory_space<vmem_shared>>) target_semaphore(%run_scoped3A : memref<!tpu.dma_semaphore, #tpu.memory_space<semaphore_mem>>)
        %dma_wait3A = arith.constant 9984 : i32
        %dma_wait3A_31 = arith.constant 0 : i32
        %dma_wait3A_32 = tpu.memref_slice %arg13[%dma_wait3A, %dma_wait3A_31] : memref<10000x128xf32, #tpu.memory_space<vmem_shared>> -> memref<16x128xf32, #tpu.memory_space<vmem_shared>>
        %dma_wait3A_33 = arith.constant 9984 : i32
        %dma_wait3A_34 = arith.constant 0 : i32
        %dma_wait3A_35 = tpu.memref_slice %arg6[%dma_wait3A_33, %dma_wait3A_34] : memref<10000x128xf32, #tpu.memory_space<hbm>> -> memref<16x128xf32, #tpu.memory_space<hbm>>
        tpu.wait_dma2 semaphore(%run_scoped3A : memref<!tpu.dma_semaphore, #tpu.memory_space<semaphore_mem>>) src(%dma_wait3A_35 : memref<16x128xf32, #tpu.memory_space<hbm>>) dst(%dma_wait3A_32 : memref<16x128xf32, #tpu.memory_space<vmem_shared>>)
        tpu.yield
      }) : () -> ()
    } else {
    }
    %barrier3A = arith.constant 0 : index
    tpu.barrier barrier_id(%barrier3A)
    %mul3A_7 = arith.constant 10000 : i32
    %mul3A_8 = arith.muli %add3A, %mul3A_7 : i32
    %scan3A = arith.constant 0 : i32
    %scan3A_9 = arith.constant 125 : i32
    %scan3A_10 = arith.addi %scan3A, %scan3A_9 : i32
    %scan3A_11 = arith.constant 1 : i32
    scf.for %scan3A_26 = %scan3A to %scan3A_10 step %scan3A_11  : i32 {
      %mul3A_27 = arith.constant 1 : i32
      %mul3A_28 = arith.muli %scan3A_26, %mul3A_27 : i32
      %add3A_29 = arith.constant 0 : i32
      %add3A_30 = arith.addi %add3A_29, %mul3A_28 : i32
      %mul3A_31 = arith.constant 80 : i32
      %mul3A_32 = arith.muli %add3A_30, %mul3A_31 : i32
      %add3A_33 = arith.addi %mul3A_8, %mul3A_32 : i32
      "tpu.region"() ({
        %run_scoped3A = tpu.sem_alloc : memref<!tpu.dma_semaphore, #tpu.memory_space<semaphore_mem>>
        %dma_start3A = tpu.memref_slice %arg4[%add3A_33] : memref<320000xi32, #tpu.memory_space<hbm>> -> memref<80xi32, #tpu.memory_space<hbm>>
        %dma_start3A_39 = tpu.memref_slice %arg4[%add3A_33] : memref<320000xi32, #tpu.memory_space<hbm>> -> memref<80xi32, #tpu.memory_space<hbm>>
        tpu.enqueue_dma source(%dma_start3A_39 : memref<80xi32, #tpu.memory_space<hbm>>) target(%arg11 : memref<80xi32, #tpu.memory_space<vmem>>) target_semaphore(%run_scoped3A : memref<!tpu.dma_semaphore, #tpu.memory_space<semaphore_mem>>)
        %dma_wait3A = tpu.memref_slice %arg4[%add3A_33] : memref<320000xi32, #tpu.memory_space<hbm>> -> memref<80xi32, #tpu.memory_space<hbm>>
        %dma_wait3A_40 = tpu.memref_slice %arg4[%add3A_33] : memref<320000xi32, #tpu.memory_space<hbm>> -> memref<80xi32, #tpu.memory_space<hbm>>
        tpu.wait_dma2 semaphore(%run_scoped3A : memref<!tpu.dma_semaphore, #tpu.memory_space<semaphore_mem>>) src(%dma_wait3A_40 : memref<80xi32, #tpu.memory_space<hbm>>) dst(%arg11 : memref<80xi32, #tpu.memory_space<vmem>>)
        tpu.yield
      }) : () -> ()
      "tpu.region"() ({
        %run_scoped3A = tpu.sem_alloc : memref<!tpu.dma_semaphore, #tpu.memory_space<semaphore_mem>>
        %dma_start3A = tpu.memref_slice %arg5[%add3A_33] : memref<320000xi32, #tpu.memory_space<hbm>> -> memref<80xi32, #tpu.memory_space<hbm>>
        %dma_start3A_39 = tpu.memref_slice %arg5[%add3A_33] : memref<320000xi32, #tpu.memory_space<hbm>> -> memref<80xi32, #tpu.memory_space<hbm>>
        tpu.enqueue_dma source(%dma_start3A_39 : memref<80xi32, #tpu.memory_space<hbm>>) target(%arg12 : memref<80xi32, #tpu.memory_space<vmem>>) target_semaphore(%run_scoped3A : memref<!tpu.dma_semaphore, #tpu.memory_space<semaphore_mem>>)
        %dma_wait3A = tpu.memref_slice %arg5[%add3A_33] : memref<320000xi32, #tpu.memory_space<hbm>> -> memref<80xi32, #tpu.memory_space<hbm>>
        %dma_wait3A_40 = tpu.memref_slice %arg5[%add3A_33] : memref<320000xi32, #tpu.memory_space<hbm>> -> memref<80xi32, #tpu.memory_space<hbm>>
        tpu.wait_dma2 semaphore(%run_scoped3A : memref<!tpu.dma_semaphore, #tpu.memory_space<semaphore_mem>>) src(%dma_wait3A_40 : memref<80xi32, #tpu.memory_space<hbm>>) dst(%arg12 : memref<80xi32, #tpu.memory_space<vmem>>)
        tpu.yield
      }) : () -> ()
      "tpu.region"() ({
        %run_scoped3A = tpu.sem_alloc : memref<!tpu.dma_semaphore, #tpu.memory_space<semaphore_mem>>
        %dma_start3A = arith.constant 0 : i32
        %dma_start3A_39 = tpu.memref_slice %arg2[%add3A_33, %dma_start3A] : memref<320000x128xf32, #tpu.memory_space<hbm>> -> memref<80x128xf32, #tpu.memory_space<hbm>>
        %dma_start3A_40 = arith.constant 0 : i32
        %dma_start3A_41 = tpu.memref_slice %arg2[%add3A_33, %dma_start3A_40] : memref<320000x128xf32, #tpu.memory_space<hbm>> -> memref<80x128xf32, #tpu.memory_space<hbm>>
        tpu.enqueue_dma source(%dma_start3A_41 : memref<80x128xf32, #tpu.memory_space<hbm>>) target(%arg9 : memref<80x128xf32, #tpu.memory_space<vmem>>) target_semaphore(%run_scoped3A : memref<!tpu.dma_semaphore, #tpu.memory_space<semaphore_mem>>)
        %dma_wait3A = arith.constant 0 : i32
        %dma_wait3A_42 = tpu.memref_slice %arg2[%add3A_33, %dma_wait3A] : memref<320000x128xf32, #tpu.memory_space<hbm>> -> memref<80x128xf32, #tpu.memory_space<hbm>>
        %dma_wait3A_43 = arith.constant 0 : i32
        %dma_wait3A_44 = tpu.memref_slice %arg2[%add3A_33, %dma_wait3A_43] : memref<320000x128xf32, #tpu.memory_space<hbm>> -> memref<80x128xf32, #tpu.memory_space<hbm>>
        tpu.wait_dma2 semaphore(%run_scoped3A : memref<!tpu.dma_semaphore, #tpu.memory_space<semaphore_mem>>) src(%dma_wait3A_44 : memref<80x128xf32, #tpu.memory_space<hbm>>) dst(%arg9 : memref<80x128xf32, #tpu.memory_space<vmem>>)
        tpu.yield
      }) : () -> ()
      "tpu.region"() ({
        %run_scoped3A = tpu.sem_alloc : memref<!tpu.dma_semaphore, #tpu.memory_space<semaphore_mem>>
        %dma_start3A = arith.constant 0 : i32
        %dma_start3A_39 = arith.constant 0 : i32
        %dma_start3A_40 = tpu.memref_slice %arg3[%dma_start3A, %dma_start3A_39] : memref<10000x128xf32, #tpu.memory_space<hbm>> -> memref<10000x128xf32, #tpu.memory_space<hbm>>
        tpu.enqueue_indirect_dma source(%dma_start3A_40 : memref<10000x128xf32, #tpu.memory_space<hbm>>) target(%arg10 : memref<80x128xf32, #tpu.memory_space<vmem>>) offsets(%arg11 : memref<80xi32, #tpu.memory_space<vmem>>) semaphore(%run_scoped3A : memref<!tpu.dma_semaphore, #tpu.memory_space<semaphore_mem>>)
        %dma_wait3A = arith.constant 0 : i32
        %dma_wait3A_41 = arith.constant 0 : i32
        %dma_wait3A_42 = tpu.memref_slice %arg3[%dma_wait3A, %dma_wait3A_41] : memref<10000x128xf32, #tpu.memory_space<hbm>> -> memref<10000x128xf32, #tpu.memory_space<hbm>>
        tpu.wait_indirect_dma semaphore(%run_scoped3A : memref<!tpu.dma_semaphore, #tpu.memory_space<semaphore_mem>>) src(%dma_wait3A_42 : memref<10000x128xf32, #tpu.memory_space<hbm>>) dst(%arg10 : memref<80x128xf32, #tpu.memory_space<vmem>>)
        tpu.yield
      }) : () -> ()
      %scan3A_34 = arith.constant 0 : i32
      %scan3A_35 = arith.constant 80 : i32
      %scan3A_36 = arith.addi %scan3A_34, %scan3A_35 : i32
      %scan3A_37 = arith.constant 1 : i32
      scf.for %scan3A_39 = %scan3A_34 to %scan3A_36 step %scan3A_37  : i32 {
        %mul3A_40 = arith.constant 1 : i32
        %mul3A_41 = arith.muli %scan3A_39, %mul3A_40 : i32
        %add3A_42 = arith.constant 0 : i32
        %add3A_43 = arith.addi %add3A_42, %mul3A_41 : i32
        %get3A = arith.index_cast %add3A_43 : i32 to index
        %get3A_44 = arith.constant 0 : index
        %get3A_45 = tpu.vector_load %arg9[%get3A, %get3A_44] {strides = array<i32>} : memref<80x128xf32, #tpu.memory_space<vmem>>, vector<1x16xf32>,
        %get3A_46 = vector.shape_cast %get3A_45 : vector<1x16xf32> to vector<1x16xf32>
        %get3A_47 = arith.index_cast %add3A_43 : i32 to index
        %get3A_48 = arith.constant 0 : index
        %get3A_49 = tpu.vector_load %arg10[%get3A_47, %get3A_48] {strides = array<i32>} : memref<80x128xf32, #tpu.memory_space<vmem>>, vector<1x16xf32>,
        %get3A_50 = vector.shape_cast %get3A_49 : vector<1x16xf32> to vector<1x16xf32>
        %add3A_51 = arith.addf %get3A_46, %get3A_50 : vector<1x16xf32>
        %max3A = arith.constant 0.000000e+00 : f32
        %max3A_52 = vector.broadcast %max3A : f32 to vector<1x16xf32>
        %max3A_53 = arith.maximumf %add3A_51, %max3A_52 : vector<1x16xf32>
        %swap3A = arith.index_cast %add3A_43 : i32 to index
        %swap3A_54 = arith.constant 0 : index
        %swap3A_55 = tpu.vector_load %arg9[%swap3A, %swap3A_54] {strides = array<i32>} : memref<80x128xf32, #tpu.memory_space<vmem>>, vector<1x16xf32>,
        %swap3A_56 = vector.shape_cast %swap3A_55 : vector<1x16xf32> to vector<1x16xf32>
        %swap3A_57 = vector.shape_cast %max3A_53 : vector<1x16xf32> to vector<1x16xf32>
        tpu.vector_store %arg9[%swap3A, %swap3A_54], %swap3A_57 {strides = array<i32>} : memref<80x128xf32, #tpu.memory_space<vmem>>, vector<1x16xf32>,
        %get3A_58 = arith.index_cast %add3A_43 : i32 to index
        %get3A_59 = arith.constant 16 : index
        %get3A_60 = tpu.vector_load %arg9[%get3A_58, %get3A_59] {strides = array<i32>} : memref<80x128xf32, #tpu.memory_space<vmem>>, vector<1x16xf32>,
        %get3A_61 = vector.shape_cast %get3A_60 : vector<1x16xf32> to vector<1x16xf32>
        %get3A_62 = arith.index_cast %add3A_43 : i32 to index
        %get3A_63 = arith.constant 16 : index
        %get3A_64 = tpu.vector_load %arg10[%get3A_62, %get3A_63] {strides = array<i32>} : memref<80x128xf32, #tpu.memory_space<vmem>>, vector<1x16xf32>,
        %get3A_65 = vector.shape_cast %get3A_64 : vector<1x16xf32> to vector<1x16xf32>
        %add3A_66 = arith.addf %get3A_61, %get3A_65 : vector<1x16xf32>
        %max3A_67 = arith.constant 0.000000e+00 : f32
        %max3A_68 = vector.broadcast %max3A_67 : f32 to vector<1x16xf32>
        %max3A_69 = arith.maximumf %add3A_66, %max3A_68 : vector<1x16xf32>
        %swap3A_70 = arith.index_cast %add3A_43 : i32 to index
        %swap3A_71 = arith.constant 16 : index
        %swap3A_72 = tpu.vector_load %arg9[%swap3A_70, %swap3A_71] {strides = array<i32>} : memref<80x128xf32, #tpu.memory_space<vmem>>, vector<1x16xf32>,
        %swap3A_73 = vector.shape_cast %swap3A_72 : vector<1x16xf32> to vector<1x16xf32>
        %swap3A_74 = vector.shape_cast %max3A_69 : vector<1x16xf32> to vector<1x16xf32>
        tpu.vector_store %arg9[%swap3A_70, %swap3A_71], %swap3A_74 {strides = array<i32>} : memref<80x128xf32, #tpu.memory_space<vmem>>, vector<1x16xf32>,
        %get3A_75 = arith.index_cast %add3A_43 : i32 to index
        %get3A_76 = arith.constant 32 : index
        %get3A_77 = tpu.vector_load %arg9[%get3A_75, %get3A_76] {strides = array<i32>} : memref<80x128xf32, #tpu.memory_space<vmem>>, vector<1x16xf32>,
        %get3A_78 = vector.shape_cast %get3A_77 : vector<1x16xf32> to vector<1x16xf32>
        %get3A_79 = arith.index_cast %add3A_43 : i32 to index
        %get3A_80 = arith.constant 32 : index
        %get3A_81 = tpu.vector_load %arg10[%get3A_79, %get3A_80] {strides = array<i32>} : memref<80x128xf32, #tpu.memory_space<vmem>>, vector<1x16xf32>,
        %get3A_82 = vector.shape_cast %get3A_81 : vector<1x16xf32> to vector<1x16xf32>
        %add3A_83 = arith.addf %get3A_78, %get3A_82 : vector<1x16xf32>
        %max3A_84 = arith.constant 0.000000e+00 : f32
        %max3A_85 = vector.broadcast %max3A_84 : f32 to vector<1x16xf32>
        %max3A_86 = arith.maximumf %add3A_83, %max3A_85 : vector<1x16xf32>
        %swap3A_87 = arith.index_cast %add3A_43 : i32 to index
        %swap3A_88 = arith.constant 32 : index
        %swap3A_89 = tpu.vector_load %arg9[%swap3A_87, %swap3A_88] {strides = array<i32>} : memref<80x128xf32, #tpu.memory_space<vmem>>, vector<1x16xf32>,
        %swap3A_90 = vector.shape_cast %swap3A_89 : vector<1x16xf32> to vector<1x16xf32>
        %swap3A_91 = vector.shape_cast %max3A_86 : vector<1x16xf32> to vector<1x16xf32>
        tpu.vector_store %arg9[%swap3A_87, %swap3A_88], %swap3A_91 {strides = array<i32>} : memref<80x128xf32, #tpu.memory_space<vmem>>, vector<1x16xf32>,
        %get3A_92 = arith.index_cast %add3A_43 : i32 to index
        %get3A_93 = arith.constant 48 : index
        %get3A_94 = tpu.vector_load %arg9[%get3A_92, %get3A_93] {strides = array<i32>} : memref<80x128xf32, #tpu.memory_space<vmem>>, vector<1x16xf32>,
        %get3A_95 = vector.shape_cast %get3A_94 : vector<1x16xf32> to vector<1x16xf32>
        %get3A_96 = arith.index_cast %add3A_43 : i32 to index
        %get3A_97 = arith.constant 48 : index
        %get3A_98 = tpu.vector_load %arg10[%get3A_96, %get3A_97] {strides = array<i32>} : memref<80x128xf32, #tpu.memory_space<vmem>>, vector<1x16xf32>,
        %get3A_99 = vector.shape_cast %get3A_98 : vector<1x16xf32> to vector<1x16xf32>
        %add3A_100 = arith.addf %get3A_95, %get3A_99 : vector<1x16xf32>
        %max3A_101 = arith.constant 0.000000e+00 : f32
        %max3A_102 = vector.broadcast %max3A_101 : f32 to vector<1x16xf32>
        %max3A_103 = arith.maximumf %add3A_100, %max3A_102 : vector<1x16xf32>
        %swap3A_104 = arith.index_cast %add3A_43 : i32 to index
        %swap3A_105 = arith.constant 48 : index
        %swap3A_106 = tpu.vector_load %arg9[%swap3A_104, %swap3A_105] {strides = array<i32>} : memref<80x128xf32, #tpu.memory_space<vmem>>, vector<1x16xf32>,
        %swap3A_107 = vector.shape_cast %swap3A_106 : vector<1x16xf32> to vector<1x16xf32>
        %swap3A_108 = vector.shape_cast %max3A_103 : vector<1x16xf32> to vector<1x16xf32>
        tpu.vector_store %arg9[%swap3A_104, %swap3A_105], %swap3A_108 {strides = array<i32>} : memref<80x128xf32, #tpu.memory_space<vmem>>, vector<1x16xf32>,
        %get3A_109 = arith.index_cast %add3A_43 : i32 to index
        %get3A_110 = arith.constant 64 : index
        %get3A_111 = tpu.vector_load %arg9[%get3A_109, %get3A_110] {strides = array<i32>} : memref<80x128xf32, #tpu.memory_space<vmem>>, vector<1x16xf32>,
        %get3A_112 = vector.shape_cast %get3A_111 : vector<1x16xf32> to vector<1x16xf32>
        %get3A_113 = arith.index_cast %add3A_43 : i32 to index
        %get3A_114 = arith.constant 64 : index
        %get3A_115 = tpu.vector_load %arg10[%get3A_113, %get3A_114] {strides = array<i32>} : memref<80x128xf32, #tpu.memory_space<vmem>>, vector<1x16xf32>,
        %get3A_116 = vector.shape_cast %get3A_115 : vector<1x16xf32> to vector<1x16xf32>
        %add3A_117 = arith.addf %get3A_112, %get3A_116 : vector<1x16xf32>
        %max3A_118 = arith.constant 0.000000e+00 : f32
        %max3A_119 = vector.broadcast %max3A_118 : f32 to vector<1x16xf32>
        %max3A_120 = arith.maximumf %add3A_117, %max3A_119 : vector<1x16xf32>
        %swap3A_121 = arith.index_cast %add3A_43 : i32 to index
        %swap3A_122 = arith.constant 64 : index
        %swap3A_123 = tpu.vector_load %arg9[%swap3A_121, %swap3A_122] {strides = array<i32>} : memref<80x128xf32, #tpu.memory_space<vmem>>, vector<1x16xf32>,
        %swap3A_124 = vector.shape_cast %swap3A_123 : vector<1x16xf32> to vector<1x16xf32>
        %swap3A_125 = vector.shape_cast %max3A_120 : vector<1x16xf32> to vector<1x16xf32>
        tpu.vector_store %arg9[%swap3A_121, %swap3A_122], %swap3A_125 {strides = array<i32>} : memref<80x128xf32, #tpu.memory_space<vmem>>, vector<1x16xf32>,
        %get3A_126 = arith.index_cast %add3A_43 : i32 to index
        %get3A_127 = arith.constant 80 : index
        %get3A_128 = tpu.vector_load %arg9[%get3A_126, %get3A_127] {strides = array<i32>} : memref<80x128xf32, #tpu.memory_space<vmem>>, vector<1x16xf32>,
        %get3A_129 = vector.shape_cast %get3A_128 : vector<1x16xf32> to vector<1x16xf32>
        %get3A_130 = arith.index_cast %add3A_43 : i32 to index
        %get3A_131 = arith.constant 80 : index
        %get3A_132 = tpu.vector_load %arg10[%get3A_130, %get3A_131] {strides = array<i32>} : memref<80x128xf32, #tpu.memory_space<vmem>>, vector<1x16xf32>,
        %get3A_133 = vector.shape_cast %get3A_132 : vector<1x16xf32> to vector<1x16xf32>
        %add3A_134 = arith.addf %get3A_129, %get3A_133 : vector<1x16xf32>
        %max3A_135 = arith.constant 0.000000e+00 : f32
        %max3A_136 = vector.broadcast %max3A_135 : f32 to vector<1x16xf32>
        %max3A_137 = arith.maximumf %add3A_134, %max3A_136 : vector<1x16xf32>
        %swap3A_138 = arith.index_cast %add3A_43 : i32 to index
        %swap3A_139 = arith.constant 80 : index
        %swap3A_140 = tpu.vector_load %arg9[%swap3A_138, %swap3A_139] {strides = array<i32>} : memref<80x128xf32, #tpu.memory_space<vmem>>, vector<1x16xf32>,
        %swap3A_141 = vector.shape_cast %swap3A_140 : vector<1x16xf32> to vector<1x16xf32>
        %swap3A_142 = vector.shape_cast %max3A_137 : vector<1x16xf32> to vector<1x16xf32>
        tpu.vector_store %arg9[%swap3A_138, %swap3A_139], %swap3A_142 {strides = array<i32>} : memref<80x128xf32, #tpu.memory_space<vmem>>, vector<1x16xf32>,
        %get3A_143 = arith.index_cast %add3A_43 : i32 to index
        %get3A_144 = arith.constant 96 : index
        %get3A_145 = tpu.vector_load %arg9[%get3A_143, %get3A_144] {strides = array<i32>} : memref<80x128xf32, #tpu.memory_space<vmem>>, vector<1x16xf32>,
        %get3A_146 = vector.shape_cast %get3A_145 : vector<1x16xf32> to vector<1x16xf32>
        %get3A_147 = arith.index_cast %add3A_43 : i32 to index
        %get3A_148 = arith.constant 96 : index
        %get3A_149 = tpu.vector_load %arg10[%get3A_147, %get3A_148] {strides = array<i32>} : memref<80x128xf32, #tpu.memory_space<vmem>>, vector<1x16xf32>,
        %get3A_150 = vector.shape_cast %get3A_149 : vector<1x16xf32> to vector<1x16xf32>
        %add3A_151 = arith.addf %get3A_146, %get3A_150 : vector<1x16xf32>
        %max3A_152 = arith.constant 0.000000e+00 : f32
        %max3A_153 = vector.broadcast %max3A_152 : f32 to vector<1x16xf32>
        %max3A_154 = arith.maximumf %add3A_151, %max3A_153 : vector<1x16xf32>
        %swap3A_155 = arith.index_cast %add3A_43 : i32 to index
        %swap3A_156 = arith.constant 96 : index
        %swap3A_157 = tpu.vector_load %arg9[%swap3A_155, %swap3A_156] {strides = array<i32>} : memref<80x128xf32, #tpu.memory_space<vmem>>, vector<1x16xf32>,
        %swap3A_158 = vector.shape_cast %swap3A_157 : vector<1x16xf32> to vector<1x16xf32>
        %swap3A_159 = vector.shape_cast %max3A_154 : vector<1x16xf32> to vector<1x16xf32>
        tpu.vector_store %arg9[%swap3A_155, %swap3A_156], %swap3A_159 {strides = array<i32>} : memref<80x128xf32, #tpu.memory_space<vmem>>, vector<1x16xf32>,
        %get3A_160 = arith.index_cast %add3A_43 : i32 to index
        %get3A_161 = arith.constant 112 : index
        %get3A_162 = tpu.vector_load %arg9[%get3A_160, %get3A_161] {strides = array<i32>} : memref<80x128xf32, #tpu.memory_space<vmem>>, vector<1x16xf32>,
        %get3A_163 = vector.shape_cast %get3A_162 : vector<1x16xf32> to vector<1x16xf32>
        %get3A_164 = arith.index_cast %add3A_43 : i32 to index
        %get3A_165 = arith.constant 112 : index
        %get3A_166 = tpu.vector_load %arg10[%get3A_164, %get3A_165] {strides = array<i32>} : memref<80x128xf32, #tpu.memory_space<vmem>>, vector<1x16xf32>,
        %get3A_167 = vector.shape_cast %get3A_166 : vector<1x16xf32> to vector<1x16xf32>
        %add3A_168 = arith.addf %get3A_163, %get3A_167 : vector<1x16xf32>
        %max3A_169 = arith.constant 0.000000e+00 : f32
        %max3A_170 = vector.broadcast %max3A_169 : f32 to vector<1x16xf32>
        %max3A_171 = arith.maximumf %add3A_168, %max3A_170 : vector<1x16xf32>
        %swap3A_172 = arith.index_cast %add3A_43 : i32 to index
        %swap3A_173 = arith.constant 112 : index
        %swap3A_174 = tpu.vector_load %arg9[%swap3A_172, %swap3A_173] {strides = array<i32>} : memref<80x128xf32, #tpu.memory_space<vmem>>, vector<1x16xf32>,
        %swap3A_175 = vector.shape_cast %swap3A_174 : vector<1x16xf32> to vector<1x16xf32>
        %swap3A_176 = vector.shape_cast %max3A_171 : vector<1x16xf32> to vector<1x16xf32>
        tpu.vector_store %arg9[%swap3A_172, %swap3A_173], %swap3A_176 {strides = array<i32>} : memref<80x128xf32, #tpu.memory_space<vmem>>, vector<1x16xf32>,
      }
      %scan3A_38 = arith.constant 80 : i32
      "tpu.region"() ({
        %run_scoped3A = tpu.sem_alloc : memref<!tpu.dma_semaphore, #tpu.memory_space<semaphore_mem>>
        %dma_start3A = arith.constant 0 : i32
        %dma_start3A_39 = tpu.memref_slice %arg8[%add3A_33, %dma_start3A] : memref<320000x128xf32, #tpu.memory_space<hbm>> -> memref<80x128xf32, #tpu.memory_space<hbm>>
        %dma_start3A_40 = arith.constant 0 : i32
        %dma_start3A_41 = tpu.memref_slice %arg8[%add3A_33, %dma_start3A_40] : memref<320000x128xf32, #tpu.memory_space<hbm>> -> memref<80x128xf32, #tpu.memory_space<hbm>>
        tpu.enqueue_dma source(%arg9 : memref<80x128xf32, #tpu.memory_space<vmem>>) target(%dma_start3A_41 : memref<80x128xf32, #tpu.memory_space<hbm>>) target_semaphore(%run_scoped3A : memref<!tpu.dma_semaphore, #tpu.memory_space<semaphore_mem>>)
        %dma_wait3A = arith.constant 0 : i32
        %dma_wait3A_42 = tpu.memref_slice %arg8[%add3A_33, %dma_wait3A] : memref<320000x128xf32, #tpu.memory_space<hbm>> -> memref<80x128xf32, #tpu.memory_space<hbm>>
        %dma_wait3A_43 = arith.constant 0 : i32
        %dma_wait3A_44 = tpu.memref_slice %arg8[%add3A_33, %dma_wait3A_43] : memref<320000x128xf32, #tpu.memory_space<hbm>> -> memref<80x128xf32, #tpu.memory_space<hbm>>
        tpu.wait_dma2 semaphore(%run_scoped3A : memref<!tpu.dma_semaphore, #tpu.memory_space<semaphore_mem>>) src(%arg9 : memref<80x128xf32, #tpu.memory_space<vmem>>) dst(%dma_wait3A_44 : memref<80x128xf32, #tpu.memory_space<hbm>>)
        tpu.yield
      }) : () -> ()
      "tpu.region"() ({
        %run_scoped3A = tpu.sem_alloc : memref<!tpu.dma_semaphore, #tpu.memory_space<semaphore_mem>>
        %dma_start3A = arith.constant 0 : i32
        %dma_start3A_39 = arith.constant 0 : i32
        %dma_start3A_40 = tpu.memref_slice %arg13[%dma_start3A, %dma_start3A_39] : memref<10000x128xf32, #tpu.memory_space<vmem_shared>> -> memref<10000x128xf32, #tpu.memory_space<vmem_shared>>
        tpu.enqueue_indirect_dma source(%arg9 : memref<80x128xf32, #tpu.memory_space<vmem>>) target(%dma_start3A_40 : memref<10000x128xf32, #tpu.memory_space<vmem_shared>>) offsets(%arg12 : memref<80xi32, #tpu.memory_space<vmem>>) semaphore(%run_scoped3A : memref<!tpu.dma_semaphore, #tpu.memory_space<semaphore_mem>>) {add = true}
        %dma_wait3A = arith.constant 0 : i32
        %dma_wait3A_41 = arith.constant 0 : i32
        %dma_wait3A_42 = tpu.memref_slice %arg13[%dma_wait3A, %dma_wait3A_41] : memref<10000x128xf32, #tpu.memory_space<vmem_shared>> -> memref<10000x128xf32, #tpu.memory_space<vmem_shared>>
        tpu.wait_indirect_dma semaphore(%run_scoped3A : memref<!tpu.dma_semaphore, #tpu.memory_space<semaphore_mem>>) src(%arg9 : memref<80x128xf32, #tpu.memory_space<vmem>>) dst(%dma_wait3A_42 : memref<10000x128xf32, #tpu.memory_space<vmem_shared>>)
        tpu.yield
      }) : () -> ()
    }
    %scan3A_12 = arith.constant 125 : i32
    %barrier3A_13 = arith.constant 0 : index
    tpu.barrier barrier_id(%barrier3A_13)
    %mul3A_14 = arith.constant 624 : i32
    %mul3A_15 = arith.muli %arg1, %mul3A_14 : i32
    %mul3A_16 = arith.constant 10000 : i32
    %mul3A_17 = arith.muli %arg0, %mul3A_16 : i32
    %mul3A_18 = arith.constant 624 : i32
    %mul3A_19 = arith.muli %arg1, %mul3A_18 : i32
    %add3A_20 = arith.addi %mul3A_17, %mul3A_19 : i32
    "tpu.region"() ({
      %run_scoped3A = tpu.sem_alloc : memref<!tpu.dma_semaphore, #tpu.memory_space<semaphore_mem>>
      %dma_start3A = arith.constant 0 : i32
      %dma_start3A_26 = tpu.memref_slice %arg7[%add3A_20, %dma_start3A] : memref<20000x128xf32, #tpu.memory_space<hbm>> -> memref<624x128xf32, #tpu.memory_space<hbm>>
      %dma_start3A_27 = arith.constant 0 : i32
      %dma_start3A_28 = tpu.memref_slice %arg13[%mul3A_15, %dma_start3A_27] : memref<10000x128xf32, #tpu.memory_space<vmem_shared>> -> memref<624x128xf32, #tpu.memory_space<vmem_shared>>
      tpu.enqueue_dma source(%dma_start3A_28 : memref<624x128xf32, #tpu.memory_space<vmem_shared>>) target(%dma_start3A_26 : memref<624x128xf32, #tpu.memory_space<hbm>>) target_semaphore(%run_scoped3A : memref<!tpu.dma_semaphore, #tpu.memory_space<semaphore_mem>>)
      %dma_wait3A = arith.constant 0 : i32
      %dma_wait3A_29 = tpu.memref_slice %arg7[%add3A_20, %dma_wait3A] : memref<20000x128xf32, #tpu.memory_space<hbm>> -> memref<624x128xf32, #tpu.memory_space<hbm>>
      %dma_wait3A_30 = arith.constant 0 : i32
      %dma_wait3A_31 = tpu.memref_slice %arg13[%mul3A_15, %dma_wait3A_30] : memref<10000x128xf32, #tpu.memory_space<vmem_shared>> -> memref<624x128xf32, #tpu.memory_space<vmem_shared>>
      tpu.wait_dma2 semaphore(%run_scoped3A : memref<!tpu.dma_semaphore, #tpu.memory_space<semaphore_mem>>) src(%dma_wait3A_31 : memref<624x128xf32, #tpu.memory_space<vmem_shared>>) dst(%dma_wait3A_29 : memref<624x128xf32, #tpu.memory_space<hbm>>)
      tpu.yield
    }) : () -> ()
    %eq3A_21 = arith.constant 15 : i32
    %eq3A_22 = arith.cmpi eq, %arg1, %eq3A_21 : i32
    %convert_element_type3A_23 = arith.extui %eq3A_22 : i1 to i32
    %cond3A_24 = arith.constant 0 : i32
    %cond3A_25 = arith.cmpi ne, %convert_element_type3A_23, %cond3A_24 : i32
    scf.if %cond3A_25 {
      %mul3A_26 = arith.constant 10000 : i32
      %mul3A_27 = arith.muli %arg0, %mul3A_26 : i32
      %add3A_28 = arith.constant 9984 : i32
      %add3A_29 = arith.addi %mul3A_27, %add3A_28 : i32
      "tpu.region"() ({
        %run_scoped3A = tpu.sem_alloc : memref<!tpu.dma_semaphore, #tpu.memory_space<semaphore_mem>>
        %dma_start3A = arith.constant 0 : i32
        %dma_start3A_30 = tpu.memref_slice %arg7[%add3A_29, %dma_start3A] : memref<20000x128xf32, #tpu.memory_space<hbm>> -> memref<16x128xf32, #tpu.memory_space<hbm>>
        %dma_start3A_31 = arith.constant 9984 : i32
        %dma_start3A_32 = arith.constant 0 : i32
        %dma_start3A_33 = tpu.memref_slice %arg13[%dma_start3A_31, %dma_start3A_32] : memref<10000x128xf32, #tpu.memory_space<vmem_shared>> -> memref<16x128xf32, #tpu.memory_space<vmem_shared>>
        tpu.enqueue_dma source(%dma_start3A_33 : memref<16x128xf32, #tpu.memory_space<vmem_shared>>) target(%dma_start3A_30 : memref<16x128xf32, #tpu.memory_space<hbm>>) target_semaphore(%run_scoped3A : memref<!tpu.dma_semaphore, #tpu.memory_space<semaphore_mem>>)
        %dma_wait3A = arith.constant 0 : i32
        %dma_wait3A_34 = tpu.memref_slice %arg7[%add3A_29, %dma_wait3A] : memref<20000x128xf32, #tpu.memory_space<hbm>> -> memref<16x128xf32, #tpu.memory_space<hbm>>
        %dma_wait3A_35 = arith.constant 9984 : i32
        %dma_wait3A_36 = arith.constant 0 : i32
        %dma_wait3A_37 = tpu.memref_slice %arg13[%dma_wait3A_35, %dma_wait3A_36] : memref<10000x128xf32, #tpu.memory_space<vmem_shared>> -> memref<16x128xf32, #tpu.memory_space<vmem_shared>>
        tpu.wait_dma2 semaphore(%run_scoped3A : memref<!tpu.dma_semaphore, #tpu.memory_space<semaphore_mem>>) src(%dma_wait3A_37 : memref<16x128xf32, #tpu.memory_space<vmem_shared>>) dst(%dma_wait3A_34 : memref<16x128xf32, #tpu.memory_space<hbm>>)
        tpu.yield
      }) : () -> ()
    } else {
    }
    return
  }
}

#map = affine_map<(d0, d1) -> (0, 0)>
#map1 = affine_map<(d0, d1) -> (0)>
module attributes {stable_mosaic.version = 14 : i64} {
  func.func @body(%arg0: i32, %arg1: i32, %arg2: memref<320000x128xf32, #tpu.memory_space<hbm>>, %arg3: memref<10000x128xf32, #tpu.memory_space<hbm>>, %arg4: memref<320000xi32, #tpu.memory_space<hbm>>, %arg5: memref<320000xi32, #tpu.memory_space<hbm>>, %arg6: memref<10000x128xf32, #tpu.memory_space<hbm>>, %arg7: memref<20000x128xf32, #tpu.memory_space<hbm>>, %arg8: memref<80x128xf32, #tpu.memory_space<vmem>>, %arg9: memref<80x128xf32, #tpu.memory_space<vmem>>, %arg10: memref<80xi32, #tpu.memory_space<vmem>>, %arg11: memref<80xi32, #tpu.memory_space<vmem>>, %arg12: memref<10000x128xf32, #tpu.memory_space<vmem_shared>>) attributes {dimension_semantics = [#tpu.dimension_semantics<core_parallel>, #tpu.dimension_semantics<subcore_parallel>], iteration_bounds = array<i64: 2, 16>, scalar_prefetch = 0 : i64, scratch_operands = 5 : i64, tpu.core_type = #tpu.core_type<sc_vector_subcore>, window_params = [{transform_indices = #map}, {transform_indices = #map}, {transform_indices = #map1}, {transform_indices = #map1}, {transform_indices = #map}, {transform_indices = #map}]} {
    %mul3A = arith.constant 16 : i32
    %mul3A_0 = arith.muli %arg0, %mul3A : i32
    %add3A = arith.addi %mul3A_0, %arg1 : i32
    %mul3A_1 = arith.constant 624 : i32
    %mul3A_2 = arith.muli %arg1, %mul3A_1 : i32
    %mul3A_3 = arith.constant 624 : i32
    %mul3A_4 = arith.muli %arg1, %mul3A_3 : i32
    "tpu.region"() ({
      %run_scoped3A = tpu.sem_alloc : memref<!tpu.dma_semaphore, #tpu.memory_space<semaphore_mem>>
      %dma_start3A = arith.constant 0 : i32
      %dma_start3A_26 = tpu.memref_slice %arg12[%mul3A_4, %dma_start3A] : memref<10000x128xf32, #tpu.memory_space<vmem_shared>> -> memref<624x128xf32, #tpu.memory_space<vmem_shared>>
      %dma_start3A_27 = arith.constant 0 : i32
      %dma_start3A_28 = tpu.memref_slice %arg6[%mul3A_2, %dma_start3A_27] : memref<10000x128xf32, #tpu.memory_space<hbm>> -> memref<624x128xf32, #tpu.memory_space<hbm>>
      tpu.enqueue_dma source(%dma_start3A_28 : memref<624x128xf32, #tpu.memory_space<hbm>>) target(%dma_start3A_26 : memref<624x128xf32, #tpu.memory_space<vmem_shared>>) target_semaphore(%run_scoped3A : memref<!tpu.dma_semaphore, #tpu.memory_space<semaphore_mem>>)
      %dma_wait3A = arith.constant 0 : i32
      %dma_wait3A_29 = tpu.memref_slice %arg12[%mul3A_4, %dma_wait3A] : memref<10000x128xf32, #tpu.memory_space<vmem_shared>> -> memref<624x128xf32, #tpu.memory_space<vmem_shared>>
      %dma_wait3A_30 = arith.constant 0 : i32
      %dma_wait3A_31 = tpu.memref_slice %arg6[%mul3A_2, %dma_wait3A_30] : memref<10000x128xf32, #tpu.memory_space<hbm>> -> memref<624x128xf32, #tpu.memory_space<hbm>>
      tpu.wait_dma2 semaphore(%run_scoped3A : memref<!tpu.dma_semaphore, #tpu.memory_space<semaphore_mem>>) src(%dma_wait3A_31 : memref<624x128xf32, #tpu.memory_space<hbm>>) dst(%dma_wait3A_29 : memref<624x128xf32, #tpu.memory_space<vmem_shared>>)
      tpu.yield
    }) : () -> ()
    %eq3A = arith.constant 15 : i32
    %eq3A_5 = arith.cmpi eq, %arg1, %eq3A : i32
    %convert_element_type3A = arith.extui %eq3A_5 : i1 to i32
    %cond3A = arith.constant 0 : i32
    %cond3A_6 = arith.cmpi ne, %convert_element_type3A, %cond3A : i32
    scf.if %cond3A_6 {
      "tpu.region"() ({
        %run_scoped3A = tpu.sem_alloc : memref<!tpu.dma_semaphore, #tpu.memory_space<semaphore_mem>>
        %dma_start3A = arith.constant 9984 : i32
        %dma_start3A_26 = arith.constant 0 : i32
        %dma_start3A_27 = tpu.memref_slice %arg12[%dma_start3A, %dma_start3A_26] : memref<10000x128xf32, #tpu.memory_space<vmem_shared>> -> memref<16x128xf32, #tpu.memory_space<vmem_shared>>
        %dma_start3A_28 = arith.constant 9984 : i32
        %dma_start3A_29 = arith.constant 0 : i32
        %dma_start3A_30 = tpu.memref_slice %arg6[%dma_start3A_28, %dma_start3A_29] : memref<10000x128xf32, #tpu.memory_space<hbm>> -> memref<16x128xf32, #tpu.memory_space<hbm>>
        tpu.enqueue_dma source(%dma_start3A_30 : memref<16x128xf32, #tpu.memory_space<hbm>>) target(%dma_start3A_27 : memref<16x128xf32, #tpu.memory_space<vmem_shared>>) target_semaphore(%run_scoped3A : memref<!tpu.dma_semaphore, #tpu.memory_space<semaphore_mem>>)
        %dma_wait3A = arith.constant 9984 : i32
        %dma_wait3A_31 = arith.constant 0 : i32
        %dma_wait3A_32 = tpu.memref_slice %arg12[%dma_wait3A, %dma_wait3A_31] : memref<10000x128xf32, #tpu.memory_space<vmem_shared>> -> memref<16x128xf32, #tpu.memory_space<vmem_shared>>
        %dma_wait3A_33 = arith.constant 9984 : i32
        %dma_wait3A_34 = arith.constant 0 : i32
        %dma_wait3A_35 = tpu.memref_slice %arg6[%dma_wait3A_33, %dma_wait3A_34] : memref<10000x128xf32, #tpu.memory_space<hbm>> -> memref<16x128xf32, #tpu.memory_space<hbm>>
        tpu.wait_dma2 semaphore(%run_scoped3A : memref<!tpu.dma_semaphore, #tpu.memory_space<semaphore_mem>>) src(%dma_wait3A_35 : memref<16x128xf32, #tpu.memory_space<hbm>>) dst(%dma_wait3A_32 : memref<16x128xf32, #tpu.memory_space<vmem_shared>>)
        tpu.yield
      }) : () -> ()
    } else {
    }
    %barrier3A = arith.constant 0 : index
    tpu.barrier barrier_id(%barrier3A)
    %mul3A_7 = arith.constant 10000 : i32
    %mul3A_8 = arith.muli %add3A, %mul3A_7 : i32
    %scan3A = arith.constant 0 : i32
    %scan3A_9 = arith.constant 125 : i32
    %scan3A_10 = arith.addi %scan3A, %scan3A_9 : i32
    %scan3A_11 = arith.constant 1 : i32
    scf.for %scan3A_26 = %scan3A to %scan3A_10 step %scan3A_11  : i32 {
      %mul3A_27 = arith.constant 1 : i32
      %mul3A_28 = arith.muli %scan3A_26, %mul3A_27 : i32
      %add3A_29 = arith.constant 0 : i32
      %add3A_30 = arith.addi %add3A_29, %mul3A_28 : i32
      %mul3A_31 = arith.constant 80 : i32
      %mul3A_32 = arith.muli %add3A_30, %mul3A_31 : i32
      %add3A_33 = arith.addi %mul3A_8, %mul3A_32 : i32
      "tpu.region"() ({
        %run_scoped3A = tpu.sem_alloc : memref<!tpu.dma_semaphore, #tpu.memory_space<semaphore_mem>>
        %dma_start3A = tpu.memref_slice %arg4[%add3A_33] : memref<320000xi32, #tpu.memory_space<hbm>> -> memref<80xi32, #tpu.memory_space<hbm>>
        %dma_start3A_39 = tpu.memref_slice %arg4[%add3A_33] : memref<320000xi32, #tpu.memory_space<hbm>> -> memref<80xi32, #tpu.memory_space<hbm>>
        tpu.enqueue_dma source(%dma_start3A_39 : memref<80xi32, #tpu.memory_space<hbm>>) target(%arg10 : memref<80xi32, #tpu.memory_space<vmem>>) target_semaphore(%run_scoped3A : memref<!tpu.dma_semaphore, #tpu.memory_space<semaphore_mem>>)
        %dma_wait3A = tpu.memref_slice %arg4[%add3A_33] : memref<320000xi32, #tpu.memory_space<hbm>> -> memref<80xi32, #tpu.memory_space<hbm>>
        %dma_wait3A_40 = tpu.memref_slice %arg4[%add3A_33] : memref<320000xi32, #tpu.memory_space<hbm>> -> memref<80xi32, #tpu.memory_space<hbm>>
        tpu.wait_dma2 semaphore(%run_scoped3A : memref<!tpu.dma_semaphore, #tpu.memory_space<semaphore_mem>>) src(%dma_wait3A_40 : memref<80xi32, #tpu.memory_space<hbm>>) dst(%arg10 : memref<80xi32, #tpu.memory_space<vmem>>)
        tpu.yield
      }) : () -> ()
      "tpu.region"() ({
        %run_scoped3A = tpu.sem_alloc : memref<!tpu.dma_semaphore, #tpu.memory_space<semaphore_mem>>
        %dma_start3A = tpu.memref_slice %arg5[%add3A_33] : memref<320000xi32, #tpu.memory_space<hbm>> -> memref<80xi32, #tpu.memory_space<hbm>>
        %dma_start3A_39 = tpu.memref_slice %arg5[%add3A_33] : memref<320000xi32, #tpu.memory_space<hbm>> -> memref<80xi32, #tpu.memory_space<hbm>>
        tpu.enqueue_dma source(%dma_start3A_39 : memref<80xi32, #tpu.memory_space<hbm>>) target(%arg11 : memref<80xi32, #tpu.memory_space<vmem>>) target_semaphore(%run_scoped3A : memref<!tpu.dma_semaphore, #tpu.memory_space<semaphore_mem>>)
        %dma_wait3A = tpu.memref_slice %arg5[%add3A_33] : memref<320000xi32, #tpu.memory_space<hbm>> -> memref<80xi32, #tpu.memory_space<hbm>>
        %dma_wait3A_40 = tpu.memref_slice %arg5[%add3A_33] : memref<320000xi32, #tpu.memory_space<hbm>> -> memref<80xi32, #tpu.memory_space<hbm>>
        tpu.wait_dma2 semaphore(%run_scoped3A : memref<!tpu.dma_semaphore, #tpu.memory_space<semaphore_mem>>) src(%dma_wait3A_40 : memref<80xi32, #tpu.memory_space<hbm>>) dst(%arg11 : memref<80xi32, #tpu.memory_space<vmem>>)
        tpu.yield
      }) : () -> ()
      "tpu.region"() ({
        %run_scoped3A = tpu.sem_alloc : memref<!tpu.dma_semaphore, #tpu.memory_space<semaphore_mem>>
        %dma_start3A = arith.constant 0 : i32
        %dma_start3A_39 = tpu.memref_slice %arg2[%add3A_33, %dma_start3A] : memref<320000x128xf32, #tpu.memory_space<hbm>> -> memref<80x128xf32, #tpu.memory_space<hbm>>
        %dma_start3A_40 = arith.constant 0 : i32
        %dma_start3A_41 = tpu.memref_slice %arg2[%add3A_33, %dma_start3A_40] : memref<320000x128xf32, #tpu.memory_space<hbm>> -> memref<80x128xf32, #tpu.memory_space<hbm>>
        tpu.enqueue_dma source(%dma_start3A_41 : memref<80x128xf32, #tpu.memory_space<hbm>>) target(%arg8 : memref<80x128xf32, #tpu.memory_space<vmem>>) target_semaphore(%run_scoped3A : memref<!tpu.dma_semaphore, #tpu.memory_space<semaphore_mem>>)
        %dma_wait3A = arith.constant 0 : i32
        %dma_wait3A_42 = tpu.memref_slice %arg2[%add3A_33, %dma_wait3A] : memref<320000x128xf32, #tpu.memory_space<hbm>> -> memref<80x128xf32, #tpu.memory_space<hbm>>
        %dma_wait3A_43 = arith.constant 0 : i32
        %dma_wait3A_44 = tpu.memref_slice %arg2[%add3A_33, %dma_wait3A_43] : memref<320000x128xf32, #tpu.memory_space<hbm>> -> memref<80x128xf32, #tpu.memory_space<hbm>>
        tpu.wait_dma2 semaphore(%run_scoped3A : memref<!tpu.dma_semaphore, #tpu.memory_space<semaphore_mem>>) src(%dma_wait3A_44 : memref<80x128xf32, #tpu.memory_space<hbm>>) dst(%arg8 : memref<80x128xf32, #tpu.memory_space<vmem>>)
        tpu.yield
      }) : () -> ()
      "tpu.region"() ({
        %run_scoped3A = tpu.sem_alloc : memref<!tpu.dma_semaphore, #tpu.memory_space<semaphore_mem>>
        %dma_start3A = arith.constant 0 : i32
        %dma_start3A_39 = arith.constant 0 : i32
        %dma_start3A_40 = tpu.memref_slice %arg3[%dma_start3A, %dma_start3A_39] : memref<10000x128xf32, #tpu.memory_space<hbm>> -> memref<10000x128xf32, #tpu.memory_space<hbm>>
        tpu.enqueue_indirect_dma source(%dma_start3A_40 : memref<10000x128xf32, #tpu.memory_space<hbm>>) target(%arg9 : memref<80x128xf32, #tpu.memory_space<vmem>>) offsets(%arg10 : memref<80xi32, #tpu.memory_space<vmem>>) semaphore(%run_scoped3A : memref<!tpu.dma_semaphore, #tpu.memory_space<semaphore_mem>>)
        %dma_wait3A = arith.constant 0 : i32
        %dma_wait3A_41 = arith.constant 0 : i32
        %dma_wait3A_42 = tpu.memref_slice %arg3[%dma_wait3A, %dma_wait3A_41] : memref<10000x128xf32, #tpu.memory_space<hbm>> -> memref<10000x128xf32, #tpu.memory_space<hbm>>
        tpu.wait_indirect_dma semaphore(%run_scoped3A : memref<!tpu.dma_semaphore, #tpu.memory_space<semaphore_mem>>) src(%dma_wait3A_42 : memref<10000x128xf32, #tpu.memory_space<hbm>>) dst(%arg9 : memref<80x128xf32, #tpu.memory_space<vmem>>)
        tpu.yield
      }) : () -> ()
      %scan3A_34 = arith.constant 0 : i32
      %scan3A_35 = arith.constant 80 : i32
      %scan3A_36 = arith.addi %scan3A_34, %scan3A_35 : i32
      %scan3A_37 = arith.constant 1 : i32
      scf.for %scan3A_39 = %scan3A_34 to %scan3A_36 step %scan3A_37  : i32 {
        %mul3A_40 = arith.constant 1 : i32
        %mul3A_41 = arith.muli %scan3A_39, %mul3A_40 : i32
        %add3A_42 = arith.constant 0 : i32
        %add3A_43 = arith.addi %add3A_42, %mul3A_41 : i32
        %get3A = arith.index_cast %add3A_43 : i32 to index
        %get3A_44 = arith.constant 0 : index
        %get3A_45 = tpu.vector_load %arg8[%get3A, %get3A_44] {strides = array<i32>} : memref<80x128xf32, #tpu.memory_space<vmem>>, vector<1x16xf32>,
        %get3A_46 = vector.shape_cast %get3A_45 : vector<1x16xf32> to vector<1x16xf32>
        %get3A_47 = arith.index_cast %add3A_43 : i32 to index
        %get3A_48 = arith.constant 0 : index
        %get3A_49 = tpu.vector_load %arg9[%get3A_47, %get3A_48] {strides = array<i32>} : memref<80x128xf32, #tpu.memory_space<vmem>>, vector<1x16xf32>,
        %get3A_50 = vector.shape_cast %get3A_49 : vector<1x16xf32> to vector<1x16xf32>
        %add3A_51 = arith.addf %get3A_46, %get3A_50 : vector<1x16xf32>
        %max3A = arith.constant 0.000000e+00 : f32
        %max3A_52 = vector.broadcast %max3A : f32 to vector<1x16xf32>
        %max3A_53 = arith.maximumf %add3A_51, %max3A_52 : vector<1x16xf32>
        %swap3A = arith.index_cast %add3A_43 : i32 to index
        %swap3A_54 = arith.constant 0 : index
        %swap3A_55 = tpu.vector_load %arg8[%swap3A, %swap3A_54] {strides = array<i32>} : memref<80x128xf32, #tpu.memory_space<vmem>>, vector<1x16xf32>,
        %swap3A_56 = vector.shape_cast %swap3A_55 : vector<1x16xf32> to vector<1x16xf32>
        %swap3A_57 = vector.shape_cast %max3A_53 : vector<1x16xf32> to vector<1x16xf32>
        tpu.vector_store %arg8[%swap3A, %swap3A_54], %swap3A_57 {strides = array<i32>} : memref<80x128xf32, #tpu.memory_space<vmem>>, vector<1x16xf32>,
        %get3A_58 = arith.index_cast %add3A_43 : i32 to index
        %get3A_59 = arith.constant 16 : index
        %get3A_60 = tpu.vector_load %arg8[%get3A_58, %get3A_59] {strides = array<i32>} : memref<80x128xf32, #tpu.memory_space<vmem>>, vector<1x16xf32>,
        %get3A_61 = vector.shape_cast %get3A_60 : vector<1x16xf32> to vector<1x16xf32>
        %get3A_62 = arith.index_cast %add3A_43 : i32 to index
        %get3A_63 = arith.constant 16 : index
        %get3A_64 = tpu.vector_load %arg9[%get3A_62, %get3A_63] {strides = array<i32>} : memref<80x128xf32, #tpu.memory_space<vmem>>, vector<1x16xf32>,
        %get3A_65 = vector.shape_cast %get3A_64 : vector<1x16xf32> to vector<1x16xf32>
        %add3A_66 = arith.addf %get3A_61, %get3A_65 : vector<1x16xf32>
        %max3A_67 = arith.constant 0.000000e+00 : f32
        %max3A_68 = vector.broadcast %max3A_67 : f32 to vector<1x16xf32>
        %max3A_69 = arith.maximumf %add3A_66, %max3A_68 : vector<1x16xf32>
        %swap3A_70 = arith.index_cast %add3A_43 : i32 to index
        %swap3A_71 = arith.constant 16 : index
        %swap3A_72 = tpu.vector_load %arg8[%swap3A_70, %swap3A_71] {strides = array<i32>} : memref<80x128xf32, #tpu.memory_space<vmem>>, vector<1x16xf32>,
        %swap3A_73 = vector.shape_cast %swap3A_72 : vector<1x16xf32> to vector<1x16xf32>
        %swap3A_74 = vector.shape_cast %max3A_69 : vector<1x16xf32> to vector<1x16xf32>
        tpu.vector_store %arg8[%swap3A_70, %swap3A_71], %swap3A_74 {strides = array<i32>} : memref<80x128xf32, #tpu.memory_space<vmem>>, vector<1x16xf32>,
        %get3A_75 = arith.index_cast %add3A_43 : i32 to index
        %get3A_76 = arith.constant 32 : index
        %get3A_77 = tpu.vector_load %arg8[%get3A_75, %get3A_76] {strides = array<i32>} : memref<80x128xf32, #tpu.memory_space<vmem>>, vector<1x16xf32>,
        %get3A_78 = vector.shape_cast %get3A_77 : vector<1x16xf32> to vector<1x16xf32>
        %get3A_79 = arith.index_cast %add3A_43 : i32 to index
        %get3A_80 = arith.constant 32 : index
        %get3A_81 = tpu.vector_load %arg9[%get3A_79, %get3A_80] {strides = array<i32>} : memref<80x128xf32, #tpu.memory_space<vmem>>, vector<1x16xf32>,
        %get3A_82 = vector.shape_cast %get3A_81 : vector<1x16xf32> to vector<1x16xf32>
        %add3A_83 = arith.addf %get3A_78, %get3A_82 : vector<1x16xf32>
        %max3A_84 = arith.constant 0.000000e+00 : f32
        %max3A_85 = vector.broadcast %max3A_84 : f32 to vector<1x16xf32>
        %max3A_86 = arith.maximumf %add3A_83, %max3A_85 : vector<1x16xf32>
        %swap3A_87 = arith.index_cast %add3A_43 : i32 to index
        %swap3A_88 = arith.constant 32 : index
        %swap3A_89 = tpu.vector_load %arg8[%swap3A_87, %swap3A_88] {strides = array<i32>} : memref<80x128xf32, #tpu.memory_space<vmem>>, vector<1x16xf32>,
        %swap3A_90 = vector.shape_cast %swap3A_89 : vector<1x16xf32> to vector<1x16xf32>
        %swap3A_91 = vector.shape_cast %max3A_86 : vector<1x16xf32> to vector<1x16xf32>
        tpu.vector_store %arg8[%swap3A_87, %swap3A_88], %swap3A_91 {strides = array<i32>} : memref<80x128xf32, #tpu.memory_space<vmem>>, vector<1x16xf32>,
        %get3A_92 = arith.index_cast %add3A_43 : i32 to index
        %get3A_93 = arith.constant 48 : index
        %get3A_94 = tpu.vector_load %arg8[%get3A_92, %get3A_93] {strides = array<i32>} : memref<80x128xf32, #tpu.memory_space<vmem>>, vector<1x16xf32>,
        %get3A_95 = vector.shape_cast %get3A_94 : vector<1x16xf32> to vector<1x16xf32>
        %get3A_96 = arith.index_cast %add3A_43 : i32 to index
        %get3A_97 = arith.constant 48 : index
        %get3A_98 = tpu.vector_load %arg9[%get3A_96, %get3A_97] {strides = array<i32>} : memref<80x128xf32, #tpu.memory_space<vmem>>, vector<1x16xf32>,
        %get3A_99 = vector.shape_cast %get3A_98 : vector<1x16xf32> to vector<1x16xf32>
        %add3A_100 = arith.addf %get3A_95, %get3A_99 : vector<1x16xf32>
        %max3A_101 = arith.constant 0.000000e+00 : f32
        %max3A_102 = vector.broadcast %max3A_101 : f32 to vector<1x16xf32>
        %max3A_103 = arith.maximumf %add3A_100, %max3A_102 : vector<1x16xf32>
        %swap3A_104 = arith.index_cast %add3A_43 : i32 to index
        %swap3A_105 = arith.constant 48 : index
        %swap3A_106 = tpu.vector_load %arg8[%swap3A_104, %swap3A_105] {strides = array<i32>} : memref<80x128xf32, #tpu.memory_space<vmem>>, vector<1x16xf32>,
        %swap3A_107 = vector.shape_cast %swap3A_106 : vector<1x16xf32> to vector<1x16xf32>
        %swap3A_108 = vector.shape_cast %max3A_103 : vector<1x16xf32> to vector<1x16xf32>
        tpu.vector_store %arg8[%swap3A_104, %swap3A_105], %swap3A_108 {strides = array<i32>} : memref<80x128xf32, #tpu.memory_space<vmem>>, vector<1x16xf32>,
        %get3A_109 = arith.index_cast %add3A_43 : i32 to index
        %get3A_110 = arith.constant 64 : index
        %get3A_111 = tpu.vector_load %arg8[%get3A_109, %get3A_110] {strides = array<i32>} : memref<80x128xf32, #tpu.memory_space<vmem>>, vector<1x16xf32>,
        %get3A_112 = vector.shape_cast %get3A_111 : vector<1x16xf32> to vector<1x16xf32>
        %get3A_113 = arith.index_cast %add3A_43 : i32 to index
        %get3A_114 = arith.constant 64 : index
        %get3A_115 = tpu.vector_load %arg9[%get3A_113, %get3A_114] {strides = array<i32>} : memref<80x128xf32, #tpu.memory_space<vmem>>, vector<1x16xf32>,
        %get3A_116 = vector.shape_cast %get3A_115 : vector<1x16xf32> to vector<1x16xf32>
        %add3A_117 = arith.addf %get3A_112, %get3A_116 : vector<1x16xf32>
        %max3A_118 = arith.constant 0.000000e+00 : f32
        %max3A_119 = vector.broadcast %max3A_118 : f32 to vector<1x16xf32>
        %max3A_120 = arith.maximumf %add3A_117, %max3A_119 : vector<1x16xf32>
        %swap3A_121 = arith.index_cast %add3A_43 : i32 to index
        %swap3A_122 = arith.constant 64 : index
        %swap3A_123 = tpu.vector_load %arg8[%swap3A_121, %swap3A_122] {strides = array<i32>} : memref<80x128xf32, #tpu.memory_space<vmem>>, vector<1x16xf32>,
        %swap3A_124 = vector.shape_cast %swap3A_123 : vector<1x16xf32> to vector<1x16xf32>
        %swap3A_125 = vector.shape_cast %max3A_120 : vector<1x16xf32> to vector<1x16xf32>
        tpu.vector_store %arg8[%swap3A_121, %swap3A_122], %swap3A_125 {strides = array<i32>} : memref<80x128xf32, #tpu.memory_space<vmem>>, vector<1x16xf32>,
        %get3A_126 = arith.index_cast %add3A_43 : i32 to index
        %get3A_127 = arith.constant 80 : index
        %get3A_128 = tpu.vector_load %arg8[%get3A_126, %get3A_127] {strides = array<i32>} : memref<80x128xf32, #tpu.memory_space<vmem>>, vector<1x16xf32>,
        %get3A_129 = vector.shape_cast %get3A_128 : vector<1x16xf32> to vector<1x16xf32>
        %get3A_130 = arith.index_cast %add3A_43 : i32 to index
        %get3A_131 = arith.constant 80 : index
        %get3A_132 = tpu.vector_load %arg9[%get3A_130, %get3A_131] {strides = array<i32>} : memref<80x128xf32, #tpu.memory_space<vmem>>, vector<1x16xf32>,
        %get3A_133 = vector.shape_cast %get3A_132 : vector<1x16xf32> to vector<1x16xf32>
        %add3A_134 = arith.addf %get3A_129, %get3A_133 : vector<1x16xf32>
        %max3A_135 = arith.constant 0.000000e+00 : f32
        %max3A_136 = vector.broadcast %max3A_135 : f32 to vector<1x16xf32>
        %max3A_137 = arith.maximumf %add3A_134, %max3A_136 : vector<1x16xf32>
        %swap3A_138 = arith.index_cast %add3A_43 : i32 to index
        %swap3A_139 = arith.constant 80 : index
        %swap3A_140 = tpu.vector_load %arg8[%swap3A_138, %swap3A_139] {strides = array<i32>} : memref<80x128xf32, #tpu.memory_space<vmem>>, vector<1x16xf32>,
        %swap3A_141 = vector.shape_cast %swap3A_140 : vector<1x16xf32> to vector<1x16xf32>
        %swap3A_142 = vector.shape_cast %max3A_137 : vector<1x16xf32> to vector<1x16xf32>
        tpu.vector_store %arg8[%swap3A_138, %swap3A_139], %swap3A_142 {strides = array<i32>} : memref<80x128xf32, #tpu.memory_space<vmem>>, vector<1x16xf32>,
        %get3A_143 = arith.index_cast %add3A_43 : i32 to index
        %get3A_144 = arith.constant 96 : index
        %get3A_145 = tpu.vector_load %arg8[%get3A_143, %get3A_144] {strides = array<i32>} : memref<80x128xf32, #tpu.memory_space<vmem>>, vector<1x16xf32>,
        %get3A_146 = vector.shape_cast %get3A_145 : vector<1x16xf32> to vector<1x16xf32>
        %get3A_147 = arith.index_cast %add3A_43 : i32 to index
        %get3A_148 = arith.constant 96 : index
        %get3A_149 = tpu.vector_load %arg9[%get3A_147, %get3A_148] {strides = array<i32>} : memref<80x128xf32, #tpu.memory_space<vmem>>, vector<1x16xf32>,
        %get3A_150 = vector.shape_cast %get3A_149 : vector<1x16xf32> to vector<1x16xf32>
        %add3A_151 = arith.addf %get3A_146, %get3A_150 : vector<1x16xf32>
        %max3A_152 = arith.constant 0.000000e+00 : f32
        %max3A_153 = vector.broadcast %max3A_152 : f32 to vector<1x16xf32>
        %max3A_154 = arith.maximumf %add3A_151, %max3A_153 : vector<1x16xf32>
        %swap3A_155 = arith.index_cast %add3A_43 : i32 to index
        %swap3A_156 = arith.constant 96 : index
        %swap3A_157 = tpu.vector_load %arg8[%swap3A_155, %swap3A_156] {strides = array<i32>} : memref<80x128xf32, #tpu.memory_space<vmem>>, vector<1x16xf32>,
        %swap3A_158 = vector.shape_cast %swap3A_157 : vector<1x16xf32> to vector<1x16xf32>
        %swap3A_159 = vector.shape_cast %max3A_154 : vector<1x16xf32> to vector<1x16xf32>
        tpu.vector_store %arg8[%swap3A_155, %swap3A_156], %swap3A_159 {strides = array<i32>} : memref<80x128xf32, #tpu.memory_space<vmem>>, vector<1x16xf32>,
        %get3A_160 = arith.index_cast %add3A_43 : i32 to index
        %get3A_161 = arith.constant 112 : index
        %get3A_162 = tpu.vector_load %arg8[%get3A_160, %get3A_161] {strides = array<i32>} : memref<80x128xf32, #tpu.memory_space<vmem>>, vector<1x16xf32>,
        %get3A_163 = vector.shape_cast %get3A_162 : vector<1x16xf32> to vector<1x16xf32>
        %get3A_164 = arith.index_cast %add3A_43 : i32 to index
        %get3A_165 = arith.constant 112 : index
        %get3A_166 = tpu.vector_load %arg9[%get3A_164, %get3A_165] {strides = array<i32>} : memref<80x128xf32, #tpu.memory_space<vmem>>, vector<1x16xf32>,
        %get3A_167 = vector.shape_cast %get3A_166 : vector<1x16xf32> to vector<1x16xf32>
        %add3A_168 = arith.addf %get3A_163, %get3A_167 : vector<1x16xf32>
        %max3A_169 = arith.constant 0.000000e+00 : f32
        %max3A_170 = vector.broadcast %max3A_169 : f32 to vector<1x16xf32>
        %max3A_171 = arith.maximumf %add3A_168, %max3A_170 : vector<1x16xf32>
        %swap3A_172 = arith.index_cast %add3A_43 : i32 to index
        %swap3A_173 = arith.constant 112 : index
        %swap3A_174 = tpu.vector_load %arg8[%swap3A_172, %swap3A_173] {strides = array<i32>} : memref<80x128xf32, #tpu.memory_space<vmem>>, vector<1x16xf32>,
        %swap3A_175 = vector.shape_cast %swap3A_174 : vector<1x16xf32> to vector<1x16xf32>
        %swap3A_176 = vector.shape_cast %max3A_171 : vector<1x16xf32> to vector<1x16xf32>
        tpu.vector_store %arg8[%swap3A_172, %swap3A_173], %swap3A_176 {strides = array<i32>} : memref<80x128xf32, #tpu.memory_space<vmem>>, vector<1x16xf32>,
      }
      %scan3A_38 = arith.constant 80 : i32
      "tpu.region"() ({
        %run_scoped3A = tpu.sem_alloc : memref<!tpu.dma_semaphore, #tpu.memory_space<semaphore_mem>>
        %dma_start3A = arith.constant 0 : i32
        %dma_start3A_39 = arith.constant 0 : i32
        %dma_start3A_40 = tpu.memref_slice %arg12[%dma_start3A, %dma_start3A_39] : memref<10000x128xf32, #tpu.memory_space<vmem_shared>> -> memref<10000x128xf32, #tpu.memory_space<vmem_shared>>
        tpu.enqueue_indirect_dma source(%arg8 : memref<80x128xf32, #tpu.memory_space<vmem>>) target(%dma_start3A_40 : memref<10000x128xf32, #tpu.memory_space<vmem_shared>>) offsets(%arg11 : memref<80xi32, #tpu.memory_space<vmem>>) semaphore(%run_scoped3A : memref<!tpu.dma_semaphore, #tpu.memory_space<semaphore_mem>>) {add = true}
        %dma_wait3A = arith.constant 0 : i32
        %dma_wait3A_41 = arith.constant 0 : i32
        %dma_wait3A_42 = tpu.memref_slice %arg12[%dma_wait3A, %dma_wait3A_41] : memref<10000x128xf32, #tpu.memory_space<vmem_shared>> -> memref<10000x128xf32, #tpu.memory_space<vmem_shared>>
        tpu.wait_indirect_dma semaphore(%run_scoped3A : memref<!tpu.dma_semaphore, #tpu.memory_space<semaphore_mem>>) src(%arg8 : memref<80x128xf32, #tpu.memory_space<vmem>>) dst(%dma_wait3A_42 : memref<10000x128xf32, #tpu.memory_space<vmem_shared>>)
        tpu.yield
      }) : () -> ()
    }
    %scan3A_12 = arith.constant 125 : i32
    %barrier3A_13 = arith.constant 0 : index
    tpu.barrier barrier_id(%barrier3A_13)
    %mul3A_14 = arith.constant 624 : i32
    %mul3A_15 = arith.muli %arg1, %mul3A_14 : i32
    %mul3A_16 = arith.constant 10000 : i32
    %mul3A_17 = arith.muli %arg0, %mul3A_16 : i32
    %mul3A_18 = arith.constant 624 : i32
    %mul3A_19 = arith.muli %arg1, %mul3A_18 : i32
    %add3A_20 = arith.addi %mul3A_17, %mul3A_19 : i32
    "tpu.region"() ({
      %run_scoped3A = tpu.sem_alloc : memref<!tpu.dma_semaphore, #tpu.memory_space<semaphore_mem>>
      %dma_start3A = arith.constant 0 : i32
      %dma_start3A_26 = tpu.memref_slice %arg7[%add3A_20, %dma_start3A] : memref<20000x128xf32, #tpu.memory_space<hbm>> -> memref<624x128xf32, #tpu.memory_space<hbm>>
      %dma_start3A_27 = arith.constant 0 : i32
      %dma_start3A_28 = tpu.memref_slice %arg12[%mul3A_15, %dma_start3A_27] : memref<10000x128xf32, #tpu.memory_space<vmem_shared>> -> memref<624x128xf32, #tpu.memory_space<vmem_shared>>
      tpu.enqueue_dma source(%dma_start3A_28 : memref<624x128xf32, #tpu.memory_space<vmem_shared>>) target(%dma_start3A_26 : memref<624x128xf32, #tpu.memory_space<hbm>>) target_semaphore(%run_scoped3A : memref<!tpu.dma_semaphore, #tpu.memory_space<semaphore_mem>>)
      %dma_wait3A = arith.constant 0 : i32
      %dma_wait3A_29 = tpu.memref_slice %arg7[%add3A_20, %dma_wait3A] : memref<20000x128xf32, #tpu.memory_space<hbm>> -> memref<624x128xf32, #tpu.memory_space<hbm>>
      %dma_wait3A_30 = arith.constant 0 : i32
      %dma_wait3A_31 = tpu.memref_slice %arg12[%mul3A_15, %dma_wait3A_30] : memref<10000x128xf32, #tpu.memory_space<vmem_shared>> -> memref<624x128xf32, #tpu.memory_space<vmem_shared>>
      tpu.wait_dma2 semaphore(%run_scoped3A : memref<!tpu.dma_semaphore, #tpu.memory_space<semaphore_mem>>) src(%dma_wait3A_31 : memref<624x128xf32, #tpu.memory_space<vmem_shared>>) dst(%dma_wait3A_29 : memref<624x128xf32, #tpu.memory_space<hbm>>)
      tpu.yield
    }) : () -> ()
    %eq3A_21 = arith.constant 15 : i32
    %eq3A_22 = arith.cmpi eq, %arg1, %eq3A_21 : i32
    %convert_element_type3A_23 = arith.extui %eq3A_22 : i1 to i32
    %cond3A_24 = arith.constant 0 : i32
    %cond3A_25 = arith.cmpi ne, %convert_element_type3A_23, %cond3A_24 : i32
    scf.if %cond3A_25 {
      %mul3A_26 = arith.constant 10000 : i32
      %mul3A_27 = arith.muli %arg0, %mul3A_26 : i32
      %add3A_28 = arith.constant 9984 : i32
      %add3A_29 = arith.addi %mul3A_27, %add3A_28 : i32
      "tpu.region"() ({
        %run_scoped3A = tpu.sem_alloc : memref<!tpu.dma_semaphore, #tpu.memory_space<semaphore_mem>>
        %dma_start3A = arith.constant 0 : i32
        %dma_start3A_30 = tpu.memref_slice %arg7[%add3A_29, %dma_start3A] : memref<20000x128xf32, #tpu.memory_space<hbm>> -> memref<16x128xf32, #tpu.memory_space<hbm>>
        %dma_start3A_31 = arith.constant 9984 : i32
        %dma_start3A_32 = arith.constant 0 : i32
        %dma_start3A_33 = tpu.memref_slice %arg12[%dma_start3A_31, %dma_start3A_32] : memref<10000x128xf32, #tpu.memory_space<vmem_shared>> -> memref<16x128xf32, #tpu.memory_space<vmem_shared>>
        tpu.enqueue_dma source(%dma_start3A_33 : memref<16x128xf32, #tpu.memory_space<vmem_shared>>) target(%dma_start3A_30 : memref<16x128xf32, #tpu.memory_space<hbm>>) target_semaphore(%run_scoped3A : memref<!tpu.dma_semaphore, #tpu.memory_space<semaphore_mem>>)
        %dma_wait3A = arith.constant 0 : i32
        %dma_wait3A_34 = tpu.memref_slice %arg7[%add3A_29, %dma_wait3A] : memref<20000x128xf32, #tpu.memory_space<hbm>> -> memref<16x128xf32, #tpu.memory_space<hbm>>
        %dma_wait3A_35 = arith.constant 9984 : i32
        %dma_wait3A_36 = arith.constant 0 : i32
        %dma_wait3A_37 = tpu.memref_slice %arg12[%dma_wait3A_35, %dma_wait3A_36] : memref<10000x128xf32, #tpu.memory_space<vmem_shared>> -> memref<16x128xf32, #tpu.memory_space<vmem_shared>>
        tpu.wait_dma2 semaphore(%run_scoped3A : memref<!tpu.dma_semaphore, #tpu.memory_space<semaphore_mem>>) src(%dma_wait3A_37 : memref<16x128xf32, #tpu.memory_space<vmem_shared>>) dst(%dma_wait3A_34 : memref<16x128xf32, #tpu.memory_space<hbm>>)
        tpu.yield
      }) : () -> ()
    } else {
    }
    return
  }
}

module attributes {stable_mosaic.version = 14 : i64} {
  func.func @body(%arg0: i32, %arg1: memref<4000x16xf32, #tpu.memory_space<vmem>>, %arg2: memref<16x128xf32, #tpu.memory_space<vmem>>, %arg3: memref<4000x128xf32, #tpu.memory_space<vmem>>) attributes {dimension_semantics = [#tpu.dimension_semantics<arbitrary>], iteration_bounds = array<i64: 80>, scalar_prefetch = 0 : i64, scratch_operands = 0 : i64, tpu.core_type = #tpu.core_type<tc>, window_params = [{transform_indices = @transform_0, window_bounds = array<i64: 4000, 16>}, {pipeline_mode = #tpu.pipeline_mode<synchronous>, transform_indices = @transform_1, window_bounds = array<i64: 16, 128>}, {transform_indices = @transform_2, window_bounds = array<i64: 4000, 128>}]} {
    %get3A = arith.constant 0 : index
    %get3A_0 = arith.constant 0 : index
    %get3A_1 = vector.load %arg1[%get3A, %get3A_0] : memref<4000x16xf32, #tpu.memory_space<vmem>>, vector<4000x16xf32>
    %get3A_2 = arith.constant 0 : index
    %get3A_3 = arith.constant 0 : index
    %get3A_4 = vector.load %arg2[%get3A_2, %get3A_3] : memref<16x128xf32, #tpu.memory_space<vmem>>, vector<16x128xf32>
    %dot_general3A = arith.constant dense<0.000000e+00> : vector<4000x128xf32>
    %dot_general3A_5 = tpu.matmul %get3A_1, %get3A_4, %dot_general3A {dimension_numbers = #tpu.dot_dimension_numbers<[1], [0], [0], [1], [0, 0, 1, 1], [], []>, transpose_lhs_hint = false} : vector<4000x16xf32>, vector<16x128xf32>, vector<4000x128xf32> -> vector<4000x128xf32>
    %swap3A = arith.constant 0 : index
    %swap3A_6 = arith.constant 0 : index
    %swap3A_7 = vector.load %arg3[%swap3A, %swap3A_6] : memref<4000x128xf32, #tpu.memory_space<vmem>>, vector<4000x128xf32>
    tpu.vector_store %arg3[%swap3A, %swap3A_6], %dot_general3A_5 {strides = array<i32>} : memref<4000x128xf32, #tpu.memory_space<vmem>>, vector<4000x128xf32>,
    return
  }
  func.func @transform_0(%arg0: i32) -> (i32, i32) {
    %c0_i32 = arith.constant 0 : i32
    %c0_i32_0 = arith.constant 0 : i32
    return %arg0, %c0_i32 : i32, i32
  }
  func.func @transform_1(%arg0: i32) -> (i32, i32) {
    %c0_i32 = arith.constant 0 : i32
    %c0_i32_0 = arith.constant 0 : i32
    %c0_i32_1 = arith.constant 0 : i32
    return %c0_i32, %c0_i32_0 : i32, i32
  }
  func.func @transform_2(%arg0: i32) -> (i32, i32) {
    %c0_i32 = arith.constant 0 : i32
    %c0_i32_0 = arith.constant 0 : i32
    return %arg0, %c0_i32 : i32, i32
  }
}

module attributes {stable_mosaic.version = 14 : i64} {
  func.func @body(%arg0: i32, %arg1: memref<2000x128xf32, #tpu.memory_space<vmem>>, %arg2: memref<128x128xf32, #tpu.memory_space<vmem>>, %arg3: memref<2000x128xf32, #tpu.memory_space<vmem>>) attributes {dimension_semantics = [#tpu.dimension_semantics<arbitrary>], iteration_bounds = array<i64: 5>, scalar_prefetch = 0 : i64, scratch_operands = 0 : i64, tpu.core_type = #tpu.core_type<tc>, window_params = [{transform_indices = @transform_0, window_bounds = array<i64: 2000, 128>}, {pipeline_mode = #tpu.pipeline_mode<synchronous>, transform_indices = @transform_1, window_bounds = array<i64: 128, 128>}, {transform_indices = @transform_2, window_bounds = array<i64: 2000, 128>}]} {
    %get3A = arith.constant 0 : index
    %get3A_0 = arith.constant 0 : index
    %get3A_1 = vector.load %arg1[%get3A, %get3A_0] : memref<2000x128xf32, #tpu.memory_space<vmem>>, vector<2000x128xf32>
    %get3A_2 = arith.constant 0 : index
    %get3A_3 = arith.constant 0 : index
    %get3A_4 = vector.load %arg2[%get3A_2, %get3A_3] : memref<128x128xf32, #tpu.memory_space<vmem>>, vector<128x128xf32>
    %dot_general3A = arith.constant dense<0.000000e+00> : vector<2000x128xf32>
    %dot_general3A_5 = tpu.matmul %get3A_1, %get3A_4, %dot_general3A {dimension_numbers = #tpu.dot_dimension_numbers<[1], [0], [0], [1], [0, 0, 1, 1], [], []>, transpose_lhs_hint = false} : vector<2000x128xf32>, vector<128x128xf32>, vector<2000x128xf32> -> vector<2000x128xf32>
    %swap3A = arith.constant 0 : index
    %swap3A_6 = arith.constant 0 : index
    %swap3A_7 = vector.load %arg3[%swap3A, %swap3A_6] : memref<2000x128xf32, #tpu.memory_space<vmem>>, vector<2000x128xf32>
    tpu.vector_store %arg3[%swap3A, %swap3A_6], %dot_general3A_5 {strides = array<i32>} : memref<2000x128xf32, #tpu.memory_space<vmem>>, vector<2000x128xf32>,
    return
  }
  func.func @transform_0(%arg0: i32) -> (i32, i32) {
    %c0_i32 = arith.constant 0 : i32
    %c0_i32_0 = arith.constant 0 : i32
    return %arg0, %c0_i32 : i32, i32
  }
  func.func @transform_1(%arg0: i32) -> (i32, i32) {
    %c0_i32 = arith.constant 0 : i32
    %c0_i32_0 = arith.constant 0 : i32
    %c0_i32_1 = arith.constant 0 : i32
    return %c0_i32, %c0_i32_0 : i32, i32
  }
  func.func @transform_2(%arg0: i32) -> (i32, i32) {
    %c0_i32 = arith.constant 0 : i32
    %c0_i32_0 = arith.constant 0 : i32
    return %arg0, %c0_i32 : i32, i32
  }
}

module attributes {stable_mosaic.version = 14 : i64} {
  func.func @body(%arg0: i32, %arg1: memref<2000x128xf32, #tpu.memory_space<vmem>>, %arg2: memref<2000x128xf32, #tpu.memory_space<vmem>>, %arg3: memref<128x128xf32, #tpu.memory_space<vmem>>, %arg4: memref<2000x128xf32, #tpu.memory_space<vmem>>) attributes {dimension_semantics = [#tpu.dimension_semantics<arbitrary>], iteration_bounds = array<i64: 5>, scalar_prefetch = 0 : i64, scratch_operands = 0 : i64, tpu.core_type = #tpu.core_type<tc>, window_params = [{transform_indices = @transform_0, window_bounds = array<i64: 2000, 128>}, {transform_indices = @transform_1, window_bounds = array<i64: 2000, 128>}, {pipeline_mode = #tpu.pipeline_mode<synchronous>, transform_indices = @transform_2, window_bounds = array<i64: 128, 128>}, {transform_indices = @transform_3, window_bounds = array<i64: 2000, 128>}]} {
    %get3A = arith.constant 0 : index
    %get3A_0 = arith.constant 0 : index
    %get3A_1 = vector.load %arg1[%get3A, %get3A_0] : memref<2000x128xf32, #tpu.memory_space<vmem>>, vector<2000x128xf32>
    %get3A_2 = arith.constant 0 : index
    %get3A_3 = arith.constant 0 : index
    %get3A_4 = vector.load %arg2[%get3A_2, %get3A_3] : memref<2000x128xf32, #tpu.memory_space<vmem>>, vector<2000x128xf32>
    %add3A = arith.addf %get3A_1, %get3A_4 : vector<2000x128xf32>
    %get3A_5 = arith.constant 0 : index
    %get3A_6 = arith.constant 0 : index
    %get3A_7 = vector.load %arg3[%get3A_5, %get3A_6] : memref<128x128xf32, #tpu.memory_space<vmem>>, vector<128x128xf32>
    %dot_general3A = arith.constant dense<0.000000e+00> : vector<2000x128xf32>
    %dot_general3A_8 = tpu.matmul %add3A, %get3A_7, %dot_general3A {dimension_numbers = #tpu.dot_dimension_numbers<[1], [0], [0], [1], [0, 0, 1, 1], [], []>, transpose_lhs_hint = false} : vector<2000x128xf32>, vector<128x128xf32>, vector<2000x128xf32> -> vector<2000x128xf32>
    %swap3A = arith.constant 0 : index
    %swap3A_9 = arith.constant 0 : index
    %swap3A_10 = vector.load %arg4[%swap3A, %swap3A_9] : memref<2000x128xf32, #tpu.memory_space<vmem>>, vector<2000x128xf32>
    tpu.vector_store %arg4[%swap3A, %swap3A_9], %dot_general3A_8 {strides = array<i32>} : memref<2000x128xf32, #tpu.memory_space<vmem>>, vector<2000x128xf32>,
    return
  }
  func.func @transform_0(%arg0: i32) -> (i32, i32) {
    %c0_i32 = arith.constant 0 : i32
    %c0_i32_0 = arith.constant 0 : i32
    return %arg0, %c0_i32 : i32, i32
  }
  func.func @transform_1(%arg0: i32) -> (i32, i32) {
    %add3A = arith.constant 5 : i32
    %add3A_0 = arith.addi %arg0, %add3A : i32
    %c0_i32 = arith.constant 0 : i32
    %c0_i32_1 = arith.constant 0 : i32
    return %add3A_0, %c0_i32 : i32, i32
  }
  func.func @transform_2(%arg0: i32) -> (i32, i32) {
    %c0_i32 = arith.constant 0 : i32
    %c0_i32_0 = arith.constant 0 : i32
    %c0_i32_1 = arith.constant 0 : i32
    return %c0_i32, %c0_i32_0 : i32, i32
  }
  func.func @transform_3(%arg0: i32) -> (i32, i32) {
    %c0_i32 = arith.constant 0 : i32
    %c0_i32_0 = arith.constant 0 : i32
    return %arg0, %c0_i32 : i32, i32
  }
}

module attributes {stable_mosaic.version = 14 : i64} {
  func.func @body(%arg0: i32, %arg1: memref<2000x128xf32, #tpu.memory_space<vmem>>, %arg2: memref<2000x128xf32, #tpu.memory_space<vmem>>, %arg3: memref<2000x128xf32, #tpu.memory_space<vmem>>, %arg4: memref<256x128xf32, #tpu.memory_space<vmem>>, %arg5: memref<128x1xf32, #tpu.memory_space<vmem>>, %arg6: memref<1x1xf32, #tpu.memory_space<vmem>>, %arg7: memref<2000x128xf32, #tpu.memory_space<vmem>>, %arg8: memref<2000x1xf32, #tpu.memory_space<vmem>>) attributes {dimension_semantics = [#tpu.dimension_semantics<arbitrary>], iteration_bounds = array<i64: 5>, scalar_prefetch = 0 : i64, scratch_operands = 0 : i64, tpu.core_type = #tpu.core_type<tc>, window_params = [{transform_indices = @transform_0, window_bounds = array<i64: 2000, 128>}, {transform_indices = @transform_1, window_bounds = array<i64: 2000, 128>}, {transform_indices = @transform_2, window_bounds = array<i64: 2000, 128>}, {pipeline_mode = #tpu.pipeline_mode<synchronous>, transform_indices = @transform_3, window_bounds = array<i64: 256, 128>}, {pipeline_mode = #tpu.pipeline_mode<synchronous>, transform_indices = @transform_4, window_bounds = array<i64: 128, 1>}, {pipeline_mode = #tpu.pipeline_mode<synchronous>, transform_indices = @transform_5, window_bounds = array<i64: 1, 1>}, {transform_indices = @transform_6, window_bounds = array<i64: 2000, 128>}, {transform_indices = @transform_7, window_bounds = array<i64: 2000, 1>}]} {
    %get3A = arith.constant 0 : index
    %get3A_0 = arith.constant 0 : index
    %get3A_1 = vector.load %arg2[%get3A, %get3A_0] : memref<2000x128xf32, #tpu.memory_space<vmem>>, vector<2000x128xf32>
    %get3A_2 = arith.constant 0 : index
    %get3A_3 = arith.constant 0 : index
    %get3A_4 = vector.load %arg3[%get3A_2, %get3A_3] : memref<2000x128xf32, #tpu.memory_space<vmem>>, vector<2000x128xf32>
    %add3A = arith.addf %get3A_1, %get3A_4 : vector<2000x128xf32>
    %get3A_5 = arith.constant 0 : index
    %get3A_6 = arith.constant 0 : index
    %get3A_7 = vector.load %arg1[%get3A_5, %get3A_6] : memref<2000x128xf32, #tpu.memory_space<vmem>>, vector<2000x128xf32>
    %get3A_8 = arith.constant 0 : index
    %get3A_9 = arith.constant 0 : index
    %get3A_10 = vector.load %arg4[%get3A_8, %get3A_9] : memref<256x128xf32, #tpu.memory_space<vmem>>, vector<128x128xf32>
    %dot_general3A = arith.constant dense<0.000000e+00> : vector<2000x128xf32>
    %dot_general3A_11 = tpu.matmul %get3A_7, %get3A_10, %dot_general3A {dimension_numbers = #tpu.dot_dimension_numbers<[1], [0], [0], [1], [0, 0, 1, 1], [], []>, transpose_lhs_hint = false} : vector<2000x128xf32>, vector<128x128xf32>, vector<2000x128xf32> -> vector<2000x128xf32>
    %get3A_12 = arith.constant 128 : index
    %get3A_13 = arith.constant 0 : index
    %get3A_14 = vector.load %arg4[%get3A_12, %get3A_13] : memref<256x128xf32, #tpu.memory_space<vmem>>, vector<128x128xf32>
    %dot_general3A_15 = arith.constant dense<0.000000e+00> : vector<2000x128xf32>
    %dot_general3A_16 = tpu.matmul %add3A, %get3A_14, %dot_general3A_15 {dimension_numbers = #tpu.dot_dimension_numbers<[1], [0], [0], [1], [0, 0, 1, 1], [], []>, transpose_lhs_hint = false} : vector<2000x128xf32>, vector<128x128xf32>, vector<2000x128xf32> -> vector<2000x128xf32>
    %add3A_17 = arith.addf %dot_general3A_11, %dot_general3A_16 : vector<2000x128xf32>
    %max3A = arith.constant 0.000000e+00 : f32
    %max3A_18 = vector.broadcast %max3A : f32 to vector<2000x128xf32>
    %max3A_19 = arith.maximumf %add3A_17, %max3A_18 : vector<2000x128xf32>
    %swap3A = arith.constant 0 : index
    %swap3A_20 = arith.constant 0 : index
    %swap3A_21 = vector.load %arg7[%swap3A, %swap3A_20] : memref<2000x128xf32, #tpu.memory_space<vmem>>, vector<2000x128xf32>
    tpu.vector_store %arg7[%swap3A, %swap3A_20], %max3A_19 {strides = array<i32>} : memref<2000x128xf32, #tpu.memory_space<vmem>>, vector<2000x128xf32>,
    %get3A_22 = arith.constant 0 : index
    %get3A_23 = arith.constant 0 : index
    %get3A_24 = vector.load %arg5[%get3A_22, %get3A_23] : memref<128x1xf32, #tpu.memory_space<vmem>>, vector<128x1xf32>
    %dot_general3A_25 = arith.constant dense<0.000000e+00> : vector<2000x1xf32>
    %dot_general3A_26 = tpu.matmul %max3A_19, %get3A_24, %dot_general3A_25 {dimension_numbers = #tpu.dot_dimension_numbers<[1], [0], [0], [1], [0, 0, 1, 1], [], []>, transpose_lhs_hint = false} : vector<2000x128xf32>, vector<128x1xf32>, vector<2000x1xf32> -> vector<2000x1xf32>
    %get3A_27 = arith.constant 0 : index
    %get3A_28 = arith.constant 0 : index
    %get3A_29 = vector.load %arg6[%get3A_27, %get3A_28] : memref<1x1xf32, #tpu.memory_space<vmem>>, vector<1x1xf32>
    %get3A_30 = vector.extract %get3A_29[0, 0] : f32 from vector<1x1xf32>
    %add3A_31 = vector.broadcast %get3A_30 : f32 to vector<2000x1xf32>
    %add3A_32 = arith.addf %dot_general3A_26, %add3A_31 : vector<2000x1xf32>
    %swap3A_33 = arith.constant 0 : index
    %swap3A_34 = arith.constant 0 : index
    %swap3A_35 = vector.load %arg8[%swap3A_33, %swap3A_34] : memref<2000x1xf32, #tpu.memory_space<vmem>>, vector<2000x1xf32>
    tpu.vector_store %arg8[%swap3A_33, %swap3A_34], %add3A_32 {strides = array<i32>} : memref<2000x1xf32, #tpu.memory_space<vmem>>, vector<2000x1xf32>,
    return
  }
  func.func @transform_0(%arg0: i32) -> (i32, i32) {
    %c0_i32 = arith.constant 0 : i32
    %c0_i32_0 = arith.constant 0 : i32
    return %arg0, %c0_i32 : i32, i32
  }
  func.func @transform_1(%arg0: i32) -> (i32, i32) {
    %c0_i32 = arith.constant 0 : i32
    %c0_i32_0 = arith.constant 0 : i32
    return %arg0, %c0_i32 : i32, i32
  }
  func.func @transform_2(%arg0: i32) -> (i32, i32) {
    %add3A = arith.constant 5 : i32
    %add3A_0 = arith.addi %arg0, %add3A : i32
    %c0_i32 = arith.constant 0 : i32
    %c0_i32_1 = arith.constant 0 : i32
    return %add3A_0, %c0_i32 : i32, i32
  }
  func.func @transform_3(%arg0: i32) -> (i32, i32) {
    %c0_i32 = arith.constant 0 : i32
    %c0_i32_0 = arith.constant 0 : i32
    %c0_i32_1 = arith.constant 0 : i32
    return %c0_i32, %c0_i32_0 : i32, i32
  }
  func.func @transform_4(%arg0: i32) -> (i32, i32) {
    %c0_i32 = arith.constant 0 : i32
    %c0_i32_0 = arith.constant 0 : i32
    %c0_i32_1 = arith.constant 0 : i32
    return %c0_i32, %c0_i32_0 : i32, i32
  }
  func.func @transform_5(%arg0: i32) -> (i32, i32) {
    %c0_i32 = arith.constant 0 : i32
    %c0_i32_0 = arith.constant 0 : i32
    %c0_i32_1 = arith.constant 0 : i32
    return %c0_i32, %c0_i32_0 : i32, i32
  }
  func.func @transform_6(%arg0: i32) -> (i32, i32) {
    %c0_i32 = arith.constant 0 : i32
    %c0_i32_0 = arith.constant 0 : i32
    return %arg0, %c0_i32 : i32, i32
  }
  func.func @transform_7(%arg0: i32) -> (i32, i32) {
    %c0_i32 = arith.constant 0 : i32
    %c0_i32_0 = arith.constant 0 : i32
    return %arg0, %c0_i32 : i32, i32
  }
}

module attributes {stable_mosaic.version = 14 : i64} {
  func.func @body(%arg0: i32, %arg1: memref<8000x128xf32, #tpu.memory_space<vmem>>, %arg2: memref<128x1xf32, #tpu.memory_space<vmem>>, %arg3: memref<1x1xf32, #tpu.memory_space<vmem>>, %arg4: memref<8000x1xf32, #tpu.memory_space<vmem>>) attributes {dimension_semantics = [#tpu.dimension_semantics<arbitrary>], iteration_bounds = array<i64: 40>, scalar_prefetch = 0 : i64, scratch_operands = 0 : i64, tpu.core_type = #tpu.core_type<tc>, window_params = [{transform_indices = @transform_0, window_bounds = array<i64: 8000, 128>}, {pipeline_mode = #tpu.pipeline_mode<synchronous>, transform_indices = @transform_1, window_bounds = array<i64: 128, 1>}, {pipeline_mode = #tpu.pipeline_mode<synchronous>, transform_indices = @transform_2, window_bounds = array<i64: 1, 1>}, {transform_indices = @transform_3, window_bounds = array<i64: 8000, 1>}]} {
    %get3A = arith.constant 0 : index
    %get3A_0 = arith.constant 0 : index
    %get3A_1 = vector.load %arg1[%get3A, %get3A_0] : memref<8000x128xf32, #tpu.memory_space<vmem>>, vector<8000x128xf32>
    %get3A_2 = arith.constant 0 : index
    %get3A_3 = arith.constant 0 : index
    %get3A_4 = vector.load %arg2[%get3A_2, %get3A_3] : memref<128x1xf32, #tpu.memory_space<vmem>>, vector<128x1xf32>
    %dot_general3A = arith.constant dense<0.000000e+00> : vector<8000x1xf32>
    %dot_general3A_5 = tpu.matmul %get3A_1, %get3A_4, %dot_general3A {dimension_numbers = #tpu.dot_dimension_numbers<[1], [0], [0], [1], [0, 0, 1, 1], [], []>, transpose_lhs_hint = false} : vector<8000x128xf32>, vector<128x1xf32>, vector<8000x1xf32> -> vector<8000x1xf32>
    %get3A_6 = arith.constant 0 : index
    %get3A_7 = arith.constant 0 : index
    %get3A_8 = vector.load %arg3[%get3A_6, %get3A_7] : memref<1x1xf32, #tpu.memory_space<vmem>>, vector<1x1xf32>
    %get3A_9 = vector.extract %get3A_8[0, 0] : f32 from vector<1x1xf32>
    %add3A = vector.broadcast %get3A_9 : f32 to vector<8000x1xf32>
    %add3A_10 = arith.addf %dot_general3A_5, %add3A : vector<8000x1xf32>
    %swap3A = arith.constant 0 : index
    %swap3A_11 = arith.constant 0 : index
    %swap3A_12 = vector.load %arg4[%swap3A, %swap3A_11] : memref<8000x1xf32, #tpu.memory_space<vmem>>, vector<8000x1xf32>
    tpu.vector_store %arg4[%swap3A, %swap3A_11], %add3A_10 {strides = array<i32>} : memref<8000x1xf32, #tpu.memory_space<vmem>>, vector<8000x1xf32>,
    return
  }
  func.func @transform_0(%arg0: i32) -> (i32, i32) {
    %c0_i32 = arith.constant 0 : i32
    %c0_i32_0 = arith.constant 0 : i32
    return %arg0, %c0_i32 : i32, i32
  }
  func.func @transform_1(%arg0: i32) -> (i32, i32) {
    %c0_i32 = arith.constant 0 : i32
    %c0_i32_0 = arith.constant 0 : i32
    %c0_i32_1 = arith.constant 0 : i32
    return %c0_i32, %c0_i32_0 : i32, i32
  }
  func.func @transform_2(%arg0: i32) -> (i32, i32) {
    %c0_i32 = arith.constant 0 : i32
    %c0_i32_0 = arith.constant 0 : i32
    %c0_i32_1 = arith.constant 0 : i32
    return %c0_i32, %c0_i32_0 : i32, i32
  }
  func.func @transform_3(%arg0: i32) -> (i32, i32) {
    %c0_i32 = arith.constant 0 : i32
    %c0_i32_0 = arith.constant 0 : i32
    return %arg0, %c0_i32 : i32, i32
  }
}

</mosaic_0001>

<sc_bundles>
// kernel: kernel.13.cloned.1.call-start
scs
__scs_entry_jumppad:
0x0: {  	(pc) =	sbr.rel $0x88, $3  }
0x1: {  	(tag) =	ssettag $0x0;
	lr =	simm.s32 $0x1  }
0x2: {  	[smem:$0x3F97] =	sst lr;
	_ =	strace $0xD0000000  }
0x3: {  	_ = 	snop  }
0x4: {  	_ = 	snop  }
0x5: {  	_ = 	snop  }
0x6: {  	_ = 	snop  }
0x7: {  	_ = 	snop  }
__scs_overlays_trampoline_lowered:
0x8: {  	[smem:$0x3FA6] =	sst s0  }
0x9: {  	[smem:$0x3FA7] =	sst s1  }
0xa: {  	[smem:$0x3FA8] =	sst s2  }
0xb: {  	[smem:$0x3FA9] =	sst s3  }
0xc: {  	[smem:$0x3FAA] =	sst s4  }
0xd: {  	[smem:$0x3FAB] =	sst s5  }
0xe: {  	[smem:$0x3FAC] =	sst s6  }
0xf: {  	[smem:$0x3FAD] =	sst s7  }
0x10: {  	[smem:$0x3FAE] =	sst s8  }
0x11: {  	[smem:$0x3FAF] =	sst s9;
	s0 =	simm.s32 @!p0 $0x0  }
0x12: {  	s1 =	sld [smem:$0x3F95];
	s0 =	simm.s32 @p0 $0x1  }
0x13: {  	[smem:$0x3FB0] =	sst s0;
	s0 =	simm.s32 @!p1 $0x0  }
0x14: {  	s2 =	sld [smem:$0x3F94];
	s0 =	simm.s32 @p1 $0x1  }
0x15: {  	[smem:$0x3FB1] =	sst s0;
	s0 =	simm.s32 @!p2 $0x0  }
0x16: {  	s3 =	sld [smem:$0x3FDB];
	s0 =	simm.s32 @p2 $0x1  }
0x17: {  	s4 =	simm.s32 $0x1BF5;
	[smem:$0x3FB3] =	sst s0  }
0x18: {  	s0 =	sld [smem:$0x3F96];
	_ =	swait.ge [sflag:s4], $0x0  }
0x19: {  	s7 =	sld [smem:$0x3F97]  }
0x1a: {  	s8 =	sadd.s32 $0xFFFFE003, lr  }
0x1b: {  	s9 =	sadd.s32 $0xFFFFFEF7, lr;
	s5 =	simm.s32 $0xFFFFFFFF;
	p2 =	slt.u32 s8, $0xFFFFF086  }
0x1c: {  	p1 =	slt.u32 s9, $0xF7A;
	s5 =	simm.s32 @!p2 $0x0  }
0x1d: {  	s5 =	simm.s32 @p1 $0x1;
	p0 =	seq.s32 s7, s2  }
0x1e: {  	s7 =	smul.u32 @!p0 $0xF7A, s2;
	p2 =	seq.s32 @!p0 s5, $0x0  }
0x1f: {  	s9 =	smul.u32 $0xF7A, s1;
	s8 =	simm.s32 @!p0 $0x1BF5;
	p2 =	por !p2, p0  }
0x20: {  	[sflag:s8] =	ssyncset.s32 @!p0 $0xFFFFF086;
	s6 =	sadd.s32 @!p0 s3, s7;
	s7 =	simm.s32 @!p0 $0x108  }
0x21: {  	s3 =	sadd.s32 s3, s9;
	s6 =	sadd.s32 @!p0 $0x88, s6;
	s7 =	simm.s32 @p2 $0x1082  }
0x22: {  	[simem:s7], [sflag:s8] =	dma.local @!p0 [hbm:s6], $0xF7A  }
0x23: {  	s9 =	sor.u32 $0xD0000000, s2;
	s6 =	simm.s32 $0x108;
	_ =	swait.ge @!p0 [sflag:s8], $0x0  }
0x24: {  	s3 =	sadd.s32 $0x88, s3;
	s6 =	simm.s32 @!p1 $0x1082;
	[sflag:s4] =	ssyncset.s32 $0xFFFFF086  }
0x25: {  	[simem:s6], [sflag:s4] =	dma.local [hbm:s3], $0xF7A  }
0x26: {  	[smem:$0x3F97] =	sst s1;
	(tag) =	ssettag s2;
	_ =	strace s9  }
0x27: {  	s1 =	sld [smem:$0x3FA7]  }
0x28: {  	s2 =	sld [smem:$0x3FA8]  }
0x29: {  	s4 =	sld [smem:$0x3FAA]  }
0x2a: {  	p0 =	seq.s32 s5, $0x0;
	s5 =	sld [smem:$0x3FAB]  }
0x2b: {  	s6 =	sld [smem:$0x3FAC]  }
0x2c: {  	s7 =	sld [smem:$0x3FAD]  }
0x2d: {  	s3 =	simm.s32 $0x108;
	s8 =	sld [smem:$0x3FAE]  }
0x2e: {  	s3 =	simm.s32 @!p0 $0x1082;
	s9 =	sld [smem:$0x3FAF]  }
0x2f: {  	lr =	sadd.s32 s0, s3;
	s0 =	sld [smem:$0x3FA6]  }
0x30: {  	s3 =	sld [smem:$0x3FA9]  }
0x31: {  	[smem:$0x3FB2] =	sst s10  }
0x32: {  	s10 =	sld [smem:$0x3FB0];
	_ =	sdelay $0x3  }
0x33: {  	p0 =	seq.s32 s10, $0x1;
	s10 =	sld [smem:$0x3FB2];
	_ =	sdelay $0x3  }
0x34: {  	[smem:$0x3FB2] =	sst s10  }
0x35: {  	s10 =	sld [smem:$0x3FB1];
	_ =	sdelay $0x3  }
0x36: {  	p1 =	seq.s32 s10, $0x1;
	s10 =	sld [smem:$0x3FB2];
	_ =	sdelay $0x3  }
0x37: {  	[smem:$0x3FB2] =	sst s10  }
0x38: {  	s10 =	sld [smem:$0x3FB3]  }
0x39: {  	_ = 	snop;
	(pc) =	sbr.ind lr, $3  }
0x3a: {  	_ = 	snop  }
0x3b: {  	_ = 	snop  }
0x3c: {  	p2 =	seq.s32 s10, $0x1;
	s10 =	sld [smem:$0x3FB2]  }
0x3d: {  	_ =	shalt  }
0x3e: {  	_ =	shalt  }
0x3f: {  	_ =	shalt  }
0x40: {  	_ =	shalt  }
0x41: {  	_ =	shalt  }
0x42: {  	_ =	shalt  }
0x43: {  	_ =	shalt  }
0x44: {  	_ =	shalt  }
0x45: {  	_ =	shalt  }
0x46: {  	_ =	shalt  }
0x47: {  	_ =	shalt  }
0x48: {  	_ =	shalt  }
0x49: {  	_ =	shalt  }
0x4a: {  	_ =	shalt  }
0x4b: {  	_ =	shalt  }
0x4c: {  	_ =	shalt  }
0x4d: {  	_ =	shalt  }
0x4e: {  	_ =	shalt  }
0x4f: {  	_ =	shalt  }
0x50: {  	_ =	shalt  }
0x51: {  	_ =	shalt  }
0x52: {  	_ =	shalt  }
0x53: {  	_ =	shalt  }
0x54: {  	_ =	shalt  }
0x55: {  	_ =	shalt  }
0x56: {  	_ =	shalt  }
0x57: {  	_ =	shalt  }
0x58: {  	_ =	shalt  }
0x59: {  	_ =	shalt  }
0x5a: {  	_ =	shalt  }
0x5b: {  	_ =	shalt  }
0x5c: {  	_ =	shalt  }
0x5d: {  	_ =	shalt  }
0x5e: {  	_ =	shalt  }
0x5f: {  	_ =	shalt  }
0x60: {  	_ =	shalt  }
0x61: {  	_ =	shalt  }
0x62: {  	_ =	shalt  }
0x63: {  	_ =	shalt  }
0x64: {  	_ =	shalt  }
0x65: {  	_ =	shalt  }
0x66: {  	_ =	shalt  }
0x67: {  	_ =	shalt  }
0x68: {  	_ =	shalt  }
0x69: {  	_ =	shalt  }
0x6a: {  	_ =	shalt  }
0x6b: {  	_ =	shalt  }
0x6c: {  	_ =	shalt  }
0x6d: {  	_ =	shalt  }
0x6e: {  	_ =	shalt  }
0x6f: {  	_ =	shalt  }
0x70: {  	_ =	shalt  }
0x71: {  	_ =	shalt  }
0x72: {  	_ =	shalt  }
0x73: {  	_ =	shalt  }
0x74: {  	_ =	shalt  }
0x75: {  	_ =	shalt  }
0x76: {  	_ =	shalt  }
0x77: {  	_ =	shalt  }
0x78: {  	_ =	shalt  }
0x79: {  	_ =	shalt  }
0x7a: {  	_ =	shalt  }
0x7b: {  	_ =	shalt  }
0x7c: {  	_ =	shalt  }
0x7d: {  	_ =	shalt  }
0x7e: {  	_ =	shalt  }
0x7f: {  	_ =	shalt  }
0x80: {  	_ =	shalt  }
0x81: {  	_ =	shalt  }
0x82: {  	_ =	shalt  }
0x83: {  	_ =	shalt  }
0x84: {  	_ =	shalt  }
0x85: {  	_ =	shalt  }
0x86: {  	_ =	shalt  }
0x87: {  	_ =	shalt  }
.Lfunc_end0:
.L_simem_size_0:
called_computation_lowered:
.L_overlay_start_0:
0x88: {  	s2 =	sld [smem:$0x3FD9]  }
0x89: {  	s3 =	sld [smem:$0x3FFE];
	_ =	sdelay $0x1  }
0x8a: {  	s1 =	srdreg.scid  }
0x8b: {  	s0 =	sand.u32 $0x1, s1  }
0x8c: {  	s14 =	sshll.u32 s0, $0xA;
	s2 =	sadd.s32 s3, s2  }
0x8d: {  	s2 =	sadd.s32 s2, s14  }
0x8e: {  	[smem:$0x3FBE] =	sst s2  }
0x8f: {  	_ = 	snop  }
0x90: {  	s2 =	sld [smem:$0x3FD0];
	_ =	sdelay $0x2  }
0x91: {  	s15 =	simm.s32 $0xA;
	s4 =	simm.s32 $0x10  }
0x92: {  	[smem:s4], [sflag:s15] =	dma.local [hbm:s2], $0x1  }
0x93: {  	_ =	swait.eq [sflag:s15], $0x1  }
0x94: {  	[sflag:s15] =	ssyncset.done $0x0  }
0x95: {  	s16 =	sld [smem:$0x10];
	[sflag:s15] =	ssyncadd.s32 $0xFFFFFFFF  }
0x96: {  	s17 =	sld [smem:$0x12];
	(tm) =	ssettm $0x1  }
0x97: {  	s18 =	sld [smem:$0x3FFB];
	_ =	sdelay $0x3  }
0x98: {  	_ =	strace s18  }
0x99: {  	s4 =	sld [smem:$0x3FFC];
	_ =	sdelay $0x3  }
0x9a: {  	_ =	strace s4  }
0x9b: {  	s4 =	sld [smem:$0x3FFD];
	_ =	sdelay $0x3  }
0x9c: {  	_ =	strace s4  }
0x9d: {  	_ =	strace $0x8FFFFFFF  }
0x9e: {  	s19 =	sld [smem:$0x3FDB];
	_ =	sdelay $0x1  }
0x9f: {  	s5 =	simm.s32 $_scs_section_size  }
0xa0: {  	s6 =	simm.s32 $_size__tile_overlayer_lowered;
	s7 =	simm.s32 $_tile_overlayer_lowered  }
0xa1: {  	s22 =	simm.s32 $0x1BFF;
	s21 =	sshll.u32 s7, $0x1;
	s4 =	sadd.s32 s5, s19  }
0xa2: {  	s8 =	simm.s32 $0x0;
	s20 =	sshll.u32 s6, $0x1;
	s6 =	sadd.s32 s21, s4  }
0xa3: {  	[timem:s8], [sflag:s22] =	dma.local [hbm:s6], s20  }
0xa4: {  	_ =	swait.ge [sflag:s22], s20  }
0xa5: {  	s5 =	ssub.s32 $0x0, s20;
	[sflag:s22] =	ssyncset.done $0x0  }
0xa6: {  	[sflag:s22] =	ssyncadd.s32 s5;
	_ =	sdelay $0x1  }
0xa7: {  	s23 =	simm.s32 $0x1B8B  }
0xa8: {  	_ =	swait.ge [sflag:s23], $0x1  }
0xa9: {  	[sflag:s23] =	ssyncset.done $0x0  }
0xaa: {  	s25 =	simm.s32 $0x1B8E;
	s24 =	sld [smem:$0x3FFE];
	[sflag:s23] =	ssyncadd.s32 $0xFFFFFFFF  }
0xab: {  	s26 =	simm.s32 $execute0_lowered;
	[smem:$0x3FD2] =	sst s25  }
0xac: {  	s6 =	sshll.u32 s26, $0x1;
	_ =	strace $0x80000046;
	[dreg:$0x1] =	wrdreg $0xFFFFFFFF  }
0xad: {  	s28 =	simm.s32 $_size_execute0_lowered;
	s4 =	sadd.s32 s4, s6;
	[dreg:$0x0] =	wrdreg $0x0  }
0xae: {  	s6 =	sshll.u32 s28, $0x1;
	[dreg:$0x2] =	wrdreg s4  }
0xaf: {  	[dreg:$0x3] =	wrdreg s6  }
0xb0: {  	[dreg:$0x4] =	wrdreg $0xC0  }
0xb1: {  	_ =	task [dreg:s8], $0x5FFFF  }
0xb2: {  	[dreg:$0x1] =	wrdreg $0xFFFFFFFF  }
0xb3: {  	[dreg:$0x0] =	wrdreg $0x60  }
0xb4: {  	[dreg:$0x2] =	wrdreg s24  }
0xb5: {  	[dreg:$0x3] =	wrdreg s16  }
0xb6: {  	[dreg:$0x4] =	wrdreg s17  }
0xb7: {  	[dreg:$0x5] =	wrdreg $0x51000  }
0xb8: {  	[dreg:$0x6] =	wrdreg $0x9  }
0xb9: {  	_ =	task.clear_ibuf [dreg:s8], $0x7FFFF;
	_ =	strace $0x90000046  }
0xba: {  	s29 =	simm.s32 $0x9;
	_ =	strace $0x80000048  }
0xbb: {  	_ =	swait.ge [sflag:s29], $0x1  }
0xbc: {  	[sflag:s29] =	ssyncadd.s32 $0xFFFFFFFF  }
0xbd: {  	_ =	strace $0x90000048  }
0xbe: {  	_ =	sfence  }
0xbf: {  	s30 =	sld [smem:$0x0];
	_ =	sdelay $0x2  }
0xc0: {  	s31 =	sshll.u32 s1, $0xD;
	s1 =	sshrl.u32 s1, $0x2  }
0xc1: {  	s3 =	sand.u32 $0x4000, s31;
	s1 =	sadd.s32 s1, s30  }
0xc2: {  	s0 =	sor.u32 s3, s0;
	s1 =	sshll.u32 s1, $0x11  }
0xc3: {  	s0 =	sor.u32 s1, s0  }
0xc4: {  	s0 =	sadd.s32 $0x8F2B, s0  }
0xc5: {  	[sflag:s0] =	ssyncadd.remote.s32 $0x1  }
0xc6: {  	_ =	sfence.sel $0xFFFF  }
0xc7: {  	[dreg:$0x0] =	wrdreg $0xFFFFFFFF;
	(pc) =	sbr.abs _section_cstart, $3  }
0xc8: {  	[dreg:$0x1] =	wrdreg $0xFFFFFFFF  }
0xc9: {  	_ =	task.clear_ibuf [dreg:s8], $0x2FFFF;
	_ =	strace $0x9FFFFFFF  }
0xca: {  	(tm) =	ssettm $0x7FFFFFFF  }
0xcb: {  	_ =	shalt  }
tec
execute0_lowered:
.L_overlay_start_1:
0x0: {  	(tag) =	ssettag $0x1  }
0x1: {  	s11 =	rddreg [dreg:$0x0]  }
0x2: {  	s1 =	rddreg [dreg:$0x1]  }
0x3: {  	s2 =	rddreg [dreg:$0x2]  }
0x4: {  	s3 =	rddreg [dreg:$0x3]  }
0x5: {  	s0 =	rddreg [dreg:$0x4];
	s5 =	simm.s32 $0x0  }
0x6: {  	s4 =	stileid.u32;
	s9 =	srdreg.scid;
	s21 =	simm.s32 $0x50  }
0x7: {  	s22 =	simm.s32 $0x2800;
	s23 =	simm.s32 $0x0;
	[smem:$0x7FF] =	sst s5  }
0x8: {  	s6 =	sadd.s32 $0xE000, s11;
	s13 =	smul.u32 $0x2700, s4;
	s7 =	sadd.s32 $0x4F0000, s11  }
0x9: {  	s8 =	sadd.s32 $0x4200, s11;
	s12 =	sand.u32 $0x1, s9;
	s14 =	smul.u32 $0x4E000, s4  }
0xa: {  	s15 =	sadd.s32 $0x53E400, s11;
	s20 =	sadd.s32 $0x138000, s3;
	p0 =	sne.s32 s4, $0xF  }
0xb: {  	s30 =	sshll.u32 s4, $0x6;
	_ =	strace $0x80000047;
	s31 =	smul.u32 $0x138800, s12  }
0xc: {  	s10 =	ssub.s32 $0x2, s12;
	s17 =	sshll.u32 s12, $0x4;
	s19 =	smul.u32 $0x27100, s12  }
0xd: {  	s28 =	sadd.s32 s13, s11;
	s16 =	sshrl.u32 s10, $0x1;
	s17 =	sor.u32 s4, s17  }
0xe: {  	s29 =	sshrl.u32 s14, $0x2;
	s11 =	sadd.s32 $0x53E200, s11;
	s16 =	ssub.s32 s10, s16  }
0xf: {  	s18 =	sadd.s32 s29, s3;
	s9 =	sadd.s32 $0x517200, s28;
	s10 =	sor.u32 $0x1C01, s30  }
0x10: {  	s14 =	sshrl.u32 s31, $0x3;
	s12 =	smul.u32 $0x2710, s17;
	s13 =	sadd.s32 s13, s19  }
0x11: {  	s17 =	simm.s32 $0x1;
	s19 =	simm.s32 $0x5000;
	s14 =	sadd.s32 s15, s14  }
0x12: {  	s13 =	sadd.s32 s15, s13;
	s15 =	smax.u32 s16, $0x1;
	s16 =	sshrl.u32 s18, $0x3  }
0x13: {  	s18 =	sshrl.u32 @!p0 s20, $0x3;
	s20 =	simm.s32 $0x5080;
	s14 =	sadd.s32 $0x27000, s14  }
.LBB2_1:
0x14: {  	[spmem:s16], [sflag:s10] =	dma.local [hbm:s9], $0x2700  }
0x15: {  	_ =	swait.ge [sflag:s17], $0x2700  }
0x16: {  	[sflag:s17] =	ssyncset.done $0x0  }
0x17: {  	s24 =	simm.s32 @!p0 $0x1;
	[sflag:s17] =	ssyncadd.s32 $0xFFFFD900  }
0x18: {  	[spmem:s18], [sflag:s10] =	dma.local @!p0 [hbm:s11], $0x100  }
0x19: {  	_ =	swait.ge @!p0 [sflag:s24], $0x100  }
0x1a: {  	[sflag:s24] =	ssyncset.done @!p0 $0x0  }
0x1b: {  	[sflag:s24] =	ssyncadd.s32 @!p0 $0xFFFFFF00  }
0x1c: {  	s24 =	simm.s32 $0x0;
	[bflag:$0x0] =	sbarrier.arrive $0xFFFF  }
.LBB2_2:
0x1d: {  	s25 =	smul.u32 $0x50, s24;
	_ =	sdelay $0x1  }
0x1e: {  	s25 =	sadd.s32 s12, s25  }
0x1f: {  	s26 =	sshrl.u32 s25, $0x3  }
0x20: {  	s29 =	simm.s32 $0x0;
	s28 =	sadd.s32 s8, s26  }
0x21: {  	[tilespmem:s19], [sflag:$0x1] =	stream.linear.gather [hbm4b:s28+s29], $0x50, $0x38;
	[tilespmem:$0x18980] =	vst v63  }
0x22: {  	_ =	swait.ge [sflag:s17], $0x50  }
0x23: {  	[sflag:s17] =	ssyncset.done $0x0  }
0x24: {  	s26 =	sadd.s32 s1, s26;
	[sflag:s17] =	ssyncadd.s32 $0xFFFFFFB0  }
0x25: {  	[tilespmem:s20], [sflag:$0x1] =	stream.linear.gather [hbm4b:s26+s29], $0x50, $0x38;
	[tilespmem:$0x18980] =	vst v63  }
0x26: {  	_ =	swait.ge [sflag:s17], $0x50  }
0x27: {  	s25 =	sshll.u32 s25, $0x4;
	[sflag:s17] =	ssyncset.done $0x0  }
0x28: {  	s31 =	sadd.s32 s6, s25;
	[sflag:s17] =	ssyncadd.s32 $0xFFFFFFB0  }
0x29: {  	[tilespmem:s29], [sflag:$0x1] =	stream.linear.gather [hbm4b:s31+s29], $0x2800, $0x38;
	[tilespmem:$0x18980] =	vst v63  }
0x2a: {  	_ =	swait.ge [sflag:s17], $0x2800  }
0x2b: {  	[sflag:s17] =	ssyncset.done $0x0  }
0x2c: {  	[sflag:s17] =	ssyncadd.s32 $0xFFFFD800  }
0x2d: {  	[tilespmem:s22], [sflag:$0x1] =	stream.indirect.gather [hbm4b:s7+s21], $0x80, s19, s21, $0xb8;
	[tilespmem:$0x18980] =	vst v63  }
0x2e: {  	_ =	swait.ge [sflag:s17], $0x2800  }
0x2f: {  	[sflag:s17] =	ssyncset.done $0x0  }
0x30: {  	s26 =	simm.s32 $0x0;
	[sflag:s17] =	ssyncadd.s32 $0xFFFFD800  }
0x31: {  	v6 =	vld [tilespmem:s26+$0x2800]  }
0x32: {  	v11 =	vld [tilespmem:s26+$0x2810]  }
0x33: {  	v5 =	vld [tilespmem:s26+$0x2820]  }
0x34: {  	v4 =	vld [tilespmem:s26+$0x2830]  }
0x35: {  	v3 =	vld [tilespmem:s26+$0x2840]  }
0x36: {  	v2 =	vld [tilespmem:s26+$0x2850]  }
0x37: {  	v1 =	vld [tilespmem:s26+$0x2860]  }
0x38: {  	v0 =	vld [tilespmem:s26+$0x2870]  }
0x39: {  	v12 =	vld [tilespmem:s26+$0x0]  }
0x3a: {  	v13 =	vld [tilespmem:s26+$0x10]  }
0x3b: {  	v10 =	vld [tilespmem:s26+$0x20]  }
0x3c: {  	v9 =	vld [tilespmem:s26+$0x30]  }
0x3d: {  	v8 =	vld [tilespmem:s26+$0x40]  }
0x3e: {  	v7 =	vld [tilespmem:s26+$0x50];
	v12 =	vadd.f32 v6, v12  }
0x3f: {  	s28 =	simm.s32 $0x200;
	v11 =	vadd.f32 v11, v13;
	v6 =	vld [tilespmem:s26+$0x60]  }
.LBB2_3:
0x40: {  	s29 =	sshra.s32 s28, $0x2;
	p1 =	sne.s32 s28, $0x9E00;
	v12 =	vmax.f32 v12, $0.0e+00;
	v5 =	vadd.f32 v5, v10;
	v10 =	vld [tilespmem:s26+$0x70]  }
0x41: {  	v13 =	vld [tilespmem:s29+$0x2800];
	[tilespmem:s26+$0x0] =	vst v12;
	v11 =	vmax.f32 v11, $0.0e+00;
	v4 =	vadd.f32 v4, v9  }
0x42: {  	v14 =	vld [tilespmem:s29+$0x2810];
	[tilespmem:s26+$0x10] =	vst v11;
	v9 =	vmax.f32 v5, $0.0e+00;
	v3 =	vadd.f32 v3, v8  }
0x43: {  	v5 =	vld [tilespmem:s29+$0x2820];
	[tilespmem:s26+$0x20] =	vst v9;
	v8 =	vmax.f32 v4, $0.0e+00;
	v2 =	vadd.f32 v2, v7  }
0x44: {  	v4 =	vld [tilespmem:s29+$0x2830];
	[tilespmem:s26+$0x30] =	vst v8;
	v7 =	vmax.f32 v3, $0.0e+00;
	v1 =	vadd.f32 v1, v6  }
0x45: {  	v3 =	vld [tilespmem:s29+$0x2840];
	[tilespmem:s26+$0x40] =	vst v7;
	v6 =	vmax.f32 v2, $0.0e+00;
	v0 =	vadd.f32 v0, v10  }
0x46: {  	v2 =	vld [tilespmem:s29+$0x2850];
	[tilespmem:s26+$0x50] =	vst v6;
	v6 =	vmax.f32 v1, $0.0e+00  }
0x47: {  	v1 =	vld [tilespmem:s29+$0x2860];
	[tilespmem:s26+$0x60] =	vst v6;
	v6 =	vmax.f32 v0, $0.0e+00  }
0x48: {  	v0 =	vld [tilespmem:s29+$0x2870];
	[tilespmem:s26+$0x70] =	vst v6;
	s26 =	smov.u32 s29  }
0x49: {  	v6 =	vld [tilespmem:s26+$0x0]  }
0x4a: {  	v11 =	vld [tilespmem:s26+$0x10]  }
.Ltmp0:
0x4b: {  	v10 =	vld [tilespmem:s26+$0x20];
	(pc) =	sbr.rel @p1 .LBB2_3-.Ltmp0, $4  }
0x4c: {  	v9 =	vld [tilespmem:s26+$0x30]  }
0x4d: {  	v8 =	vld [tilespmem:s26+$0x40]  }
0x4e: {  	v12 =	vadd.f32 v13, v6;
	v7 =	vld [tilespmem:s26+$0x50]  }
0x4f: {  	s28 =	sadd.s32 $0x200, s28;
	v11 =	vadd.f32 v14, v11;
	v6 =	vld [tilespmem:s26+$0x60]  }
0x50: {  	v12 =	vmax.f32 v12, $0.0e+00;
	v5 =	vadd.f32 v5, v10;
	v63 =	vld [tilespmem:s26+$0x70]  }
0x51: {  	[tilespmem:s26+$0x0] =	vst v12;
	v11 =	vmax.f32 v11, $0.0e+00;
	v4 =	vadd.f32 v4, v9  }
0x52: {  	[tilespmem:s26+$0x10] =	vst v11;
	v5 =	vmax.f32 v5, $0.0e+00;
	v3 =	vadd.f32 v3, v8  }
0x53: {  	[tilespmem:s26+$0x20] =	vst v5;
	v4 =	vmax.f32 v4, $0.0e+00;
	v2 =	vadd.f32 v2, v7  }
0x54: {  	[tilespmem:s26+$0x30] =	vst v4;
	v3 =	vmax.f32 v3, $0.0e+00;
	v1 =	vadd.f32 v1, v6  }
0x55: {  	[tilespmem:s26+$0x40] =	vst v3;
	v2 =	vmax.f32 v2, $0.0e+00;
	v0 =	vadd.f32 v0, v63  }
0x56: {  	[tilespmem:s26+$0x50] =	vst v2;
	v1 =	vmax.f32 v1, $0.0e+00  }
0x57: {  	[tilespmem:s26+$0x60] =	vst v1;
	v0 =	vmax.f32 v0, $0.0e+00  }
0x58: {  	s25 =	sadd.s32 s2, s25;
	[tilespmem:s26+$0x70] =	vst v0  }
0x59: {  	[hbm4b:s25+s5] =	stream.linear.scatter [tilespmem:s5], [sflag:$0x1], $0x2800, $0x38;
	[tilespmem:$0x18980] =	vst v63  }
0x5a: {  	s24 =	sadd.s32 $0x1, s24;
	_ =	swait.ge [sflag:s17], $0x2800  }
0x5b: {  	p1 =	sne.s32 s24, $0x7D;
	[sflag:s17] =	ssyncset.done $0x0  }
.Ltmp1:
0x5c: {  	[sflag:s17] =	ssyncadd.s32 $0xFFFFD800;
	(pc) =	sbr.rel @p1 .LBB2_2-.Ltmp1, $4  }
0x5d: {  	[spmem:s3] =	stream.indirect.scatter.add.f32 [tilespmem:s5], [sflag:$0x1], $0x80, s20, s21, $0xb8;
	[tilespmem:$0x18980] =	vst v63  }
0x5e: {  	_ =	swait.ge [sflag:s17], $0x2800  }
0x5f: {  	[sflag:s17] =	ssyncset.done $0x0  }
0x60: {  	[sflag:s17] =	ssyncadd.s32 $0xFFFFD800  }
0x61: {  	[bflag:$0x0] =	sbarrier.arrive $0xFFFF  }
0x62: {  	[hbm:s13], [sflag:s10] =	dma.local [spmem:s16], $0x2700  }
0x63: {  	s23 =	sadd.s32 $0x1, s23;
	_ =	swait.ge [sflag:s17], $0x2700  }
0x64: {  	p1 =	sne.s32 s23, s15;
	[sflag:s17] =	ssyncset.done $0x0  }
.Ltmp2:
0x65: {  	s24 =	simm.s32 @!p0 $0x1;
	[sflag:s17] =	ssyncadd.s32 $0xFFFFD900;
	(pc) =	sbr.rel @p1 .LBB2_1-.Ltmp2, $4  }
0x66: {  	[hbm:s14], [sflag:s10] =	dma.local @!p0 [spmem:s18], $0x100  }
0x67: {  	_ =	swait.ge @!p0 [sflag:s24], $0x100  }
0x68: {  	[sflag:s24] =	ssyncset.done @!p0 $0x0  }
0x69: {  	[sflag:s24] =	ssyncadd.s32 @!p0 $0xFFFFFF00  }
0x6a: {  	_ =	sfence.sel $0x180000  }
0x6b: {  	[bflag:$0x0] =	sbarrier.arrive $0xFFFF  }
0x6c: {  	p0 =	sne.s32 s4, $0x0;
	_ =	strace $0x90000047  }
0x6d: {  	s0 =	sadd.s32 @!p0 $0x100000, s0;
	[bflag:$0x2] =	sbarrier.arrive $0xFFFF  }
0x6e: {  	[sflag:s0] =	ssyncadd.tile.s32 @!p0 $0x1;
	_ =	shalt  }
.Lfunc_end2:
_tile_overlayer_lowered:
.L_overlay_start_2:
0x6f: {  	(tag) =	ssettag $0x2  }
0x70: {  	s0 =	rddreg [dreg:$0x0];
	s2 =	stileid.u32  }
0x71: {  	s1 =	rddreg [dreg:$0x1];
	p0 =	sne.s32 s2, $0x0  }
0x72: {  	s3 =	rddreg [dreg:$0x2];
	[bflag:$0x3] =	sbarrier.arrive $0xFFFF;
	s2 =	simm.s32 @!p0 $0x1C01  }
0x73: {  	[timem:s3], [sflag:s2] =	dma.local @!p0 [hbm:s0], s1  }
0x74: {  	s0 =	simm.s32 @!p0 $0x1  }
0x75: {  	_ =	swait.ge @!p0 [sflag:s0], s1  }
0x76: {  	s1 =	ssub.s32 @!p0 $0x0, s1;
	[sflag:s0] =	ssyncset.done @!p0 $0x0  }
0x77: {  	[sflag:s0] =	ssyncadd.s32 @!p0 s1  }
0x78: {  	[bflag:$0x3] =	sbarrier.arrive $0xFFFF  }
0x79: {  	_ =	shalt  }

// kernel: kernel.16.cloned.1.call-start
scs
__scs_entry_jumppad:
0x0: {  	(pc) =	sbr.rel $0x88, $3  }
0x1: {  	(tag) =	ssettag $0x0;
	lr =	simm.s32 $0x1  }
0x2: {  	[smem:$0x3F97] =	sst lr;
	_ =	strace $0xD0000000  }
0x3: {  	_ = 	snop  }
0x4: {  	_ = 	snop  }
0x5: {  	_ = 	snop  }
0x6: {  	_ = 	snop  }
0x7: {  	_ = 	snop  }
__scs_overlays_trampoline_lowered:
0x8: {  	[smem:$0x3FA6] =	sst s0  }
0x9: {  	[smem:$0x3FA7] =	sst s1  }
0xa: {  	[smem:$0x3FA8] =	sst s2  }
0xb: {  	[smem:$0x3FA9] =	sst s3  }
0xc: {  	[smem:$0x3FAA] =	sst s4  }
0xd: {  	[smem:$0x3FAB] =	sst s5  }
0xe: {  	[smem:$0x3FAC] =	sst s6  }
0xf: {  	[smem:$0x3FAD] =	sst s7  }
0x10: {  	[smem:$0x3FAE] =	sst s8  }
0x11: {  	[smem:$0x3FAF] =	sst s9;
	s0 =	simm.s32 @!p0 $0x0  }
0x12: {  	s1 =	sld [smem:$0x3F95];
	s0 =	simm.s32 @p0 $0x1  }
0x13: {  	[smem:$0x3FB0] =	sst s0;
	s0 =	simm.s32 @!p1 $0x0  }
0x14: {  	s2 =	sld [smem:$0x3F94];
	s0 =	simm.s32 @p1 $0x1  }
0x15: {  	[smem:$0x3FB1] =	sst s0;
	s0 =	simm.s32 @!p2 $0x0  }
0x16: {  	s3 =	sld [smem:$0x3FDB];
	s0 =	simm.s32 @p2 $0x1  }
0x17: {  	s4 =	simm.s32 $0x1BF5;
	[smem:$0x3FB3] =	sst s0  }
0x18: {  	s0 =	sld [smem:$0x3F96];
	_ =	swait.ge [sflag:s4], $0x0  }
0x19: {  	s7 =	sld [smem:$0x3F97]  }
0x1a: {  	s8 =	sadd.s32 $0xFFFFE003, lr  }
0x1b: {  	s9 =	sadd.s32 $0xFFFFFEF7, lr;
	s5 =	simm.s32 $0xFFFFFFFF;
	p2 =	slt.u32 s8, $0xFFFFF086  }
0x1c: {  	p1 =	slt.u32 s9, $0xF7A;
	s5 =	simm.s32 @!p2 $0x0  }
0x1d: {  	s5 =	simm.s32 @p1 $0x1;
	p0 =	seq.s32 s7, s2  }
0x1e: {  	s7 =	smul.u32 @!p0 $0xF7A, s2;
	p2 =	seq.s32 @!p0 s5, $0x0  }
0x1f: {  	s9 =	smul.u32 $0xF7A, s1;
	s8 =	simm.s32 @!p0 $0x1BF5;
	p2 =	por !p2, p0  }
0x20: {  	[sflag:s8] =	ssyncset.s32 @!p0 $0xFFFFF086;
	s6 =	sadd.s32 @!p0 s3, s7;
	s7 =	simm.s32 @!p0 $0x108  }
0x21: {  	s3 =	sadd.s32 s3, s9;
	s6 =	sadd.s32 @!p0 $0x88, s6;
	s7 =	simm.s32 @p2 $0x1082  }
0x22: {  	[simem:s7], [sflag:s8] =	dma.local @!p0 [hbm:s6], $0xF7A  }
0x23: {  	s9 =	sor.u32 $0xD0000000, s2;
	s6 =	simm.s32 $0x108;
	_ =	swait.ge @!p0 [sflag:s8], $0x0  }
0x24: {  	s3 =	sadd.s32 $0x88, s3;
	s6 =	simm.s32 @!p1 $0x1082;
	[sflag:s4] =	ssyncset.s32 $0xFFFFF086  }
0x25: {  	[simem:s6], [sflag:s4] =	dma.local [hbm:s3], $0xF7A  }
0x26: {  	[smem:$0x3F97] =	sst s1;
	(tag) =	ssettag s2;
	_ =	strace s9  }
0x27: {  	s1 =	sld [smem:$0x3FA7]  }
0x28: {  	s2 =	sld [smem:$0x3FA8]  }
0x29: {  	s4 =	sld [smem:$0x3FAA]  }
0x2a: {  	p0 =	seq.s32 s5, $0x0;
	s5 =	sld [smem:$0x3FAB]  }
0x2b: {  	s6 =	sld [smem:$0x3FAC]  }
0x2c: {  	s7 =	sld [smem:$0x3FAD]  }
0x2d: {  	s3 =	simm.s32 $0x108;
	s8 =	sld [smem:$0x3FAE]  }
0x2e: {  	s3 =	simm.s32 @!p0 $0x1082;
	s9 =	sld [smem:$0x3FAF]  }
0x2f: {  	lr =	sadd.s32 s0, s3;
	s0 =	sld [smem:$0x3FA6]  }
0x30: {  	s3 =	sld [smem:$0x3FA9]  }
0x31: {  	[smem:$0x3FB2] =	sst s10  }
0x32: {  	s10 =	sld [smem:$0x3FB0];
	_ =	sdelay $0x3  }
0x33: {  	p0 =	seq.s32 s10, $0x1;
	s10 =	sld [smem:$0x3FB2];
	_ =	sdelay $0x3  }
0x34: {  	[smem:$0x3FB2] =	sst s10  }
0x35: {  	s10 =	sld [smem:$0x3FB1];
	_ =	sdelay $0x3  }
0x36: {  	p1 =	seq.s32 s10, $0x1;
	s10 =	sld [smem:$0x3FB2];
	_ =	sdelay $0x3  }
0x37: {  	[smem:$0x3FB2] =	sst s10  }
0x38: {  	s10 =	sld [smem:$0x3FB3]  }
0x39: {  	_ = 	snop;
	(pc) =	sbr.ind lr, $3  }
0x3a: {  	_ = 	snop  }
0x3b: {  	_ = 	snop  }
0x3c: {  	p2 =	seq.s32 s10, $0x1;
	s10 =	sld [smem:$0x3FB2]  }
0x3d: {  	_ =	shalt  }
0x3e: {  	_ =	shalt  }
0x3f: {  	_ =	shalt  }
0x40: {  	_ =	shalt  }
0x41: {  	_ =	shalt  }
0x42: {  	_ =	shalt  }
0x43: {  	_ =	shalt  }
0x44: {  	_ =	shalt  }
0x45: {  	_ =	shalt  }
0x46: {  	_ =	shalt  }
0x47: {  	_ =	shalt  }
0x48: {  	_ =	shalt  }
0x49: {  	_ =	shalt  }
0x4a: {  	_ =	shalt  }
0x4b: {  	_ =	shalt  }
0x4c: {  	_ =	shalt  }
0x4d: {  	_ =	shalt  }
0x4e: {  	_ =	shalt  }
0x4f: {  	_ =	shalt  }
0x50: {  	_ =	shalt  }
0x51: {  	_ =	shalt  }
0x52: {  	_ =	shalt  }
0x53: {  	_ =	shalt  }
0x54: {  	_ =	shalt  }
0x55: {  	_ =	shalt  }
0x56: {  	_ =	shalt  }
0x57: {  	_ =	shalt  }
0x58: {  	_ =	shalt  }
0x59: {  	_ =	shalt  }
0x5a: {  	_ =	shalt  }
0x5b: {  	_ =	shalt  }
0x5c: {  	_ =	shalt  }
0x5d: {  	_ =	shalt  }
0x5e: {  	_ =	shalt  }
0x5f: {  	_ =	shalt  }
0x60: {  	_ =	shalt  }
0x61: {  	_ =	shalt  }
0x62: {  	_ =	shalt  }
0x63: {  	_ =	shalt  }
0x64: {  	_ =	shalt  }
0x65: {  	_ =	shalt  }
0x66: {  	_ =	shalt  }
0x67: {  	_ =	shalt  }
0x68: {  	_ =	shalt  }
0x69: {  	_ =	shalt  }
0x6a: {  	_ =	shalt  }
0x6b: {  	_ =	shalt  }
0x6c: {  	_ =	shalt  }
0x6d: {  	_ =	shalt  }
0x6e: {  	_ =	shalt  }
0x6f: {  	_ =	shalt  }
0x70: {  	_ =	shalt  }
0x71: {  	_ =	shalt  }
0x72: {  	_ =	shalt  }
0x73: {  	_ =	shalt  }
0x74: {  	_ =	shalt  }
0x75: {  	_ =	shalt  }
0x76: {  	_ =	shalt  }
0x77: {  	_ =	shalt  }
0x78: {  	_ =	shalt  }
0x79: {  	_ =	shalt  }
0x7a: {  	_ =	shalt  }
0x7b: {  	_ =	shalt  }
0x7c: {  	_ =	shalt  }
0x7d: {  	_ =	shalt  }
0x7e: {  	_ =	shalt  }
0x7f: {  	_ =	shalt  }
0x80: {  	_ =	shalt  }
0x81: {  	_ =	shalt  }
0x82: {  	_ =	shalt  }
0x83: {  	_ =	shalt  }
0x84: {  	_ =	shalt  }
0x85: {  	_ =	shalt  }
0x86: {  	_ =	shalt  }
0x87: {  	_ =	shalt  }
.Lfunc_end0:
.L_simem_size_0:
called_computation.1_lowered:
.L_overlay_start_0:
0x88: {  	s2 =	sld [smem:$0x3FD9]  }
0x89: {  	s3 =	sld [smem:$0x3FFE];
	_ =	sdelay $0x1  }
0x8a: {  	s1 =	srdreg.scid  }
0x8b: {  	s0 =	sand.u32 $0x1, s1  }
0x8c: {  	s14 =	sshll.u32 s0, $0xA;
	s2 =	sadd.s32 s3, s2  }
0x8d: {  	s2 =	sadd.s32 s2, s14  }
0x8e: {  	[smem:$0x3FBE] =	sst s2  }
0x8f: {  	_ = 	snop  }
0x90: {  	s2 =	sld [smem:$0x3FD0];
	_ =	sdelay $0x2  }
0x91: {  	s15 =	simm.s32 $0xA;
	s4 =	simm.s32 $0x10  }
0x92: {  	[smem:s4], [sflag:s15] =	dma.local [hbm:s2], $0x1  }
0x93: {  	_ =	swait.eq [sflag:s15], $0x1  }
0x94: {  	[sflag:s15] =	ssyncset.done $0x0  }
0x95: {  	s16 =	sld [smem:$0x10];
	[sflag:s15] =	ssyncadd.s32 $0xFFFFFFFF  }
0x96: {  	s17 =	sld [smem:$0x12];
	(tm) =	ssettm $0x1  }
0x97: {  	s18 =	sld [smem:$0x3FFB];
	_ =	sdelay $0x3  }
0x98: {  	_ =	strace s18  }
0x99: {  	s4 =	sld [smem:$0x3FFC];
	_ =	sdelay $0x3  }
0x9a: {  	_ =	strace s4  }
0x9b: {  	s4 =	sld [smem:$0x3FFD];
	_ =	sdelay $0x3  }
0x9c: {  	_ =	strace s4  }
0x9d: {  	_ =	strace $0x8FFFFFFF  }
0x9e: {  	s19 =	sld [smem:$0x3FDB];
	_ =	sdelay $0x1  }
0x9f: {  	s5 =	simm.s32 $_scs_section_size  }
0xa0: {  	s6 =	simm.s32 $_size__tile_overlayer_lowered;
	s7 =	simm.s32 $_tile_overlayer_lowered  }
0xa1: {  	s22 =	simm.s32 $0x1BFF;
	s21 =	sshll.u32 s7, $0x1;
	s4 =	sadd.s32 s5, s19  }
0xa2: {  	s8 =	simm.s32 $0x0;
	s20 =	sshll.u32 s6, $0x1;
	s6 =	sadd.s32 s21, s4  }
0xa3: {  	[timem:s8], [sflag:s22] =	dma.local [hbm:s6], s20  }
0xa4: {  	_ =	swait.ge [sflag:s22], s20  }
0xa5: {  	s5 =	ssub.s32 $0x0, s20;
	[sflag:s22] =	ssyncset.done $0x0  }
0xa6: {  	[sflag:s22] =	ssyncadd.s32 s5;
	_ =	sdelay $0x1  }
0xa7: {  	s23 =	simm.s32 $0x1B8B  }
0xa8: {  	_ =	swait.ge [sflag:s23], $0x1  }
0xa9: {  	[sflag:s23] =	ssyncset.done $0x0  }
0xaa: {  	s25 =	simm.s32 $0x1B8E;
	s24 =	sld [smem:$0x3FFE];
	[sflag:s23] =	ssyncadd.s32 $0xFFFFFFFF  }
0xab: {  	s26 =	simm.s32 $execute0_lowered;
	[smem:$0x3FD2] =	sst s25  }
0xac: {  	s6 =	sshll.u32 s26, $0x1;
	_ =	strace $0x80000049;
	[dreg:$0x1] =	wrdreg $0xFFFFFFFF  }
0xad: {  	s28 =	simm.s32 $_size_execute0_lowered;
	s4 =	sadd.s32 s4, s6;
	[dreg:$0x0] =	wrdreg $0x0  }
0xae: {  	s6 =	sshll.u32 s28, $0x1;
	[dreg:$0x2] =	wrdreg s4  }
0xaf: {  	[dreg:$0x3] =	wrdreg s6  }
0xb0: {  	[dreg:$0x4] =	wrdreg $0xC0  }
0xb1: {  	_ =	task [dreg:s8], $0x5FFFF  }
0xb2: {  	[dreg:$0x1] =	wrdreg $0xFFFFFFFF  }
0xb3: {  	[dreg:$0x0] =	wrdreg $0x60  }
0xb4: {  	[dreg:$0x2] =	wrdreg s17  }
0xb5: {  	[dreg:$0x3] =	wrdreg s24  }
0xb6: {  	[dreg:$0x4] =	wrdreg s16  }
0xb7: {  	[dreg:$0x5] =	wrdreg $0x51000  }
0xb8: {  	[dreg:$0x6] =	wrdreg $0x9  }
0xb9: {  	_ =	task.clear_ibuf [dreg:s8], $0x7FFFF;
	_ =	strace $0x90000049  }
0xba: {  	s29 =	simm.s32 $0x9;
	_ =	strace $0x8000004B  }
0xbb: {  	_ =	swait.ge [sflag:s29], $0x1  }
0xbc: {  	[sflag:s29] =	ssyncadd.s32 $0xFFFFFFFF  }
0xbd: {  	_ =	strace $0x9000004B  }
0xbe: {  	_ =	sfence  }
0xbf: {  	s30 =	sld [smem:$0x0];
	_ =	sdelay $0x2  }
0xc0: {  	s31 =	sshll.u32 s1, $0xD;
	s1 =	sshrl.u32 s1, $0x2  }
0xc1: {  	s3 =	sand.u32 $0x4000, s31;
	s1 =	sadd.s32 s1, s30  }
0xc2: {  	s0 =	sor.u32 s3, s0;
	s1 =	sshll.u32 s1, $0x11  }
0xc3: {  	s0 =	sor.u32 s1, s0  }
0xc4: {  	s0 =	sadd.s32 $0x8F2B, s0  }
0xc5: {  	[sflag:s0] =	ssyncadd.remote.s32 $0x1  }
0xc6: {  	_ =	sfence.sel $0xFFFF  }
0xc7: {  	[dreg:$0x0] =	wrdreg $0xFFFFFFFF;
	(pc) =	sbr.abs _section_cstart, $3  }
0xc8: {  	[dreg:$0x1] =	wrdreg $0xFFFFFFFF  }
0xc9: {  	_ =	task.clear_ibuf [dreg:s8], $0x2FFFF;
	_ =	strace $0x9FFFFFFF  }
0xca: {  	(tm) =	ssettm $0x7FFFFFFF  }
0xcb: {  	_ =	shalt  }
tec
execute0_lowered:
.L_overlay_start_1:
0x0: {  	(tag) =	ssettag $0x1  }
0x1: {  	s1 =	rddreg [dreg:$0x0]  }
0x2: {  	s10 =	rddreg [dreg:$0x1]  }
0x3: {  	s2 =	rddreg [dreg:$0x2]  }
0x4: {  	s4 =	rddreg [dreg:$0x3]  }
0x5: {  	s0 =	rddreg [dreg:$0x4];
	s5 =	simm.s32 $0x0  }
0x6: {  	s3 =	stileid.u32;
	s8 =	srdreg.scid;
	s20 =	simm.s32 $0x50  }
0x7: {  	s21 =	simm.s32 $0x2800;
	s22 =	simm.s32 $0x0;
	s28 =	simm.s32 $0x0  }
0x8: {  	[smem:$0x7FF] =	sst s5;
	s12 =	smul.u32 $0x2700, s3;
	s6 =	sadd.s32 $0xE000, s10  }
0x9: {  	s7 =	sadd.s32 $0x4200, s10;
	s11 =	sand.u32 $0x1, s8;
	s13 =	smul.u32 $0x4E000, s3  }
0xa: {  	s14 =	sadd.s32 $0x35200, s10;
	s19 =	sadd.s32 $0x138000, s4;
	p0 =	sne.s32 s3, $0xF  }
0xb: {  	s30 =	sshll.u32 s3, $0x6;
	_ =	strace $0x8000004A;
	s31 =	smul.u32 $0x138800, s11  }
0xc: {  	s9 =	ssub.s32 $0x2, s11;
	s16 =	sshll.u32 s11, $0x4;
	s18 =	smul.u32 $0x27100, s11  }
0xd: {  	s26 =	sadd.s32 s12, s10;
	s15 =	sshrl.u32 s9, $0x1;
	s16 =	sor.u32 s3, s16  }
0xe: {  	s29 =	sshrl.u32 s13, $0x2;
	s10 =	sadd.s32 $0x53E200, s10;
	s15 =	ssub.s32 s9, s15  }
0xf: {  	s17 =	sadd.s32 s29, s4;
	s8 =	sadd.s32 $0x517200, s26;
	s9 =	sor.u32 $0x1C01, s30  }
0x10: {  	s13 =	sshrl.u32 s31, $0x3;
	s11 =	smul.u32 $0x2710, s16;
	s12 =	sadd.s32 s12, s18  }
0x11: {  	s16 =	simm.s32 $0x1;
	s18 =	simm.s32 $0x5000;
	s13 =	sadd.s32 s14, s13  }
0x12: {  	s12 =	sadd.s32 s14, s12;
	s14 =	smax.u32 s15, $0x1;
	s15 =	sshrl.u32 s17, $0x3  }
0x13: {  	s17 =	sshrl.u32 @!p0 s19, $0x3;
	s19 =	simm.s32 $0x5080;
	s13 =	sadd.s32 $0x27000, s13  }
.LBB2_1:
0x14: {  	[spmem:s15], [sflag:s9] =	dma.local [hbm:s8], $0x2700  }
0x15: {  	_ =	swait.ge [sflag:s16], $0x2700  }
0x16: {  	[sflag:s16] =	ssyncset.done $0x0  }
0x17: {  	s23 =	simm.s32 @!p0 $0x1;
	[sflag:s16] =	ssyncadd.s32 $0xFFFFD900  }
0x18: {  	[spmem:s17], [sflag:s9] =	dma.local @!p0 [hbm:s10], $0x100  }
0x19: {  	_ =	swait.ge @!p0 [sflag:s23], $0x100  }
0x1a: {  	[sflag:s23] =	ssyncset.done @!p0 $0x0  }
0x1b: {  	[sflag:s23] =	ssyncadd.s32 @!p0 $0xFFFFFF00  }
0x1c: {  	s23 =	simm.s32 $0x0;
	[bflag:$0x0] =	sbarrier.arrive $0xFFFF  }
.LBB2_2:
0x1d: {  	s24 =	smul.u32 $0x50, s23;
	_ =	sdelay $0x1  }
0x1e: {  	s24 =	sadd.s32 s11, s24  }
0x1f: {  	s25 =	sshrl.u32 s24, $0x3  }
0x20: {  	s26 =	sadd.s32 s7, s25  }
0x21: {  	[tilespmem:s18], [sflag:$0x1] =	stream.linear.gather [hbm4b:s26+s28], $0x50, $0x38;
	[tilespmem:$0x18980] =	vst v63  }
0x22: {  	_ =	swait.ge [sflag:s16], $0x50  }
0x23: {  	[sflag:s16] =	ssyncset.done $0x0  }
0x24: {  	s25 =	sadd.s32 s2, s25;
	[sflag:s16] =	ssyncadd.s32 $0xFFFFFFB0  }
0x25: {  	[tilespmem:s19], [sflag:$0x1] =	stream.linear.gather [hbm4b:s25+s28], $0x50, $0x38;
	[tilespmem:$0x18980] =	vst v63  }
0x26: {  	_ =	swait.ge [sflag:s16], $0x50  }
0x27: {  	s24 =	sshll.u32 s24, $0x4;
	[sflag:s16] =	ssyncset.done $0x0  }
0x28: {  	s24 =	sadd.s32 s1, s24;
	[sflag:s16] =	ssyncadd.s32 $0xFFFFFFB0  }
0x29: {  	[tilespmem:s28], [sflag:$0x1] =	stream.linear.gather [hbm4b:s24+s28], $0x2800, $0x38;
	[tilespmem:$0x18980] =	vst v63  }
0x2a: {  	_ =	swait.ge [sflag:s16], $0x2800  }
0x2b: {  	[sflag:s16] =	ssyncset.done $0x0  }
0x2c: {  	[sflag:s16] =	ssyncadd.s32 $0xFFFFD800  }
0x2d: {  	[tilespmem:s21], [sflag:$0x1] =	stream.indirect.gather [hbm4b:s6+s20], $0x80, s18, s20, $0xb8;
	[tilespmem:$0x18980] =	vst v63  }
0x2e: {  	_ =	swait.ge [sflag:s16], $0x2800  }
0x2f: {  	[sflag:s16] =	ssyncset.done $0x0  }
0x30: {  	s24 =	simm.s32 $0x0;
	[sflag:s16] =	ssyncadd.s32 $0xFFFFD800  }
0x31: {  	v6 =	vld [tilespmem:s24+$0x2800]  }
0x32: {  	v11 =	vld [tilespmem:s24+$0x2810]  }
0x33: {  	v5 =	vld [tilespmem:s24+$0x2820]  }
0x34: {  	v4 =	vld [tilespmem:s24+$0x2830]  }
0x35: {  	v3 =	vld [tilespmem:s24+$0x2840]  }
0x36: {  	v2 =	vld [tilespmem:s24+$0x2850]  }
0x37: {  	v1 =	vld [tilespmem:s24+$0x2860]  }
0x38: {  	v0 =	vld [tilespmem:s24+$0x2870]  }
0x39: {  	v12 =	vld [tilespmem:s24+$0x0]  }
0x3a: {  	v13 =	vld [tilespmem:s24+$0x10]  }
0x3b: {  	v10 =	vld [tilespmem:s24+$0x20]  }
0x3c: {  	v9 =	vld [tilespmem:s24+$0x30]  }
0x3d: {  	v8 =	vld [tilespmem:s24+$0x40]  }
0x3e: {  	v7 =	vld [tilespmem:s24+$0x50];
	v12 =	vadd.f32 v6, v12  }
0x3f: {  	s25 =	simm.s32 $0x200;
	v11 =	vadd.f32 v11, v13;
	v6 =	vld [tilespmem:s24+$0x60]  }
.LBB2_3:
0x40: {  	s26 =	sshra.s32 s25, $0x2;
	p1 =	sne.s32 s25, $0x9E00;
	v12 =	vmax.f32 v12, $0.0e+00;
	v5 =	vadd.f32 v5, v10;
	v10 =	vld [tilespmem:s24+$0x70]  }
0x41: {  	v13 =	vld [tilespmem:s26+$0x2800];
	[tilespmem:s24+$0x0] =	vst v12;
	v11 =	vmax.f32 v11, $0.0e+00;
	v4 =	vadd.f32 v4, v9  }
0x42: {  	v14 =	vld [tilespmem:s26+$0x2810];
	[tilespmem:s24+$0x10] =	vst v11;
	v9 =	vmax.f32 v5, $0.0e+00;
	v3 =	vadd.f32 v3, v8  }
0x43: {  	v5 =	vld [tilespmem:s26+$0x2820];
	[tilespmem:s24+$0x20] =	vst v9;
	v8 =	vmax.f32 v4, $0.0e+00;
	v2 =	vadd.f32 v2, v7  }
0x44: {  	v4 =	vld [tilespmem:s26+$0x2830];
	[tilespmem:s24+$0x30] =	vst v8;
	v7 =	vmax.f32 v3, $0.0e+00;
	v1 =	vadd.f32 v1, v6  }
0x45: {  	v3 =	vld [tilespmem:s26+$0x2840];
	[tilespmem:s24+$0x40] =	vst v7;
	v6 =	vmax.f32 v2, $0.0e+00;
	v0 =	vadd.f32 v0, v10  }
0x46: {  	v2 =	vld [tilespmem:s26+$0x2850];
	[tilespmem:s24+$0x50] =	vst v6;
	v6 =	vmax.f32 v1, $0.0e+00  }
0x47: {  	v1 =	vld [tilespmem:s26+$0x2860];
	[tilespmem:s24+$0x60] =	vst v6;
	v6 =	vmax.f32 v0, $0.0e+00  }
0x48: {  	v0 =	vld [tilespmem:s26+$0x2870];
	[tilespmem:s24+$0x70] =	vst v6;
	s24 =	smov.u32 s26  }
0x49: {  	v6 =	vld [tilespmem:s24+$0x0]  }
0x4a: {  	v11 =	vld [tilespmem:s24+$0x10]  }
.Ltmp0:
0x4b: {  	v10 =	vld [tilespmem:s24+$0x20];
	(pc) =	sbr.rel @p1 .LBB2_3-.Ltmp0, $4  }
0x4c: {  	v9 =	vld [tilespmem:s24+$0x30]  }
0x4d: {  	v8 =	vld [tilespmem:s24+$0x40]  }
0x4e: {  	v12 =	vadd.f32 v13, v6;
	v7 =	vld [tilespmem:s24+$0x50]  }
0x4f: {  	s25 =	sadd.s32 $0x200, s25;
	v11 =	vadd.f32 v14, v11;
	v6 =	vld [tilespmem:s24+$0x60]  }
0x50: {  	v12 =	vmax.f32 v12, $0.0e+00;
	v5 =	vadd.f32 v5, v10;
	v63 =	vld [tilespmem:s24+$0x70]  }
0x51: {  	[tilespmem:s24+$0x0] =	vst v12;
	v11 =	vmax.f32 v11, $0.0e+00;
	v4 =	vadd.f32 v4, v9  }
0x52: {  	[tilespmem:s24+$0x10] =	vst v11;
	v5 =	vmax.f32 v5, $0.0e+00;
	v3 =	vadd.f32 v3, v8  }
0x53: {  	[tilespmem:s24+$0x20] =	vst v5;
	v4 =	vmax.f32 v4, $0.0e+00;
	v2 =	vadd.f32 v2, v7  }
0x54: {  	[tilespmem:s24+$0x30] =	vst v4;
	v3 =	vmax.f32 v3, $0.0e+00;
	v1 =	vadd.f32 v1, v6  }
0x55: {  	[tilespmem:s24+$0x40] =	vst v3;
	v2 =	vmax.f32 v2, $0.0e+00;
	v0 =	vadd.f32 v0, v63  }
0x56: {  	s23 =	sadd.s32 $0x1, s23;
	[tilespmem:s24+$0x50] =	vst v2;
	v1 =	vmax.f32 v1, $0.0e+00  }
0x57: {  	p1 =	sne.s32 s23, $0x7D;
	[tilespmem:s24+$0x60] =	vst v1;
	v0 =	vmax.f32 v0, $0.0e+00  }
.Ltmp1:
0x58: {  	[tilespmem:s24+$0x70] =	vst v0;
	(pc) =	sbr.rel @p1 .LBB2_2-.Ltmp1, $4  }
0x59: {  	[spmem:s4] =	stream.indirect.scatter.add.f32 [tilespmem:s5], [sflag:$0x1], $0x80, s19, s20, $0xb8;
	[tilespmem:$0x18980] =	vst v63  }
0x5a: {  	_ =	swait.ge [sflag:s16], $0x2800  }
0x5b: {  	[sflag:s16] =	ssyncset.done $0x0  }
0x5c: {  	[sflag:s16] =	ssyncadd.s32 $0xFFFFD800  }
0x5d: {  	[bflag:$0x0] =	sbarrier.arrive $0xFFFF  }
0x5e: {  	[hbm:s12], [sflag:s9] =	dma.local [spmem:s15], $0x2700  }
0x5f: {  	s22 =	sadd.s32 $0x1, s22;
	_ =	swait.ge [sflag:s16], $0x2700  }
0x60: {  	p1 =	sne.s32 s22, s14;
	[sflag:s16] =	ssyncset.done $0x0  }
.Ltmp2:
0x61: {  	s23 =	simm.s32 @!p0 $0x1;
	[sflag:s16] =	ssyncadd.s32 $0xFFFFD900;
	(pc) =	sbr.rel @p1 .LBB2_1-.Ltmp2, $4  }
0x62: {  	[hbm:s13], [sflag:s9] =	dma.local @!p0 [spmem:s17], $0x100  }
0x63: {  	_ =	swait.ge @!p0 [sflag:s23], $0x100  }
0x64: {  	[sflag:s23] =	ssyncset.done @!p0 $0x0  }
0x65: {  	[sflag:s23] =	ssyncadd.s32 @!p0 $0xFFFFFF00  }
0x66: {  	_ =	sfence.sel $0x180000  }
0x67: {  	[bflag:$0x0] =	sbarrier.arrive $0xFFFF  }
0x68: {  	p0 =	sne.s32 s3, $0x0;
	_ =	strace $0x9000004A  }
0x69: {  	s0 =	sadd.s32 @!p0 $0x100000, s0;
	[bflag:$0x2] =	sbarrier.arrive $0xFFFF  }
0x6a: {  	[sflag:s0] =	ssyncadd.tile.s32 @!p0 $0x1;
	_ =	shalt  }
.Lfunc_end2:
_tile_overlayer_lowered:
.L_overlay_start_2:
0x6b: {  	(tag) =	ssettag $0x2  }
0x6c: {  	s0 =	rddreg [dreg:$0x0];
	s2 =	stileid.u32  }
0x6d: {  	s1 =	rddreg [dreg:$0x1];
	p0 =	sne.s32 s2, $0x0  }
0x6e: {  	s3 =	rddreg [dreg:$0x2];
	[bflag:$0x3] =	sbarrier.arrive $0xFFFF;
	s2 =	simm.s32 @!p0 $0x1C01  }
0x6f: {  	[timem:s3], [sflag:s2] =	dma.local @!p0 [hbm:s0], s1  }
0x70: {  	s0 =	simm.s32 @!p0 $0x1  }
0x71: {  	_ =	swait.ge @!p0 [sflag:s0], s1  }
0x72: {  	s1 =	ssub.s32 @!p0 $0x0, s1;
	[sflag:s0] =	ssyncset.done @!p0 $0x0  }
0x73: {  	[sflag:s0] =	ssyncadd.s32 @!p0 s1  }
0x74: {  	[bflag:$0x3] =	sbarrier.arrive $0xFFFF  }
0x75: {  	_ =	shalt  }

// kernel: kernel.19.cloned.1.call-start
scs
__scs_entry_jumppad:
0x0: {  	(pc) =	sbr.rel $0x88, $3  }
0x1: {  	(tag) =	ssettag $0x0;
	lr =	simm.s32 $0x1  }
0x2: {  	[smem:$0x3F97] =	sst lr;
	_ =	strace $0xD0000000  }
0x3: {  	_ = 	snop  }
0x4: {  	_ = 	snop  }
0x5: {  	_ = 	snop  }
0x6: {  	_ = 	snop  }
0x7: {  	_ = 	snop  }
__scs_overlays_trampoline_lowered:
0x8: {  	[smem:$0x3FA6] =	sst s0  }
0x9: {  	[smem:$0x3FA7] =	sst s1  }
0xa: {  	[smem:$0x3FA8] =	sst s2  }
0xb: {  	[smem:$0x3FA9] =	sst s3  }
0xc: {  	[smem:$0x3FAA] =	sst s4  }
0xd: {  	[smem:$0x3FAB] =	sst s5  }
0xe: {  	[smem:$0x3FAC] =	sst s6  }
0xf: {  	[smem:$0x3FAD] =	sst s7  }
0x10: {  	[smem:$0x3FAE] =	sst s8  }
0x11: {  	[smem:$0x3FAF] =	sst s9;
	s0 =	simm.s32 @!p0 $0x0  }
0x12: {  	s1 =	sld [smem:$0x3F95];
	s0 =	simm.s32 @p0 $0x1  }
0x13: {  	[smem:$0x3FB0] =	sst s0;
	s0 =	simm.s32 @!p1 $0x0  }
0x14: {  	s2 =	sld [smem:$0x3F94];
	s0 =	simm.s32 @p1 $0x1  }
0x15: {  	[smem:$0x3FB1] =	sst s0;
	s0 =	simm.s32 @!p2 $0x0  }
0x16: {  	s3 =	sld [smem:$0x3FDB];
	s0 =	simm.s32 @p2 $0x1  }
0x17: {  	s4 =	simm.s32 $0x1BF5;
	[smem:$0x3FB3] =	sst s0  }
0x18: {  	s0 =	sld [smem:$0x3F96];
	_ =	swait.ge [sflag:s4], $0x0  }
0x19: {  	s7 =	sld [smem:$0x3F97]  }
0x1a: {  	s8 =	sadd.s32 $0xFFFFE003, lr  }
0x1b: {  	s9 =	sadd.s32 $0xFFFFFEF7, lr;
	s5 =	simm.s32 $0xFFFFFFFF;
	p2 =	slt.u32 s8, $0xFFFFF086  }
0x1c: {  	p1 =	slt.u32 s9, $0xF7A;
	s5 =	simm.s32 @!p2 $0x0  }
0x1d: {  	s5 =	simm.s32 @p1 $0x1;
	p0 =	seq.s32 s7, s2  }
0x1e: {  	s7 =	smul.u32 @!p0 $0xF7A, s2;
	p2 =	seq.s32 @!p0 s5, $0x0  }
0x1f: {  	s9 =	smul.u32 $0xF7A, s1;
	s8 =	simm.s32 @!p0 $0x1BF5;
	p2 =	por !p2, p0  }
0x20: {  	[sflag:s8] =	ssyncset.s32 @!p0 $0xFFFFF086;
	s6 =	sadd.s32 @!p0 s3, s7;
	s7 =	simm.s32 @!p0 $0x108  }
0x21: {  	s3 =	sadd.s32 s3, s9;
	s6 =	sadd.s32 @!p0 $0x88, s6;
	s7 =	simm.s32 @p2 $0x1082  }
0x22: {  	[simem:s7], [sflag:s8] =	dma.local @!p0 [hbm:s6], $0xF7A  }
0x23: {  	s9 =	sor.u32 $0xD0000000, s2;
	s6 =	simm.s32 $0x108;
	_ =	swait.ge @!p0 [sflag:s8], $0x0  }
0x24: {  	s3 =	sadd.s32 $0x88, s3;
	s6 =	simm.s32 @!p1 $0x1082;
	[sflag:s4] =	ssyncset.s32 $0xFFFFF086  }
0x25: {  	[simem:s6], [sflag:s4] =	dma.local [hbm:s3], $0xF7A  }
0x26: {  	[smem:$0x3F97] =	sst s1;
	(tag) =	ssettag s2;
	_ =	strace s9  }
0x27: {  	s1 =	sld [smem:$0x3FA7]  }
0x28: {  	s2 =	sld [smem:$0x3FA8]  }
0x29: {  	s4 =	sld [smem:$0x3FAA]  }
0x2a: {  	p0 =	seq.s32 s5, $0x0;
	s5 =	sld [smem:$0x3FAB]  }
0x2b: {  	s6 =	sld [smem:$0x3FAC]  }
0x2c: {  	s7 =	sld [smem:$0x3FAD]  }
0x2d: {  	s3 =	simm.s32 $0x108;
	s8 =	sld [smem:$0x3FAE]  }
0x2e: {  	s3 =	simm.s32 @!p0 $0x1082;
	s9 =	sld [smem:$0x3FAF]  }
0x2f: {  	lr =	sadd.s32 s0, s3;
	s0 =	sld [smem:$0x3FA6]  }
0x30: {  	s3 =	sld [smem:$0x3FA9]  }
0x31: {  	[smem:$0x3FB2] =	sst s10  }
0x32: {  	s10 =	sld [smem:$0x3FB0];
	_ =	sdelay $0x3  }
0x33: {  	p0 =	seq.s32 s10, $0x1;
	s10 =	sld [smem:$0x3FB2];
	_ =	sdelay $0x3  }
0x34: {  	[smem:$0x3FB2] =	sst s10  }
0x35: {  	s10 =	sld [smem:$0x3FB1];
	_ =	sdelay $0x3  }
0x36: {  	p1 =	seq.s32 s10, $0x1;
	s10 =	sld [smem:$0x3FB2];
	_ =	sdelay $0x3  }
0x37: {  	[smem:$0x3FB2] =	sst s10  }
0x38: {  	s10 =	sld [smem:$0x3FB3]  }
0x39: {  	_ = 	snop;
	(pc) =	sbr.ind lr, $3  }
0x3a: {  	_ = 	snop  }
0x3b: {  	_ = 	snop  }
0x3c: {  	p2 =	seq.s32 s10, $0x1;
	s10 =	sld [smem:$0x3FB2]  }
0x3d: {  	_ =	shalt  }
0x3e: {  	_ =	shalt  }
0x3f: {  	_ =	shalt  }
0x40: {  	_ =	shalt  }
0x41: {  	_ =	shalt  }
0x42: {  	_ =	shalt  }
0x43: {  	_ =	shalt  }
0x44: {  	_ =	shalt  }
0x45: {  	_ =	shalt  }
0x46: {  	_ =	shalt  }
0x47: {  	_ =	shalt  }
0x48: {  	_ =	shalt  }
0x49: {  	_ =	shalt  }
0x4a: {  	_ =	shalt  }
0x4b: {  	_ =	shalt  }
0x4c: {  	_ =	shalt  }
0x4d: {  	_ =	shalt  }
0x4e: {  	_ =	shalt  }
0x4f: {  	_ =	shalt  }
0x50: {  	_ =	shalt  }
0x51: {  	_ =	shalt  }
0x52: {  	_ =	shalt  }
0x53: {  	_ =	shalt  }
0x54: {  	_ =	shalt  }
0x55: {  	_ =	shalt  }
0x56: {  	_ =	shalt  }
0x57: {  	_ =	shalt  }
0x58: {  	_ =	shalt  }
0x59: {  	_ =	shalt  }
0x5a: {  	_ =	shalt  }
0x5b: {  	_ =	shalt  }
0x5c: {  	_ =	shalt  }
0x5d: {  	_ =	shalt  }
0x5e: {  	_ =	shalt  }
0x5f: {  	_ =	shalt  }
0x60: {  	_ =	shalt  }
0x61: {  	_ =	shalt  }
0x62: {  	_ =	shalt  }
0x63: {  	_ =	shalt  }
0x64: {  	_ =	shalt  }
0x65: {  	_ =	shalt  }
0x66: {  	_ =	shalt  }
0x67: {  	_ =	shalt  }
0x68: {  	_ =	shalt  }
0x69: {  	_ =	shalt  }
0x6a: {  	_ =	shalt  }
0x6b: {  	_ =	shalt  }
0x6c: {  	_ =	shalt  }
0x6d: {  	_ =	shalt  }
0x6e: {  	_ =	shalt  }
0x6f: {  	_ =	shalt  }
0x70: {  	_ =	shalt  }
0x71: {  	_ =	shalt  }
0x72: {  	_ =	shalt  }
0x73: {  	_ =	shalt  }
0x74: {  	_ =	shalt  }
0x75: {  	_ =	shalt  }
0x76: {  	_ =	shalt  }
0x77: {  	_ =	shalt  }
0x78: {  	_ =	shalt  }
0x79: {  	_ =	shalt  }
0x7a: {  	_ =	shalt  }
0x7b: {  	_ =	shalt  }
0x7c: {  	_ =	shalt  }
0x7d: {  	_ =	shalt  }
0x7e: {  	_ =	shalt  }
0x7f: {  	_ =	shalt  }
0x80: {  	_ =	shalt  }
0x81: {  	_ =	shalt  }
0x82: {  	_ =	shalt  }
0x83: {  	_ =	shalt  }
0x84: {  	_ =	shalt  }
0x85: {  	_ =	shalt  }
0x86: {  	_ =	shalt  }
0x87: {  	_ =	shalt  }
.Lfunc_end0:
.L_simem_size_0:
called_computation.2_lowered:
.L_overlay_start_0:
0x88: {  	s2 =	sld [smem:$0x3FD9]  }
0x89: {  	s3 =	sld [smem:$0x3FFE];
	_ =	sdelay $0x1  }
0x8a: {  	s1 =	srdreg.scid  }
0x8b: {  	s0 =	sand.u32 $0x1, s1  }
0x8c: {  	s14 =	sshll.u32 s0, $0xA;
	s2 =	sadd.s32 s3, s2  }
0x8d: {  	s2 =	sadd.s32 s2, s14  }
0x8e: {  	[smem:$0x3FBE] =	sst s2  }
0x8f: {  	_ = 	snop  }
0x90: {  	s2 =	sld [smem:$0x3FD0];
	_ =	sdelay $0x2  }
0x91: {  	s15 =	simm.s32 $0xA;
	s4 =	simm.s32 $0x10  }
0x92: {  	[smem:s4], [sflag:s15] =	dma.local [hbm:s2], $0x1  }
0x93: {  	_ =	swait.eq [sflag:s15], $0x1  }
0x94: {  	[sflag:s15] =	ssyncset.done $0x0  }
0x95: {  	s16 =	sld [smem:$0x10];
	[sflag:s15] =	ssyncadd.s32 $0xFFFFFFFF  }
0x96: {  	s17 =	sld [smem:$0x12];
	(tm) =	ssettm $0x1  }
0x97: {  	s18 =	sld [smem:$0x3FFB];
	_ =	sdelay $0x3  }
0x98: {  	_ =	strace s18  }
0x99: {  	s4 =	sld [smem:$0x3FFC];
	_ =	sdelay $0x3  }
0x9a: {  	_ =	strace s4  }
0x9b: {  	s4 =	sld [smem:$0x3FFD];
	_ =	sdelay $0x3  }
0x9c: {  	_ =	strace s4  }
0x9d: {  	_ =	strace $0x8FFFFFFF  }
0x9e: {  	s19 =	sld [smem:$0x3FDB];
	_ =	sdelay $0x1  }
0x9f: {  	s5 =	simm.s32 $_scs_section_size  }
0xa0: {  	s6 =	simm.s32 $_size__tile_overlayer_lowered;
	s7 =	simm.s32 $_tile_overlayer_lowered  }
0xa1: {  	s22 =	simm.s32 $0x1BFF;
	s21 =	sshll.u32 s7, $0x1;
	s4 =	sadd.s32 s5, s19  }
0xa2: {  	s8 =	simm.s32 $0x0;
	s20 =	sshll.u32 s6, $0x1;
	s6 =	sadd.s32 s21, s4  }
0xa3: {  	[timem:s8], [sflag:s22] =	dma.local [hbm:s6], s20  }
0xa4: {  	_ =	swait.ge [sflag:s22], s20  }
0xa5: {  	s5 =	ssub.s32 $0x0, s20;
	[sflag:s22] =	ssyncset.done $0x0  }
0xa6: {  	[sflag:s22] =	ssyncadd.s32 s5;
	_ =	sdelay $0x1  }
0xa7: {  	s23 =	simm.s32 $0x1B8B  }
0xa8: {  	_ =	swait.ge [sflag:s23], $0x1  }
0xa9: {  	[sflag:s23] =	ssyncset.done $0x0  }
0xaa: {  	s25 =	simm.s32 $0x1B8E;
	s24 =	sld [smem:$0x3FFE];
	[sflag:s23] =	ssyncadd.s32 $0xFFFFFFFF  }
0xab: {  	s26 =	simm.s32 $execute0_lowered;
	[smem:$0x3FD2] =	sst s25  }
0xac: {  	s6 =	sshll.u32 s26, $0x1;
	_ =	strace $0x8000004C;
	[dreg:$0x1] =	wrdreg $0xFFFFFFFF  }
0xad: {  	s28 =	simm.s32 $_size_execute0_lowered;
	s4 =	sadd.s32 s4, s6;
	[dreg:$0x0] =	wrdreg $0x0  }
0xae: {  	s6 =	sshll.u32 s28, $0x1;
	[dreg:$0x2] =	wrdreg s4  }
0xaf: {  	[dreg:$0x3] =	wrdreg s6  }
0xb0: {  	[dreg:$0x4] =	wrdreg $0xC0  }
0xb1: {  	_ =	task [dreg:s8], $0x5FFFF  }
0xb2: {  	[dreg:$0x1] =	wrdreg $0xFFFFFFFF  }
0xb3: {  	[dreg:$0x0] =	wrdreg $0x60  }
0xb4: {  	[dreg:$0x2] =	wrdreg s17  }
0xb5: {  	[dreg:$0x3] =	wrdreg s24  }
0xb6: {  	[dreg:$0x4] =	wrdreg s16  }
0xb7: {  	[dreg:$0x5] =	wrdreg $0x51000  }
0xb8: {  	[dreg:$0x6] =	wrdreg $0x9  }
0xb9: {  	_ =	task.clear_ibuf [dreg:s8], $0x7FFFF;
	_ =	strace $0x9000004C  }
0xba: {  	s29 =	simm.s32 $0x9;
	_ =	strace $0x8000004E  }
0xbb: {  	_ =	swait.ge [sflag:s29], $0x1  }
0xbc: {  	[sflag:s29] =	ssyncadd.s32 $0xFFFFFFFF  }
0xbd: {  	_ =	strace $0x9000004E  }
0xbe: {  	_ =	sfence  }
0xbf: {  	s30 =	sld [smem:$0x0];
	_ =	sdelay $0x2  }
0xc0: {  	s31 =	sshll.u32 s1, $0xD;
	s1 =	sshrl.u32 s1, $0x2  }
0xc1: {  	s3 =	sand.u32 $0x4000, s31;
	s1 =	sadd.s32 s1, s30  }
0xc2: {  	s0 =	sor.u32 s3, s0;
	s1 =	sshll.u32 s1, $0x11  }
0xc3: {  	s0 =	sor.u32 s1, s0  }
0xc4: {  	s0 =	sadd.s32 $0x8F2B, s0  }
0xc5: {  	[sflag:s0] =	ssyncadd.remote.s32 $0x1  }
0xc6: {  	_ =	sfence.sel $0xFFFF  }
0xc7: {  	[dreg:$0x0] =	wrdreg $0xFFFFFFFF;
	(pc) =	sbr.abs _section_cstart, $3  }
0xc8: {  	[dreg:$0x1] =	wrdreg $0xFFFFFFFF  }
0xc9: {  	_ =	task.clear_ibuf [dreg:s8], $0x2FFFF;
	_ =	strace $0x9FFFFFFF  }
0xca: {  	(tm) =	ssettm $0x7FFFFFFF  }
0xcb: {  	_ =	shalt  }
tec
execute0_lowered:
.L_overlay_start_1:
0x0: {  	(tag) =	ssettag $0x1  }
0x1: {  	s1 =	rddreg [dreg:$0x0]  }
0x2: {  	s10 =	rddreg [dreg:$0x1]  }
0x3: {  	s2 =	rddreg [dreg:$0x2]  }
0x4: {  	s4 =	rddreg [dreg:$0x3]  }
0x5: {  	s0 =	rddreg [dreg:$0x4];
	s5 =	simm.s32 $0x0  }
0x6: {  	s3 =	stileid.u32;
	s8 =	srdreg.scid;
	s20 =	simm.s32 $0x50  }
0x7: {  	s21 =	simm.s32 $0x2800;
	s22 =	simm.s32 $0x0;
	s28 =	simm.s32 $0x0  }
0x8: {  	[smem:$0x7FF] =	sst s5;
	s12 =	smul.u32 $0x2700, s3;
	s6 =	sadd.s32 $0xE000, s10  }
0x9: {  	s7 =	sadd.s32 $0x4200, s10;
	s11 =	sand.u32 $0x1, s8;
	s13 =	smul.u32 $0x4E000, s3  }
0xa: {  	s14 =	sadd.s32 $0x35200, s10;
	s19 =	sadd.s32 $0x138000, s4;
	p0 =	sne.s32 s3, $0xF  }
0xb: {  	s30 =	sshll.u32 s3, $0x6;
	_ =	strace $0x8000004D;
	s31 =	smul.u32 $0x138800, s11  }
0xc: {  	s9 =	ssub.s32 $0x2, s11;
	s16 =	sshll.u32 s11, $0x4;
	s18 =	smul.u32 $0x27100, s11  }
0xd: {  	s26 =	sadd.s32 s12, s10;
	s15 =	sshrl.u32 s9, $0x1;
	s16 =	sor.u32 s3, s16  }
0xe: {  	s29 =	sshrl.u32 s13, $0x2;
	s10 =	sadd.s32 $0x53E200, s10;
	s15 =	ssub.s32 s9, s15  }
0xf: {  	s17 =	sadd.s32 s29, s4;
	s8 =	sadd.s32 $0x517200, s26;
	s9 =	sor.u32 $0x1C01, s30  }
0x10: {  	s13 =	sshrl.u32 s31, $0x3;
	s11 =	smul.u32 $0x2710, s16;
	s12 =	sadd.s32 s12, s18  }
0x11: {  	s16 =	simm.s32 $0x1;
	s18 =	simm.s32 $0x5000;
	s13 =	sadd.s32 s14, s13  }
0x12: {  	s12 =	sadd.s32 s14, s12;
	s14 =	smax.u32 s15, $0x1;
	s15 =	sshrl.u32 s17, $0x3  }
0x13: {  	s17 =	sshrl.u32 @!p0 s19, $0x3;
	s19 =	simm.s32 $0x5080;
	s13 =	sadd.s32 $0x27000, s13  }
.LBB2_1:
0x14: {  	[spmem:s15], [sflag:s9] =	dma.local [hbm:s8], $0x2700  }
0x15: {  	_ =	swait.ge [sflag:s16], $0x2700  }
0x16: {  	[sflag:s16] =	ssyncset.done $0x0  }
0x17: {  	s23 =	simm.s32 @!p0 $0x1;
	[sflag:s16] =	ssyncadd.s32 $0xFFFFD900  }
0x18: {  	[spmem:s17], [sflag:s9] =	dma.local @!p0 [hbm:s10], $0x100  }
0x19: {  	_ =	swait.ge @!p0 [sflag:s23], $0x100  }
0x1a: {  	[sflag:s23] =	ssyncset.done @!p0 $0x0  }
0x1b: {  	[sflag:s23] =	ssyncadd.s32 @!p0 $0xFFFFFF00  }
0x1c: {  	s23 =	simm.s32 $0x0;
	[bflag:$0x0] =	sbarrier.arrive $0xFFFF  }
.LBB2_2:
0x1d: {  	s24 =	smul.u32 $0x50, s23;
	_ =	sdelay $0x1  }
0x1e: {  	s24 =	sadd.s32 s11, s24  }
0x1f: {  	s25 =	sshrl.u32 s24, $0x3  }
0x20: {  	s26 =	sadd.s32 s7, s25  }
0x21: {  	[tilespmem:s18], [sflag:$0x1] =	stream.linear.gather [hbm4b:s26+s28], $0x50, $0x38;
	[tilespmem:$0x18980] =	vst v63  }
0x22: {  	_ =	swait.ge [sflag:s16], $0x50  }
0x23: {  	[sflag:s16] =	ssyncset.done $0x0  }
0x24: {  	s25 =	sadd.s32 s2, s25;
	[sflag:s16] =	ssyncadd.s32 $0xFFFFFFB0  }
0x25: {  	[tilespmem:s19], [sflag:$0x1] =	stream.linear.gather [hbm4b:s25+s28], $0x50, $0x38;
	[tilespmem:$0x18980] =	vst v63  }
0x26: {  	_ =	swait.ge [sflag:s16], $0x50  }
0x27: {  	s24 =	sshll.u32 s24, $0x4;
	[sflag:s16] =	ssyncset.done $0x0  }
0x28: {  	s24 =	sadd.s32 s1, s24;
	[sflag:s16] =	ssyncadd.s32 $0xFFFFFFB0  }
0x29: {  	[tilespmem:s28], [sflag:$0x1] =	stream.linear.gather [hbm4b:s24+s28], $0x2800, $0x38;
	[tilespmem:$0x18980] =	vst v63  }
0x2a: {  	_ =	swait.ge [sflag:s16], $0x2800  }
0x2b: {  	[sflag:s16] =	ssyncset.done $0x0  }
0x2c: {  	[sflag:s16] =	ssyncadd.s32 $0xFFFFD800  }
0x2d: {  	[tilespmem:s21], [sflag:$0x1] =	stream.indirect.gather [hbm4b:s6+s20], $0x80, s18, s20, $0xb8;
	[tilespmem:$0x18980] =	vst v63  }
0x2e: {  	_ =	swait.ge [sflag:s16], $0x2800  }
0x2f: {  	[sflag:s16] =	ssyncset.done $0x0  }
0x30: {  	s24 =	simm.s32 $0x0;
	[sflag:s16] =	ssyncadd.s32 $0xFFFFD800  }
0x31: {  	v6 =	vld [tilespmem:s24+$0x2800]  }
0x32: {  	v11 =	vld [tilespmem:s24+$0x2810]  }
0x33: {  	v5 =	vld [tilespmem:s24+$0x2820]  }
0x34: {  	v4 =	vld [tilespmem:s24+$0x2830]  }
0x35: {  	v3 =	vld [tilespmem:s24+$0x2840]  }
0x36: {  	v2 =	vld [tilespmem:s24+$0x2850]  }
0x37: {  	v1 =	vld [tilespmem:s24+$0x2860]  }
0x38: {  	v0 =	vld [tilespmem:s24+$0x2870]  }
0x39: {  	v12 =	vld [tilespmem:s24+$0x0]  }
0x3a: {  	v13 =	vld [tilespmem:s24+$0x10]  }
0x3b: {  	v10 =	vld [tilespmem:s24+$0x20]  }
0x3c: {  	v9 =	vld [tilespmem:s24+$0x30]  }
0x3d: {  	v8 =	vld [tilespmem:s24+$0x40]  }
0x3e: {  	v7 =	vld [tilespmem:s24+$0x50];
	v12 =	vadd.f32 v6, v12  }
0x3f: {  	s25 =	simm.s32 $0x200;
	v11 =	vadd.f32 v11, v13;
	v6 =	vld [tilespmem:s24+$0x60]  }
.LBB2_3:
0x40: {  	s26 =	sshra.s32 s25, $0x2;
	p1 =	sne.s32 s25, $0x9E00;
	v12 =	vmax.f32 v12, $0.0e+00;
	v5 =	vadd.f32 v5, v10;
	v10 =	vld [tilespmem:s24+$0x70]  }
0x41: {  	v13 =	vld [tilespmem:s26+$0x2800];
	[tilespmem:s24+$0x0] =	vst v12;
	v11 =	vmax.f32 v11, $0.0e+00;
	v4 =	vadd.f32 v4, v9  }
0x42: {  	v14 =	vld [tilespmem:s26+$0x2810];
	[tilespmem:s24+$0x10] =	vst v11;
	v9 =	vmax.f32 v5, $0.0e+00;
	v3 =	vadd.f32 v3, v8  }
0x43: {  	v5 =	vld [tilespmem:s26+$0x2820];
	[tilespmem:s24+$0x20] =	vst v9;
	v8 =	vmax.f32 v4, $0.0e+00;
	v2 =	vadd.f32 v2, v7  }
0x44: {  	v4 =	vld [tilespmem:s26+$0x2830];
	[tilespmem:s24+$0x30] =	vst v8;
	v7 =	vmax.f32 v3, $0.0e+00;
	v1 =	vadd.f32 v1, v6  }
0x45: {  	v3 =	vld [tilespmem:s26+$0x2840];
	[tilespmem:s24+$0x40] =	vst v7;
	v6 =	vmax.f32 v2, $0.0e+00;
	v0 =	vadd.f32 v0, v10  }
0x46: {  	v2 =	vld [tilespmem:s26+$0x2850];
	[tilespmem:s24+$0x50] =	vst v6;
	v6 =	vmax.f32 v1, $0.0e+00  }
0x47: {  	v1 =	vld [tilespmem:s26+$0x2860];
	[tilespmem:s24+$0x60] =	vst v6;
	v6 =	vmax.f32 v0, $0.0e+00  }
0x48: {  	v0 =	vld [tilespmem:s26+$0x2870];
	[tilespmem:s24+$0x70] =	vst v6;
	s24 =	smov.u32 s26  }
0x49: {  	v6 =	vld [tilespmem:s24+$0x0]  }
0x4a: {  	v11 =	vld [tilespmem:s24+$0x10]  }
.Ltmp0:
0x4b: {  	v10 =	vld [tilespmem:s24+$0x20];
	(pc) =	sbr.rel @p1 .LBB2_3-.Ltmp0, $4  }
0x4c: {  	v9 =	vld [tilespmem:s24+$0x30]  }
0x4d: {  	v8 =	vld [tilespmem:s24+$0x40]  }
0x4e: {  	v12 =	vadd.f32 v13, v6;
	v7 =	vld [tilespmem:s24+$0x50]  }
0x4f: {  	s25 =	sadd.s32 $0x200, s25;
	v11 =	vadd.f32 v14, v11;
	v6 =	vld [tilespmem:s24+$0x60]  }
0x50: {  	v12 =	vmax.f32 v12, $0.0e+00;
	v5 =	vadd.f32 v5, v10;
	v63 =	vld [tilespmem:s24+$0x70]  }
0x51: {  	[tilespmem:s24+$0x0] =	vst v12;
	v11 =	vmax.f32 v11, $0.0e+00;
	v4 =	vadd.f32 v4, v9  }
0x52: {  	[tilespmem:s24+$0x10] =	vst v11;
	v5 =	vmax.f32 v5, $0.0e+00;
	v3 =	vadd.f32 v3, v8  }
0x53: {  	[tilespmem:s24+$0x20] =	vst v5;
	v4 =	vmax.f32 v4, $0.0e+00;
	v2 =	vadd.f32 v2, v7  }
0x54: {  	[tilespmem:s24+$0x30] =	vst v4;
	v3 =	vmax.f32 v3, $0.0e+00;
	v1 =	vadd.f32 v1, v6  }
0x55: {  	[tilespmem:s24+$0x40] =	vst v3;
	v2 =	vmax.f32 v2, $0.0e+00;
	v0 =	vadd.f32 v0, v63  }
0x56: {  	s23 =	sadd.s32 $0x1, s23;
	[tilespmem:s24+$0x50] =	vst v2;
	v1 =	vmax.f32 v1, $0.0e+00  }
0x57: {  	p1 =	sne.s32 s23, $0x7D;
	[tilespmem:s24+$0x60] =	vst v1;
	v0 =	vmax.f32 v0, $0.0e+00  }
.Ltmp1:
0x58: {  	[tilespmem:s24+$0x70] =	vst v0;
	(pc) =	sbr.rel @p1 .LBB2_2-.Ltmp1, $4  }
0x59: {  	[spmem:s4] =	stream.indirect.scatter.add.f32 [tilespmem:s5], [sflag:$0x1], $0x80, s19, s20, $0xb8;
	[tilespmem:$0x18980] =	vst v63  }
0x5a: {  	_ =	swait.ge [sflag:s16], $0x2800  }
0x5b: {  	[sflag:s16] =	ssyncset.done $0x0  }
0x5c: {  	[sflag:s16] =	ssyncadd.s32 $0xFFFFD800  }
0x5d: {  	[bflag:$0x0] =	sbarrier.arrive $0xFFFF  }
0x5e: {  	[hbm:s12], [sflag:s9] =	dma.local [spmem:s15], $0x2700  }
0x5f: {  	s22 =	sadd.s32 $0x1, s22;
	_ =	swait.ge [sflag:s16], $0x2700  }
0x60: {  	p1 =	sne.s32 s22, s14;
	[sflag:s16] =	ssyncset.done $0x0  }
.Ltmp2:
0x61: {  	s23 =	simm.s32 @!p0 $0x1;
	[sflag:s16] =	ssyncadd.s32 $0xFFFFD900;
	(pc) =	sbr.rel @p1 .LBB2_1-.Ltmp2, $4  }
0x62: {  	[hbm:s13], [sflag:s9] =	dma.local @!p0 [spmem:s17], $0x100  }
0x63: {  	_ =	swait.ge @!p0 [sflag:s23], $0x100  }
0x64: {  	[sflag:s23] =	ssyncset.done @!p0 $0x0  }
0x65: {  	[sflag:s23] =	ssyncadd.s32 @!p0 $0xFFFFFF00  }
0x66: {  	_ =	sfence.sel $0x180000  }
0x67: {  	[bflag:$0x0] =	sbarrier.arrive $0xFFFF  }
0x68: {  	p0 =	sne.s32 s3, $0x0;
	_ =	strace $0x9000004D  }
0x69: {  	s0 =	sadd.s32 @!p0 $0x100000, s0;
	[bflag:$0x2] =	sbarrier.arrive $0xFFFF  }
0x6a: {  	[sflag:s0] =	ssyncadd.tile.s32 @!p0 $0x1;
	_ =	shalt  }
.Lfunc_end2:
_tile_overlayer_lowered:
.L_overlay_start_2:
0x6b: {  	(tag) =	ssettag $0x2  }
0x6c: {  	s0 =	rddreg [dreg:$0x0];
	s2 =	stileid.u32  }
0x6d: {  	s1 =	rddreg [dreg:$0x1];
	p0 =	sne.s32 s2, $0x0  }
0x6e: {  	s3 =	rddreg [dreg:$0x2];
	[bflag:$0x3] =	sbarrier.arrive $0xFFFF;
	s2 =	simm.s32 @!p0 $0x1C01  }
0x6f: {  	[timem:s3], [sflag:s2] =	dma.local @!p0 [hbm:s0], s1  }
0x70: {  	s0 =	simm.s32 @!p0 $0x1  }
0x71: {  	_ =	swait.ge @!p0 [sflag:s0], s1  }
0x72: {  	s1 =	ssub.s32 @!p0 $0x0, s1;
	[sflag:s0] =	ssyncset.done @!p0 $0x0  }
0x73: {  	[sflag:s0] =	ssyncadd.s32 @!p0 s1  }
0x74: {  	[bflag:$0x3] =	sbarrier.arrive $0xFFFF  }
0x75: {  	_ =	shalt  }

// kernel: kernel.22.cloned.1.call-start
scs
__scs_entry_jumppad:
0x0: {  	(pc) =	sbr.rel $0x88, $3  }
0x1: {  	(tag) =	ssettag $0x0;
	lr =	simm.s32 $0x1  }
0x2: {  	[smem:$0x3F97] =	sst lr;
	_ =	strace $0xD0000000  }
0x3: {  	_ = 	snop  }
0x4: {  	_ = 	snop  }
0x5: {  	_ = 	snop  }
0x6: {  	_ = 	snop  }
0x7: {  	_ = 	snop  }
__scs_overlays_trampoline_lowered:
0x8: {  	[smem:$0x3FA6] =	sst s0  }
0x9: {  	[smem:$0x3FA7] =	sst s1  }
0xa: {  	[smem:$0x3FA8] =	sst s2  }
0xb: {  	[smem:$0x3FA9] =	sst s3  }
0xc: {  	[smem:$0x3FAA] =	sst s4  }
0xd: {  	[smem:$0x3FAB] =	sst s5  }
0xe: {  	[smem:$0x3FAC] =	sst s6  }
0xf: {  	[smem:$0x3FAD] =	sst s7  }
0x10: {  	[smem:$0x3FAE] =	sst s8  }
0x11: {  	[smem:$0x3FAF] =	sst s9;
	s0 =	simm.s32 @!p0 $0x0  }
0x12: {  	s1 =	sld [smem:$0x3F95];
	s0 =	simm.s32 @p0 $0x1  }
0x13: {  	[smem:$0x3FB0] =	sst s0;
	s0 =	simm.s32 @!p1 $0x0  }
0x14: {  	s2 =	sld [smem:$0x3F94];
	s0 =	simm.s32 @p1 $0x1  }
0x15: {  	[smem:$0x3FB1] =	sst s0;
	s0 =	simm.s32 @!p2 $0x0  }
0x16: {  	s3 =	sld [smem:$0x3FDB];
	s0 =	simm.s32 @p2 $0x1  }
0x17: {  	s4 =	simm.s32 $0x1BF5;
	[smem:$0x3FB3] =	sst s0  }
0x18: {  	s0 =	sld [smem:$0x3F96];
	_ =	swait.ge [sflag:s4], $0x0  }
0x19: {  	s7 =	sld [smem:$0x3F97]  }
0x1a: {  	s8 =	sadd.s32 $0xFFFFE003, lr  }
0x1b: {  	s9 =	sadd.s32 $0xFFFFFEF7, lr;
	s5 =	simm.s32 $0xFFFFFFFF;
	p2 =	slt.u32 s8, $0xFFFFF086  }
0x1c: {  	p1 =	slt.u32 s9, $0xF7A;
	s5 =	simm.s32 @!p2 $0x0  }
0x1d: {  	s5 =	simm.s32 @p1 $0x1;
	p0 =	seq.s32 s7, s2  }
0x1e: {  	s7 =	smul.u32 @!p0 $0xF7A, s2;
	p2 =	seq.s32 @!p0 s5, $0x0  }
0x1f: {  	s9 =	smul.u32 $0xF7A, s1;
	s8 =	simm.s32 @!p0 $0x1BF5;
	p2 =	por !p2, p0  }
0x20: {  	[sflag:s8] =	ssyncset.s32 @!p0 $0xFFFFF086;
	s6 =	sadd.s32 @!p0 s3, s7;
	s7 =	simm.s32 @!p0 $0x108  }
0x21: {  	s3 =	sadd.s32 s3, s9;
	s6 =	sadd.s32 @!p0 $0x88, s6;
	s7 =	simm.s32 @p2 $0x1082  }
0x22: {  	[simem:s7], [sflag:s8] =	dma.local @!p0 [hbm:s6], $0xF7A  }
0x23: {  	s9 =	sor.u32 $0xD0000000, s2;
	s6 =	simm.s32 $0x108;
	_ =	swait.ge @!p0 [sflag:s8], $0x0  }
0x24: {  	s3 =	sadd.s32 $0x88, s3;
	s6 =	simm.s32 @!p1 $0x1082;
	[sflag:s4] =	ssyncset.s32 $0xFFFFF086  }
0x25: {  	[simem:s6], [sflag:s4] =	dma.local [hbm:s3], $0xF7A  }
0x26: {  	[smem:$0x3F97] =	sst s1;
	(tag) =	ssettag s2;
	_ =	strace s9  }
0x27: {  	s1 =	sld [smem:$0x3FA7]  }
0x28: {  	s2 =	sld [smem:$0x3FA8]  }
0x29: {  	s4 =	sld [smem:$0x3FAA]  }
0x2a: {  	p0 =	seq.s32 s5, $0x0;
	s5 =	sld [smem:$0x3FAB]  }
0x2b: {  	s6 =	sld [smem:$0x3FAC]  }
0x2c: {  	s7 =	sld [smem:$0x3FAD]  }
0x2d: {  	s3 =	simm.s32 $0x108;
	s8 =	sld [smem:$0x3FAE]  }
0x2e: {  	s3 =	simm.s32 @!p0 $0x1082;
	s9 =	sld [smem:$0x3FAF]  }
0x2f: {  	lr =	sadd.s32 s0, s3;
	s0 =	sld [smem:$0x3FA6]  }
0x30: {  	s3 =	sld [smem:$0x3FA9]  }
0x31: {  	[smem:$0x3FB2] =	sst s10  }
0x32: {  	s10 =	sld [smem:$0x3FB0];
	_ =	sdelay $0x3  }
0x33: {  	p0 =	seq.s32 s10, $0x1;
	s10 =	sld [smem:$0x3FB2];
	_ =	sdelay $0x3  }
0x34: {  	[smem:$0x3FB2] =	sst s10  }
0x35: {  	s10 =	sld [smem:$0x3FB1];
	_ =	sdelay $0x3  }
0x36: {  	p1 =	seq.s32 s10, $0x1;
	s10 =	sld [smem:$0x3FB2];
	_ =	sdelay $0x3  }
0x37: {  	[smem:$0x3FB2] =	sst s10  }
0x38: {  	s10 =	sld [smem:$0x3FB3]  }
0x39: {  	_ = 	snop;
	(pc) =	sbr.ind lr, $3  }
0x3a: {  	_ = 	snop  }
0x3b: {  	_ = 	snop  }
0x3c: {  	p2 =	seq.s32 s10, $0x1;
	s10 =	sld [smem:$0x3FB2]  }
0x3d: {  	_ =	shalt  }
0x3e: {  	_ =	shalt  }
0x3f: {  	_ =	shalt  }
0x40: {  	_ =	shalt  }
0x41: {  	_ =	shalt  }
0x42: {  	_ =	shalt  }
0x43: {  	_ =	shalt  }
0x44: {  	_ =	shalt  }
0x45: {  	_ =	shalt  }
0x46: {  	_ =	shalt  }
0x47: {  	_ =	shalt  }
0x48: {  	_ =	shalt  }
0x49: {  	_ =	shalt  }
0x4a: {  	_ =	shalt  }
0x4b: {  	_ =	shalt  }
0x4c: {  	_ =	shalt  }
0x4d: {  	_ =	shalt  }
0x4e: {  	_ =	shalt  }
0x4f: {  	_ =	shalt  }
0x50: {  	_ =	shalt  }
0x51: {  	_ =	shalt  }
0x52: {  	_ =	shalt  }
0x53: {  	_ =	shalt  }
0x54: {  	_ =	shalt  }
0x55: {  	_ =	shalt  }
0x56: {  	_ =	shalt  }
0x57: {  	_ =	shalt  }
0x58: {  	_ =	shalt  }
0x59: {  	_ =	shalt  }
0x5a: {  	_ =	shalt  }
0x5b: {  	_ =	shalt  }
0x5c: {  	_ =	shalt  }
0x5d: {  	_ =	shalt  }
0x5e: {  	_ =	shalt  }
0x5f: {  	_ =	shalt  }
0x60: {  	_ =	shalt  }
0x61: {  	_ =	shalt  }
0x62: {  	_ =	shalt  }
0x63: {  	_ =	shalt  }
0x64: {  	_ =	shalt  }
0x65: {  	_ =	shalt  }
0x66: {  	_ =	shalt  }
0x67: {  	_ =	shalt  }
0x68: {  	_ =	shalt  }
0x69: {  	_ =	shalt  }
0x6a: {  	_ =	shalt  }
0x6b: {  	_ =	shalt  }
0x6c: {  	_ =	shalt  }
0x6d: {  	_ =	shalt  }
0x6e: {  	_ =	shalt  }
0x6f: {  	_ =	shalt  }
0x70: {  	_ =	shalt  }
0x71: {  	_ =	shalt  }
0x72: {  	_ =	shalt  }
0x73: {  	_ =	shalt  }
0x74: {  	_ =	shalt  }
0x75: {  	_ =	shalt  }
0x76: {  	_ =	shalt  }
0x77: {  	_ =	shalt  }
0x78: {  	_ =	shalt  }
0x79: {  	_ =	shalt  }
0x7a: {  	_ =	shalt  }
0x7b: {  	_ =	shalt  }
0x7c: {  	_ =	shalt  }
0x7d: {  	_ =	shalt  }
0x7e: {  	_ =	shalt  }
0x7f: {  	_ =	shalt  }
0x80: {  	_ =	shalt  }
0x81: {  	_ =	shalt  }
0x82: {  	_ =	shalt  }
0x83: {  	_ =	shalt  }
0x84: {  	_ =	shalt  }
0x85: {  	_ =	shalt  }
0x86: {  	_ =	shalt  }
0x87: {  	_ =	shalt  }
.Lfunc_end0:
.L_simem_size_0:
called_computation.3_lowered:
.L_overlay_start_0:
0x88: {  	s2 =	sld [smem:$0x3FD9]  }
0x89: {  	s3 =	sld [smem:$0x3FFE];
	_ =	sdelay $0x1  }
0x8a: {  	s1 =	srdreg.scid  }
0x8b: {  	s0 =	sand.u32 $0x1, s1  }
0x8c: {  	s14 =	sshll.u32 s0, $0xA;
	s2 =	sadd.s32 s3, s2  }
0x8d: {  	s2 =	sadd.s32 s2, s14  }
0x8e: {  	[smem:$0x3FBE] =	sst s2  }
0x8f: {  	_ = 	snop  }
0x90: {  	s2 =	sld [smem:$0x3FD0];
	_ =	sdelay $0x2  }
0x91: {  	s15 =	simm.s32 $0xA;
	s4 =	simm.s32 $0x10  }
0x92: {  	[smem:s4], [sflag:s15] =	dma.local [hbm:s2], $0x1  }
0x93: {  	_ =	swait.eq [sflag:s15], $0x1  }
0x94: {  	[sflag:s15] =	ssyncset.done $0x0  }
0x95: {  	s16 =	sld [smem:$0x10];
	[sflag:s15] =	ssyncadd.s32 $0xFFFFFFFF  }
0x96: {  	s17 =	sld [smem:$0x12];
	(tm) =	ssettm $0x1  }
0x97: {  	s18 =	sld [smem:$0x3FFB];
	_ =	sdelay $0x3  }
0x98: {  	_ =	strace s18  }
0x99: {  	s4 =	sld [smem:$0x3FFC];
	_ =	sdelay $0x3  }
0x9a: {  	_ =	strace s4  }
0x9b: {  	s4 =	sld [smem:$0x3FFD];
	_ =	sdelay $0x3  }
0x9c: {  	_ =	strace s4  }
0x9d: {  	_ =	strace $0x8FFFFFFF  }
0x9e: {  	s19 =	sld [smem:$0x3FDB];
	_ =	sdelay $0x1  }
0x9f: {  	s5 =	simm.s32 $_scs_section_size  }
0xa0: {  	s6 =	simm.s32 $_size__tile_overlayer_lowered;
	s7 =	simm.s32 $_tile_overlayer_lowered  }
0xa1: {  	s22 =	simm.s32 $0x1BFF;
	s21 =	sshll.u32 s7, $0x1;
	s4 =	sadd.s32 s5, s19  }
0xa2: {  	s8 =	simm.s32 $0x0;
	s20 =	sshll.u32 s6, $0x1;
	s6 =	sadd.s32 s21, s4  }
0xa3: {  	[timem:s8], [sflag:s22] =	dma.local [hbm:s6], s20  }
0xa4: {  	_ =	swait.ge [sflag:s22], s20  }
0xa5: {  	s5 =	ssub.s32 $0x0, s20;
	[sflag:s22] =	ssyncset.done $0x0  }
0xa6: {  	[sflag:s22] =	ssyncadd.s32 s5;
	_ =	sdelay $0x1  }
0xa7: {  	s23 =	simm.s32 $0x1B8B  }
0xa8: {  	_ =	swait.ge [sflag:s23], $0x1  }
0xa9: {  	[sflag:s23] =	ssyncset.done $0x0  }
0xaa: {  	s25 =	simm.s32 $0x1B8E;
	s24 =	sld [smem:$0x3FFE];
	[sflag:s23] =	ssyncadd.s32 $0xFFFFFFFF  }
0xab: {  	s26 =	simm.s32 $execute0_lowered;
	[smem:$0x3FD2] =	sst s25  }
0xac: {  	s6 =	sshll.u32 s26, $0x1;
	_ =	strace $0x8000004F;
	[dreg:$0x1] =	wrdreg $0xFFFFFFFF  }
0xad: {  	s28 =	simm.s32 $_size_execute0_lowered;
	s4 =	sadd.s32 s4, s6;
	[dreg:$0x0] =	wrdreg $0x0  }
0xae: {  	s6 =	sshll.u32 s28, $0x1;
	[dreg:$0x2] =	wrdreg s4  }
0xaf: {  	[dreg:$0x3] =	wrdreg s6  }
0xb0: {  	[dreg:$0x4] =	wrdreg $0xC0  }
0xb1: {  	_ =	task [dreg:s8], $0x5FFFF  }
0xb2: {  	[dreg:$0x1] =	wrdreg $0xFFFFFFFF  }
0xb3: {  	[dreg:$0x0] =	wrdreg $0x60  }
0xb4: {  	[dreg:$0x2] =	wrdreg s17  }
0xb5: {  	[dreg:$0x3] =	wrdreg s24  }
0xb6: {  	[dreg:$0x4] =	wrdreg s16  }
0xb7: {  	[dreg:$0x5] =	wrdreg $0x51000  }
0xb8: {  	[dreg:$0x6] =	wrdreg $0x9  }
0xb9: {  	_ =	task.clear_ibuf [dreg:s8], $0x7FFFF;
	_ =	strace $0x9000004F  }
0xba: {  	s29 =	simm.s32 $0x9;
	_ =	strace $0x80000051  }
0xbb: {  	_ =	swait.ge [sflag:s29], $0x1  }
0xbc: {  	[sflag:s29] =	ssyncadd.s32 $0xFFFFFFFF  }
0xbd: {  	_ =	strace $0x90000051  }
0xbe: {  	_ =	sfence  }
0xbf: {  	s30 =	sld [smem:$0x0];
	_ =	sdelay $0x2  }
0xc0: {  	s31 =	sshll.u32 s1, $0xD;
	s1 =	sshrl.u32 s1, $0x2  }
0xc1: {  	s3 =	sand.u32 $0x4000, s31;
	s1 =	sadd.s32 s1, s30  }
0xc2: {  	s0 =	sor.u32 s3, s0;
	s1 =	sshll.u32 s1, $0x11  }
0xc3: {  	s0 =	sor.u32 s1, s0  }
0xc4: {  	s0 =	sadd.s32 $0x8F2B, s0  }
0xc5: {  	[sflag:s0] =	ssyncadd.remote.s32 $0x1  }
0xc6: {  	_ =	sfence.sel $0xFFFF  }
0xc7: {  	[dreg:$0x0] =	wrdreg $0xFFFFFFFF;
	(pc) =	sbr.abs _section_cstart, $3  }
0xc8: {  	[dreg:$0x1] =	wrdreg $0xFFFFFFFF  }
0xc9: {  	_ =	task.clear_ibuf [dreg:s8], $0x2FFFF;
	_ =	strace $0x9FFFFFFF  }
0xca: {  	(tm) =	ssettm $0x7FFFFFFF  }
0xcb: {  	_ =	shalt  }
tec
execute0_lowered:
.L_overlay_start_1:
0x0: {  	(tag) =	ssettag $0x1  }
0x1: {  	s1 =	rddreg [dreg:$0x0]  }
0x2: {  	s11 =	rddreg [dreg:$0x1]  }
0x3: {  	s3 =	rddreg [dreg:$0x2]  }
0x4: {  	s4 =	rddreg [dreg:$0x3]  }
0x5: {  	s0 =	rddreg [dreg:$0x4];
	s5 =	simm.s32 $0x0  }
0x6: {  	s2 =	stileid.u32;
	s8 =	srdreg.scid;
	s21 =	simm.s32 $0x50  }
0x7: {  	s22 =	simm.s32 $0x2800;
	s23 =	simm.s32 $0x0;
	[smem:$0x7FF] =	sst s5  }
0x8: {  	s13 =	smul.u32 $0x2700, s2;
	s6 =	sadd.s32 $0xE000, s11;
	s7 =	sadd.s32 $0x4200, s11  }
0x9: {  	s12 =	sand.u32 $0x1, s8;
	s14 =	sadd.s32 $0x35200, s11;
	s15 =	smul.u32 $0x4E000, s2  }
0xa: {  	s8 =	sadd.s32 $0x53E400, s11;
	s20 =	sadd.s32 $0x138000, s4;
	p0 =	sne.s32 s2, $0xF  }
0xb: {  	s30 =	sshll.u32 s2, $0x6;
	_ =	strace $0x80000050;
	s31 =	smul.u32 $0x138800, s12  }
0xc: {  	s10 =	ssub.s32 $0x2, s12;
	s17 =	sshll.u32 s12, $0x4;
	s19 =	smul.u32 $0x27100, s12  }
0xd: {  	s9 =	sadd.s32 s13, s11;
	s16 =	sshrl.u32 s10, $0x1;
	s17 =	sor.u32 s2, s17  }
0xe: {  	s29 =	sshrl.u32 s15, $0x2;
	s11 =	sadd.s32 $0x53E200, s11;
	s16 =	ssub.s32 s10, s16  }
0xf: {  	s18 =	sadd.s32 s29, s4;
	s9 =	sadd.s32 $0x517200, s9;
	s10 =	sor.u32 $0x1C01, s30  }
0x10: {  	s15 =	sshrl.u32 s31, $0x3;
	s12 =	smul.u32 $0x2710, s17;
	s13 =	sadd.s32 s13, s19  }
0x11: {  	s17 =	simm.s32 $0x1;
	s19 =	simm.s32 $0x5000;
	s15 =	sadd.s32 s14, s15  }
0x12: {  	s13 =	sadd.s32 s14, s13;
	s14 =	sadd.s32 $0x27000, s15;
	s15 =	smax.u32 s16, $0x1  }
0x13: {  	s16 =	sshrl.u32 s18, $0x3;
	s18 =	sshrl.u32 @!p0 s20, $0x3;
	s20 =	simm.s32 $0x5080  }
.LBB2_1:
0x14: {  	[spmem:s16], [sflag:s10] =	dma.local [hbm:s9], $0x2700  }
0x15: {  	_ =	swait.ge [sflag:s17], $0x2700  }
0x16: {  	[sflag:s17] =	ssyncset.done $0x0  }
0x17: {  	s24 =	simm.s32 @!p0 $0x1;
	[sflag:s17] =	ssyncadd.s32 $0xFFFFD900  }
0x18: {  	[spmem:s18], [sflag:s10] =	dma.local @!p0 [hbm:s11], $0x100  }
0x19: {  	_ =	swait.ge @!p0 [sflag:s24], $0x100  }
0x1a: {  	[sflag:s24] =	ssyncset.done @!p0 $0x0  }
0x1b: {  	[sflag:s24] =	ssyncadd.s32 @!p0 $0xFFFFFF00  }
0x1c: {  	s24 =	simm.s32 $0x0;
	[bflag:$0x0] =	sbarrier.arrive $0xFFFF  }
.LBB2_2:
0x1d: {  	s25 =	smul.u32 $0x50, s24;
	_ =	sdelay $0x1  }
0x1e: {  	s25 =	sadd.s32 s12, s25  }
0x1f: {  	s26 =	sshrl.u32 s25, $0x3  }
0x20: {  	s29 =	simm.s32 $0x0;
	s28 =	sadd.s32 s7, s26  }
0x21: {  	[tilespmem:s19], [sflag:$0x1] =	stream.linear.gather [hbm4b:s28+s29], $0x50, $0x38;
	[tilespmem:$0x18980] =	vst v63  }
0x22: {  	_ =	swait.ge [sflag:s17], $0x50  }
0x23: {  	[sflag:s17] =	ssyncset.done $0x0  }
0x24: {  	s26 =	sadd.s32 s3, s26;
	[sflag:s17] =	ssyncadd.s32 $0xFFFFFFB0  }
0x25: {  	[tilespmem:s20], [sflag:$0x1] =	stream.linear.gather [hbm4b:s26+s29], $0x50, $0x38;
	[tilespmem:$0x18980] =	vst v63  }
0x26: {  	_ =	swait.ge [sflag:s17], $0x50  }
0x27: {  	s25 =	sshll.u32 s25, $0x4;
	[sflag:s17] =	ssyncset.done $0x0  }
0x28: {  	s31 =	sadd.s32 s1, s25;
	[sflag:s17] =	ssyncadd.s32 $0xFFFFFFB0  }
0x29: {  	[tilespmem:s29], [sflag:$0x1] =	stream.linear.gather [hbm4b:s31+s29], $0x2800, $0x38;
	[tilespmem:$0x18980] =	vst v63  }
0x2a: {  	_ =	swait.ge [sflag:s17], $0x2800  }
0x2b: {  	[sflag:s17] =	ssyncset.done $0x0  }
0x2c: {  	[sflag:s17] =	ssyncadd.s32 $0xFFFFD800  }
0x2d: {  	[tilespmem:s22], [sflag:$0x1] =	stream.indirect.gather [hbm4b:s6+s21], $0x80, s19, s21, $0xb8;
	[tilespmem:$0x18980] =	vst v63  }
0x2e: {  	_ =	swait.ge [sflag:s17], $0x2800  }
0x2f: {  	[sflag:s17] =	ssyncset.done $0x0  }
0x30: {  	s26 =	simm.s32 $0x0;
	[sflag:s17] =	ssyncadd.s32 $0xFFFFD800  }
0x31: {  	v6 =	vld [tilespmem:s26+$0x2800]  }
0x32: {  	v11 =	vld [tilespmem:s26+$0x2810]  }
0x33: {  	v5 =	vld [tilespmem:s26+$0x2820]  }
0x34: {  	v4 =	vld [tilespmem:s26+$0x2830]  }
0x35: {  	v3 =	vld [tilespmem:s26+$0x2840]  }
0x36: {  	v2 =	vld [tilespmem:s26+$0x2850]  }
0x37: {  	v1 =	vld [tilespmem:s26+$0x2860]  }
0x38: {  	v0 =	vld [tilespmem:s26+$0x2870]  }
0x39: {  	v12 =	vld [tilespmem:s26+$0x0]  }
0x3a: {  	v13 =	vld [tilespmem:s26+$0x10]  }
0x3b: {  	v10 =	vld [tilespmem:s26+$0x20]  }
0x3c: {  	v9 =	vld [tilespmem:s26+$0x30]  }
0x3d: {  	v8 =	vld [tilespmem:s26+$0x40]  }
0x3e: {  	v7 =	vld [tilespmem:s26+$0x50];
	v12 =	vadd.f32 v6, v12  }
0x3f: {  	s28 =	simm.s32 $0x200;
	v11 =	vadd.f32 v11, v13;
	v6 =	vld [tilespmem:s26+$0x60]  }
.LBB2_3:
0x40: {  	s29 =	sshra.s32 s28, $0x2;
	p1 =	sne.s32 s28, $0x9E00;
	v12 =	vmax.f32 v12, $0.0e+00;
	v5 =	vadd.f32 v5, v10;
	v10 =	vld [tilespmem:s26+$0x70]  }
0x41: {  	v13 =	vld [tilespmem:s29+$0x2800];
	[tilespmem:s26+$0x0] =	vst v12;
	v11 =	vmax.f32 v11, $0.0e+00;
	v4 =	vadd.f32 v4, v9  }
0x42: {  	v14 =	vld [tilespmem:s29+$0x2810];
	[tilespmem:s26+$0x10] =	vst v11;
	v9 =	vmax.f32 v5, $0.0e+00;
	v3 =	vadd.f32 v3, v8  }
0x43: {  	v5 =	vld [tilespmem:s29+$0x2820];
	[tilespmem:s26+$0x20] =	vst v9;
	v8 =	vmax.f32 v4, $0.0e+00;
	v2 =	vadd.f32 v2, v7  }
0x44: {  	v4 =	vld [tilespmem:s29+$0x2830];
	[tilespmem:s26+$0x30] =	vst v8;
	v7 =	vmax.f32 v3, $0.0e+00;
	v1 =	vadd.f32 v1, v6  }
0x45: {  	v3 =	vld [tilespmem:s29+$0x2840];
	[tilespmem:s26+$0x40] =	vst v7;
	v6 =	vmax.f32 v2, $0.0e+00;
	v0 =	vadd.f32 v0, v10  }
0x46: {  	v2 =	vld [tilespmem:s29+$0x2850];
	[tilespmem:s26+$0x50] =	vst v6;
	v6 =	vmax.f32 v1, $0.0e+00  }
0x47: {  	v1 =	vld [tilespmem:s29+$0x2860];
	[tilespmem:s26+$0x60] =	vst v6;
	v6 =	vmax.f32 v0, $0.0e+00  }
0x48: {  	v0 =	vld [tilespmem:s29+$0x2870];
	[tilespmem:s26+$0x70] =	vst v6;
	s26 =	smov.u32 s29  }
0x49: {  	v6 =	vld [tilespmem:s26+$0x0]  }
0x4a: {  	v11 =	vld [tilespmem:s26+$0x10]  }
.Ltmp0:
0x4b: {  	v10 =	vld [tilespmem:s26+$0x20];
	(pc) =	sbr.rel @p1 .LBB2_3-.Ltmp0, $4  }
0x4c: {  	v9 =	vld [tilespmem:s26+$0x30]  }
0x4d: {  	v8 =	vld [tilespmem:s26+$0x40]  }
0x4e: {  	v12 =	vadd.f32 v13, v6;
	v7 =	vld [tilespmem:s26+$0x50]  }
0x4f: {  	s28 =	sadd.s32 $0x200, s28;
	v11 =	vadd.f32 v14, v11;
	v6 =	vld [tilespmem:s26+$0x60]  }
0x50: {  	v12 =	vmax.f32 v12, $0.0e+00;
	v5 =	vadd.f32 v5, v10;
	v63 =	vld [tilespmem:s26+$0x70]  }
0x51: {  	[tilespmem:s26+$0x0] =	vst v12;
	v11 =	vmax.f32 v11, $0.0e+00;
	v4 =	vadd.f32 v4, v9  }
0x52: {  	[tilespmem:s26+$0x10] =	vst v11;
	v5 =	vmax.f32 v5, $0.0e+00;
	v3 =	vadd.f32 v3, v8  }
0x53: {  	[tilespmem:s26+$0x20] =	vst v5;
	v4 =	vmax.f32 v4, $0.0e+00;
	v2 =	vadd.f32 v2, v7  }
0x54: {  	[tilespmem:s26+$0x30] =	vst v4;
	v3 =	vmax.f32 v3, $0.0e+00;
	v1 =	vadd.f32 v1, v6  }
0x55: {  	[tilespmem:s26+$0x40] =	vst v3;
	v2 =	vmax.f32 v2, $0.0e+00;
	v0 =	vadd.f32 v0, v63  }
0x56: {  	[tilespmem:s26+$0x50] =	vst v2;
	v1 =	vmax.f32 v1, $0.0e+00  }
0x57: {  	[tilespmem:s26+$0x60] =	vst v1;
	v0 =	vmax.f32 v0, $0.0e+00  }
0x58: {  	s25 =	sadd.s32 s8, s25;
	[tilespmem:s26+$0x70] =	vst v0  }
0x59: {  	[hbm4b:s25+s5] =	stream.linear.scatter [tilespmem:s5], [sflag:$0x1], $0x2800, $0x38;
	[tilespmem:$0x18980] =	vst v63  }
0x5a: {  	s24 =	sadd.s32 $0x1, s24;
	_ =	swait.ge [sflag:s17], $0x2800  }
0x5b: {  	p1 =	sne.s32 s24, $0x7D;
	[sflag:s17] =	ssyncset.done $0x0  }
.Ltmp1:
0x5c: {  	[sflag:s17] =	ssyncadd.s32 $0xFFFFD800;
	(pc) =	sbr.rel @p1 .LBB2_2-.Ltmp1, $4  }
0x5d: {  	[spmem:s4] =	stream.indirect.scatter.add.f32 [tilespmem:s5], [sflag:$0x1], $0x80, s20, s21, $0xb8;
	[tilespmem:$0x18980] =	vst v63  }
0x5e: {  	_ =	swait.ge [sflag:s17], $0x2800  }
0x5f: {  	[sflag:s17] =	ssyncset.done $0x0  }
0x60: {  	[sflag:s17] =	ssyncadd.s32 $0xFFFFD800  }
0x61: {  	[bflag:$0x0] =	sbarrier.arrive $0xFFFF  }
0x62: {  	[hbm:s13], [sflag:s10] =	dma.local [spmem:s16], $0x2700  }
0x63: {  	s23 =	sadd.s32 $0x1, s23;
	_ =	swait.ge [sflag:s17], $0x2700  }
0x64: {  	p1 =	sne.s32 s23, s15;
	[sflag:s17] =	ssyncset.done $0x0  }
.Ltmp2:
0x65: {  	s24 =	simm.s32 @!p0 $0x1;
	[sflag:s17] =	ssyncadd.s32 $0xFFFFD900;
	(pc) =	sbr.rel @p1 .LBB2_1-.Ltmp2, $4  }
0x66: {  	[hbm:s14], [sflag:s10] =	dma.local @!p0 [spmem:s18], $0x100  }
0x67: {  	_ =	swait.ge @!p0 [sflag:s24], $0x100  }
0x68: {  	[sflag:s24] =	ssyncset.done @!p0 $0x0  }
0x69: {  	[sflag:s24] =	ssyncadd.s32 @!p0 $0xFFFFFF00  }
0x6a: {  	_ =	sfence.sel $0x180000  }
0x6b: {  	[bflag:$0x0] =	sbarrier.arrive $0xFFFF  }
0x6c: {  	p0 =	sne.s32 s2, $0x0;
	_ =	strace $0x90000050  }
0x6d: {  	s0 =	sadd.s32 @!p0 $0x100000, s0;
	[bflag:$0x2] =	sbarrier.arrive $0xFFFF  }
0x6e: {  	[sflag:s0] =	ssyncadd.tile.s32 @!p0 $0x1;
	_ =	shalt  }
.Lfunc_end2:
_tile_overlayer_lowered:
.L_overlay_start_2:
0x6f: {  	(tag) =	ssettag $0x2  }
0x70: {  	s0 =	rddreg [dreg:$0x0];
	s2 =	stileid.u32  }
0x71: {  	s1 =	rddreg [dreg:$0x1];
	p0 =	sne.s32 s2, $0x0  }
0x72: {  	s3 =	rddreg [dreg:$0x2];
	[bflag:$0x3] =	sbarrier.arrive $0xFFFF;
	s2 =	simm.s32 @!p0 $0x1C01  }
0x73: {  	[timem:s3], [sflag:s2] =	dma.local @!p0 [hbm:s0], s1  }
0x74: {  	s0 =	simm.s32 @!p0 $0x1  }
0x75: {  	_ =	swait.ge @!p0 [sflag:s0], s1  }
0x76: {  	s1 =	ssub.s32 @!p0 $0x0, s1;
	[sflag:s0] =	ssyncset.done @!p0 $0x0  }
0x77: {  	[sflag:s0] =	ssyncadd.s32 @!p0 s1  }
0x78: {  	[bflag:$0x3] =	sbarrier.arrive $0xFFFF  }
0x79: {  	_ =	shalt  }

</sc_bundles>
